<compile_context>
chip_gen: v7x
topology: tpu7x:2x2x1
jax: 0.10.2.dev20260603
libtpu: 0.0.44.dev20260713+nightly
codegen_flags: <defaults>
</compile_context>

<pallas_src>
import functools

import jax
import jax.numpy as jnp
from jax import lax
from jax.experimental import pallas as pl
from jax.experimental.pallas import tpu as pltpu
from jax.experimental.pallas import tpu_sc as plsc

N_TOK = 16384
BATCH = 8
OUT_LEN = 4096
D_FEAT = 256
PTS_OUT = 3

T = 256
W = 248
R = 256
KMAX = 5
TILES_PER_STEP = 4

_SC_WORKERS = 16
_SC_CHUNK = N_TOK // _SC_WORKERS
_LANES = 16
_JW = OUT_LEN // _SC_WORKERS


def _sc_points_body(batch_hbm, pts_hbm, out_hbm,
                    slice_v, cnt_v, meta_v, pts_v, stage_v, shared, all_v):
    cid = lax.axis_index("c")
    sid = lax.axis_index("s")
    lane = lax.iota(jnp.int32, _LANES)

    @pl.when(cid == 0)
    def _count():
        pltpu.sync_copy(pts_hbm, pts_v)
        pltpu.sync_copy(batch_hbm.at[pl.ds(sid * _SC_CHUNK, _SC_CHUNK)], slice_v)
        counts = jnp.zeros((_LANES,), jnp.int32)
        for b in range(BATCH):
            def step(i, vacc, b=b):
                v = slice_v[pl.ds(i * _LANES, _LANES)]
                return vacc + (v == b).astype(jnp.int32)
            vacc = lax.fori_loop(0, _SC_CHUNK // _LANES, step,
                                 jnp.zeros((_LANES,), jnp.int32))
            counts = counts + jnp.where(lane == b, jnp.sum(vacc), 0)
        cnt_v[...] = counts
        pltpu.sync_copy(cnt_v, shared.at[pl.ds(sid * _LANES, _LANES)])

    plsc.subcore_barrier()

    @pl.when((cid == 0) & (sid == 0))
    def _reduce():
        pltpu.sync_copy(shared, all_v)
        total = jnp.zeros((_LANES,), jnp.int32)
        for w in range(_SC_WORKERS):
            total = total + all_v[pl.ds(w * _LANES, _LANES)]
        meta_v[pl.ds(0, _LANES)] = total
        meta_v[pl.ds(_LANES, _LANES)] = plsc.cumsum(total) - total
        pltpu.sync_copy(meta_v, shared.at[pl.ds(0, 2 * _LANES)])

    plsc.subcore_barrier()

    @pl.when(cid == 0)
    def _points():
        pltpu.sync_copy(shared.at[pl.ds(0, 2 * _LANES)], meta_v)
        cv = meta_v[pl.ds(0, _LANES)]
        sv = meta_v[pl.ds(_LANES, _LANES)]
        j_base = sid * _JW
        for b in range(BATCH):
            n = jnp.sum(jnp.where(lane == b, cv, 0))
            s = jnp.sum(jnp.where(lane == b, sv, 0))
            nm1 = n - 1

            def group(g, carry, b=b, n=n, s=s, nm1=nm1):
                js = j_base + g * _LANES + lane
                src = jnp.minimum((js * n) >> 12, nm1)
                gidx = s + src
                gidx = jnp.where(gidx < 0, gidx + N_TOK, gidx)
                idx4 = gidx * 4
                for c in range(PTS_OUT):
                    val = plsc.load_gather(pts_v, [idx4 + c])
                    stage_v[pl.ds((b * PTS_OUT + c) * _JW + g * _LANES,
                                  _LANES)] = val
                return carry

            lax.fori_loop(0, _JW // _LANES, group, jnp.int32(0))
        for b in range(BATCH):
            for c in range(PTS_OUT):
                row = b * PTS_OUT + c
                pltpu.sync_copy(
                    stage_v.at[pl.ds(row * _JW, _JW)],
                    out_hbm.at[pl.ds(row * OUT_LEN + j_base, _JW)])


def _sc_points(batch32, pts_flat):
    mesh = plsc.VectorSubcoreMesh(core_axis_name="c", subcore_axis_name="s")
    f = functools.partial(
        pl.kernel,
        out_type=jax.ShapeDtypeStruct((BATCH * PTS_OUT * OUT_LEN,),
                                      jnp.float32),
        mesh=mesh,
        compiler_params=pltpu.CompilerParams(needs_layout_passes=False),
        scratch_types=[
            pltpu.VMEM((_SC_CHUNK,), jnp.int32),
            pltpu.VMEM((_LANES,), jnp.int32),
            pltpu.VMEM((2 * _LANES,), jnp.int32),
            pltpu.VMEM((N_TOK * 4,), jnp.float32),
            pltpu.VMEM((BATCH * PTS_OUT * _JW,), jnp.float32),
            pltpu.VMEM_SHARED((_SC_WORKERS * _LANES,), jnp.int32),
            pltpu.VMEM((_SC_WORKERS * _LANES,), jnp.int32),
        ],
    )(_sc_points_body)
    return f(batch32, pts_flat)


def _gather_body(batch_ref, feat_ref, out_f_ref):
    b = pl.program_id(0)
    t = pl.program_id(1)
    bv = batch_ref[...]
    n = jnp.sum((bv == b).astype(jnp.int32))
    s = jnp.sum((bv < b).astype(jnp.int32))
    nm1 = n - 1

    for u in range(TILES_PER_STEP):
        j0 = (t * TILES_PER_STEP + u) * T

        src0 = jnp.minimum((j0 * n) >> 12, nm1)
        srcl = jnp.minimum(((j0 + T - 1) * n) >> 12, nm1)
        lo = s + src0
        hi = s + srcl
        lo = jnp.where(lo < 0, lo + N_TOK, lo)
        hi = jnp.where(hi < 0, hi + N_TOK, hi)

        js = j0 + lax.broadcasted_iota(jnp.int32, (1, T), 1)
        srcv = jnp.minimum((js * n) >> 12, nm1)
        gv = s + srcv
        gv = jnp.where(gv < 0, gv + N_TOK, gv)

        def window(k, lo=lo, gv=gv):
            w0 = lo + k * W
            base = jnp.minimum(w0, N_TOK - R)
            base8 = pl.multiple_of((base >> 3) << 3, 8)
            member = (gv >= w0) & (gv < w0 + W)
            loc = gv - base8
            iota_r = lax.broadcasted_iota(jnp.int32, (R, T), 0)
            sel = jnp.where((iota_r == loc) & member,
                            1.0, 0.0).astype(jnp.bfloat16)
            chunk = feat_ref[pl.ds(base8, R), :].astype(jnp.bfloat16)
            return lax.dot_general(chunk, sel, (((0,), (0,)), ((), ())),
                                   preferred_element_type=jnp.float32)

        col = pl.ds(u * T, T)
        out_f_ref[0, :, col] = window(0)
        for k in range(1, KMAX):
            @pl.when(lo + k * W <= hi)
            def _extra(k=k, lo=lo, gv=gv, col=col):
                out_f_ref[0, :, col] += window(k, lo, gv)


def _gather_transpose(batch2d, feat, interpret=False):
    tstep = T * TILES_PER_STEP
    return pl.pallas_call(
        _gather_body,
        grid=(BATCH, OUT_LEN // tstep),
        in_specs=[
            pl.BlockSpec((N_TOK // 128, 128), lambda i, j: (0, 0)),
            pl.BlockSpec((N_TOK, D_FEAT), lambda i, j: (0, 0)),
        ],
        out_specs=pl.BlockSpec((1, D_FEAT, tstep), lambda i, j: (i, 0, j)),
        out_shape=jax.ShapeDtypeStruct((BATCH, D_FEAT, OUT_LEN), jnp.float32),
        interpret=interpret,
    )(batch2d, feat)


def kernel(points_x, point_features, batch):
    batch32 = batch.astype(jnp.int32)
    batch2d = batch32.reshape(N_TOK // 128, 128)
    out_p = _sc_points(batch32, points_x.reshape(-1))
    out_f = _gather_transpose(batch2d, point_features)
    return (out_p.reshape(BATCH, PTS_OUT, OUT_LEN), out_f)

# --- scband reference (transcript-rebuilt; emitter-appended) ---
"""Pipeline reference for scband-upsample-reshape-unit-15290083573883 (READ-ONLY COPY).

The authoritative reference and input builder live on the scoring server;
editing this copy changes nothing except your own understanding.
"""

import jax, jax.numpy as jnp
import numpy as np

NUM_UPSAMPLE_UNIT = 1
LIDAR_POINTS = 8192
D_FEAT = 256
N_TOKENS = 16384
BATCH = 8


def setup_inputs(seed: int = 0) -> dict:
    key = jax.random.key(seed)
    k1, k2, k3 = jax.random.split(key, 3)
    points_x = jax.random.normal(k1, (N_TOKENS, 4), dtype=jnp.float32)
    point_features = jax.random.normal(k2, (N_TOKENS, D_FEAT), dtype=jnp.float32)
    batch = jnp.sort(jax.random.randint(k3, (N_TOKENS,), 0, BATCH).astype(jnp.int64))
    return {"points_x": points_x, "point_features": point_features, "batch": batch}


def _nearest_idx(n, out_len):
    # torch nn.Upsample(mode='nearest') source index: floor(dst / scale) with scale=out_len/n
    return np.minimum((np.arange(out_len) * n) // out_len, n - 1)


def reference(points_x, point_features, batch):
    scale = 2 ** NUM_UPSAMPLE_UNIT
    out_len = LIDAR_POINTS // scale
    B = BATCH
    ids = jnp.arange(B, dtype=batch.dtype)
    counts = jnp.sum(batch[None, :] == ids[:, None], axis=1)
    starts = jnp.concatenate(
        [jnp.zeros((1,), counts.dtype), jnp.cumsum(counts)[:-1]]
    )
    dst = jnp.arange(out_len)
    src = jnp.minimum((dst[None, :] * counts[:, None]) // out_len, counts[:, None] - 1)
    gidx = starts[:, None] + src
    # feature: [n_i, d] -> gather/duplicate -> [d, out_len]
    output_feature = jnp.transpose(point_features[gidx], (0, 2, 1))
    # point xyz: [n_i, 3] -> [3, out_len]
    output_point = jnp.transpose(points_x[gidx, :3], (0, 2, 1))
    return (output_point, output_feature)

if __name__ == "__main__":
    import jax
    _d = setup_inputs()
    print(jax.jit(kernel)(*tuple(_d.values())))

</pallas_src>

<mosaic_0001>
#map = affine_map<(d0, d1) -> (0)>
module attributes {stable_mosaic.version = 14 : i64} {
  func.func @_sc_points_body(%arg0: i32, %arg1: i32, %arg2: memref<16384xi32, #tpu.memory_space<hbm>>, %arg3: memref<65536xf32, #tpu.memory_space<hbm>>, %arg4: memref<98304xf32, #tpu.memory_space<hbm>>, %arg5: memref<1024xi32, #tpu.memory_space<vmem>>, %arg6: memref<16xi32, #tpu.memory_space<vmem>>, %arg7: memref<32xi32, #tpu.memory_space<vmem>>, %arg8: memref<65536xf32, #tpu.memory_space<vmem>>, %arg9: memref<6144xf32, #tpu.memory_space<vmem>>, %arg10: memref<256xi32, #tpu.memory_space<vmem_shared>>, %arg11: memref<256xi32, #tpu.memory_space<vmem>>) attributes {dimension_semantics = [#tpu.dimension_semantics<core_parallel>, #tpu.dimension_semantics<subcore_parallel>], iteration_bounds = array<i64: 2, 16>, scalar_prefetch = 0 : i64, scratch_operands = 7 : i64, tpu.core_type = #tpu.core_type<sc_vector_subcore>, window_params = [{transform_indices = #map}, {transform_indices = #map}, {transform_indices = #map}]} {
    %iota3A = tpu.iota {dimensions = array<i32: 0>} : vector<16xi32>
    %eq3A = arith.constant 0 : i32
    %eq3A_0 = arith.cmpi eq, %arg0, %eq3A : i32
    %convert_element_type3A = arith.extui %eq3A_0 : i1 to i32
    %cond3A = arith.constant 0 : i32
    %cond3A_1 = arith.cmpi ne, %convert_element_type3A, %cond3A : i32
    scf.if %cond3A_1 {
      "tpu.region"() ({
        %run_scoped3A = tpu.sem_alloc : memref<!tpu.dma_semaphore, #tpu.memory_space<semaphore_mem>>
        tpu.enqueue_dma source(%arg3 : memref<65536xf32, #tpu.memory_space<hbm>>) target(%arg8 : memref<65536xf32, #tpu.memory_space<vmem>>) target_semaphore(%run_scoped3A : memref<!tpu.dma_semaphore, #tpu.memory_space<semaphore_mem>>)
        tpu.wait_dma2 semaphore(%run_scoped3A : memref<!tpu.dma_semaphore, #tpu.memory_space<semaphore_mem>>) src(%arg3 : memref<65536xf32, #tpu.memory_space<hbm>>) dst(%arg8 : memref<65536xf32, #tpu.memory_space<vmem>>)
        tpu.yield
      }) : () -> ()
      %mul3A = arith.constant 1024 : i32
      %mul3A_15 = arith.muli %arg1, %mul3A : i32
      "tpu.region"() ({
        %run_scoped3A = tpu.sem_alloc : memref<!tpu.dma_semaphore, #tpu.memory_space<semaphore_mem>>
        %dma_start3A = tpu.memref_slice %arg2[%mul3A_15] : memref<16384xi32, #tpu.memory_space<hbm>> -> memref<1024xi32, #tpu.memory_space<hbm>>
        %dma_start3A_175 = tpu.memref_slice %arg2[%mul3A_15] : memref<16384xi32, #tpu.memory_space<hbm>> -> memref<1024xi32, #tpu.memory_space<hbm>>
        tpu.enqueue_dma source(%dma_start3A_175 : memref<1024xi32, #tpu.memory_space<hbm>>) target(%arg5 : memref<1024xi32, #tpu.memory_space<vmem>>) target_semaphore(%run_scoped3A : memref<!tpu.dma_semaphore, #tpu.memory_space<semaphore_mem>>)
        %dma_wait3A = tpu.memref_slice %arg2[%mul3A_15] : memref<16384xi32, #tpu.memory_space<hbm>> -> memref<1024xi32, #tpu.memory_space<hbm>>
        %dma_wait3A_176 = tpu.memref_slice %arg2[%mul3A_15] : memref<16384xi32, #tpu.memory_space<hbm>> -> memref<1024xi32, #tpu.memory_space<hbm>>
        tpu.wait_dma2 semaphore(%run_scoped3A : memref<!tpu.dma_semaphore, #tpu.memory_space<semaphore_mem>>) src(%dma_wait3A_176 : memref<1024xi32, #tpu.memory_space<hbm>>) dst(%arg5 : memref<1024xi32, #tpu.memory_space<vmem>>)
        tpu.yield
      }) : () -> ()
      %broadcast_in_dim3A = arith.constant 0 : i32
      %broadcast_in_dim3A_16 = vector.broadcast %broadcast_in_dim3A : i32 to vector<16xi32>
      %broadcast_in_dim3A_17 = arith.constant 0 : i32
      %broadcast_in_dim3A_18 = vector.broadcast %broadcast_in_dim3A_17 : i32 to vector<16xi32>
      %scan3A = arith.constant 0 : i32
      %scan3A_19 = arith.constant 64 : i32
      %scan3A_20 = arith.addi %scan3A, %scan3A_19 : i32
      %scan3A_21 = arith.constant 1 : i32
      %scan3A_22 = scf.for %scan3A_175 = %scan3A to %scan3A_20 step %scan3A_21 iter_args(%scan3A_176 = %broadcast_in_dim3A_18) -> (vector<16xi32>)  : i32 {
        %mul3A_177 = arith.constant 16 : i32
        %mul3A_178 = arith.muli %scan3A_175, %mul3A_177 : i32
        %get3A = arith.index_cast %mul3A_178 : i32 to index
        %get3A_179 = tpu.vector_load %arg5[%get3A] {strides = array<i32>} : memref<1024xi32, #tpu.memory_space<vmem>>, vector<16xi32>,
        %eq3A_180 = arith.constant 0 : i32
        %eq3A_181 = vector.broadcast %eq3A_180 : i32 to vector<16xi32>
        %eq3A_182 = arith.cmpi eq, %get3A_179, %eq3A_181 : vector<16xi32>
        %convert_element_type3A_183 = arith.extui %eq3A_182 : vector<16xi1> to vector<16xi32>
        %add3A_184 = arith.addi %scan3A_176, %convert_element_type3A_183 : vector<16xi32>
        scf.yield %add3A_184 : vector<16xi32>
      }
      %scan3A_23 = arith.constant 64 : i32
      %eq3A_24 = arith.constant 0 : i32
      %eq3A_25 = vector.broadcast %eq3A_24 : i32 to vector<16xi32>
      %eq3A_26 = arith.cmpi eq, %iota3A, %eq3A_25 : vector<16xi32>
      %reduce_sum3A = arith.constant true
      %reduce_sum3A_27 = vector.broadcast %reduce_sum3A : i1 to vector<16xi1>
      %reduce_sum3A_28 = tpu.scan <sum>, %scan3A_22 masked %reduce_sum3A_27 : vector<16xi32>, vector<16xi1> -> vector<16xi32>
      %reduce_sum3A_29 = vector.extract %reduce_sum3A_28[15] : i32 from vector<16xi32>
      %jit3A = arith.constant 0 : i32
      %broadcast_in_dim3A_30 = vector.broadcast %reduce_sum3A_29 : i32 to vector<16xi32>
      %broadcast_in_dim3A_31 = vector.broadcast %jit3A : i32 to vector<16xi32>
      %select_n3A = arith.select %eq3A_26, %broadcast_in_dim3A_30, %broadcast_in_dim3A_31 : vector<16xi1>, vector<16xi32>
      %add3A = arith.addi %broadcast_in_dim3A_16, %select_n3A : vector<16xi32>
      %broadcast_in_dim3A_32 = arith.constant 0 : i32
      %broadcast_in_dim3A_33 = vector.broadcast %broadcast_in_dim3A_32 : i32 to vector<16xi32>
      %scan3A_34 = arith.constant 0 : i32
      %scan3A_35 = arith.constant 64 : i32
      %scan3A_36 = arith.addi %scan3A_34, %scan3A_35 : i32
      %scan3A_37 = arith.constant 1 : i32
      %scan3A_38 = scf.for %scan3A_175 = %scan3A_34 to %scan3A_36 step %scan3A_37 iter_args(%scan3A_176 = %broadcast_in_dim3A_33) -> (vector<16xi32>)  : i32 {
        %mul3A_177 = arith.constant 16 : i32
        %mul3A_178 = arith.muli %scan3A_175, %mul3A_177 : i32
        %get3A = arith.index_cast %mul3A_178 : i32 to index
        %get3A_179 = tpu.vector_load %arg5[%get3A] {strides = array<i32>} : memref<1024xi32, #tpu.memory_space<vmem>>, vector<16xi32>,
        %eq3A_180 = arith.constant 1 : i32
        %eq3A_181 = vector.broadcast %eq3A_180 : i32 to vector<16xi32>
        %eq3A_182 = arith.cmpi eq, %get3A_179, %eq3A_181 : vector<16xi32>
        %convert_element_type3A_183 = arith.extui %eq3A_182 : vector<16xi1> to vector<16xi32>
        %add3A_184 = arith.addi %scan3A_176, %convert_element_type3A_183 : vector<16xi32>
        scf.yield %add3A_184 : vector<16xi32>
      }
      %scan3A_39 = arith.constant 64 : i32
      %eq3A_40 = arith.constant 1 : i32
      %eq3A_41 = vector.broadcast %eq3A_40 : i32 to vector<16xi32>
      %eq3A_42 = arith.cmpi eq, %iota3A, %eq3A_41 : vector<16xi32>
      %reduce_sum3A_43 = arith.constant true
      %reduce_sum3A_44 = vector.broadcast %reduce_sum3A_43 : i1 to vector<16xi1>
      %reduce_sum3A_45 = tpu.scan <sum>, %scan3A_38 masked %reduce_sum3A_44 : vector<16xi32>, vector<16xi1> -> vector<16xi32>
      %reduce_sum3A_46 = vector.extract %reduce_sum3A_45[15] : i32 from vector<16xi32>
      %jit3A_47 = arith.constant 0 : i32
      %broadcast_in_dim3A_48 = vector.broadcast %reduce_sum3A_46 : i32 to vector<16xi32>
      %broadcast_in_dim3A_49 = vector.broadcast %jit3A_47 : i32 to vector<16xi32>
      %select_n3A_50 = arith.select %eq3A_42, %broadcast_in_dim3A_48, %broadcast_in_dim3A_49 : vector<16xi1>, vector<16xi32>
      %add3A_51 = arith.addi %add3A, %select_n3A_50 : vector<16xi32>
      %broadcast_in_dim3A_52 = arith.constant 0 : i32
      %broadcast_in_dim3A_53 = vector.broadcast %broadcast_in_dim3A_52 : i32 to vector<16xi32>
      %scan3A_54 = arith.constant 0 : i32
      %scan3A_55 = arith.constant 64 : i32
      %scan3A_56 = arith.addi %scan3A_54, %scan3A_55 : i32
      %scan3A_57 = arith.constant 1 : i32
      %scan3A_58 = scf.for %scan3A_175 = %scan3A_54 to %scan3A_56 step %scan3A_57 iter_args(%scan3A_176 = %broadcast_in_dim3A_53) -> (vector<16xi32>)  : i32 {
        %mul3A_177 = arith.constant 16 : i32
        %mul3A_178 = arith.muli %scan3A_175, %mul3A_177 : i32
        %get3A = arith.index_cast %mul3A_178 : i32 to index
        %get3A_179 = tpu.vector_load %arg5[%get3A] {strides = array<i32>} : memref<1024xi32, #tpu.memory_space<vmem>>, vector<16xi32>,
        %eq3A_180 = arith.constant 2 : i32
        %eq3A_181 = vector.broadcast %eq3A_180 : i32 to vector<16xi32>
        %eq3A_182 = arith.cmpi eq, %get3A_179, %eq3A_181 : vector<16xi32>
        %convert_element_type3A_183 = arith.extui %eq3A_182 : vector<16xi1> to vector<16xi32>
        %add3A_184 = arith.addi %scan3A_176, %convert_element_type3A_183 : vector<16xi32>
        scf.yield %add3A_184 : vector<16xi32>
      }
      %scan3A_59 = arith.constant 64 : i32
      %eq3A_60 = arith.constant 2 : i32
      %eq3A_61 = vector.broadcast %eq3A_60 : i32 to vector<16xi32>
      %eq3A_62 = arith.cmpi eq, %iota3A, %eq3A_61 : vector<16xi32>
      %reduce_sum3A_63 = arith.constant true
      %reduce_sum3A_64 = vector.broadcast %reduce_sum3A_63 : i1 to vector<16xi1>
      %reduce_sum3A_65 = tpu.scan <sum>, %scan3A_58 masked %reduce_sum3A_64 : vector<16xi32>, vector<16xi1> -> vector<16xi32>
      %reduce_sum3A_66 = vector.extract %reduce_sum3A_65[15] : i32 from vector<16xi32>
      %jit3A_67 = arith.constant 0 : i32
      %broadcast_in_dim3A_68 = vector.broadcast %reduce_sum3A_66 : i32 to vector<16xi32>
      %broadcast_in_dim3A_69 = vector.broadcast %jit3A_67 : i32 to vector<16xi32>
      %select_n3A_70 = arith.select %eq3A_62, %broadcast_in_dim3A_68, %broadcast_in_dim3A_69 : vector<16xi1>, vector<16xi32>
      %add3A_71 = arith.addi %add3A_51, %select_n3A_70 : vector<16xi32>
      %broadcast_in_dim3A_72 = arith.constant 0 : i32
      %broadcast_in_dim3A_73 = vector.broadcast %broadcast_in_dim3A_72 : i32 to vector<16xi32>
      %scan3A_74 = arith.constant 0 : i32
      %scan3A_75 = arith.constant 64 : i32
      %scan3A_76 = arith.addi %scan3A_74, %scan3A_75 : i32
      %scan3A_77 = arith.constant 1 : i32
      %scan3A_78 = scf.for %scan3A_175 = %scan3A_74 to %scan3A_76 step %scan3A_77 iter_args(%scan3A_176 = %broadcast_in_dim3A_73) -> (vector<16xi32>)  : i32 {
        %mul3A_177 = arith.constant 16 : i32
        %mul3A_178 = arith.muli %scan3A_175, %mul3A_177 : i32
        %get3A = arith.index_cast %mul3A_178 : i32 to index
        %get3A_179 = tpu.vector_load %arg5[%get3A] {strides = array<i32>} : memref<1024xi32, #tpu.memory_space<vmem>>, vector<16xi32>,
        %eq3A_180 = arith.constant 3 : i32
        %eq3A_181 = vector.broadcast %eq3A_180 : i32 to vector<16xi32>
        %eq3A_182 = arith.cmpi eq, %get3A_179, %eq3A_181 : vector<16xi32>
        %convert_element_type3A_183 = arith.extui %eq3A_182 : vector<16xi1> to vector<16xi32>
        %add3A_184 = arith.addi %scan3A_176, %convert_element_type3A_183 : vector<16xi32>
        scf.yield %add3A_184 : vector<16xi32>
      }
      %scan3A_79 = arith.constant 64 : i32
      %eq3A_80 = arith.constant 3 : i32
      %eq3A_81 = vector.broadcast %eq3A_80 : i32 to vector<16xi32>
      %eq3A_82 = arith.cmpi eq, %iota3A, %eq3A_81 : vector<16xi32>
      %reduce_sum3A_83 = arith.constant true
      %reduce_sum3A_84 = vector.broadcast %reduce_sum3A_83 : i1 to vector<16xi1>
      %reduce_sum3A_85 = tpu.scan <sum>, %scan3A_78 masked %reduce_sum3A_84 : vector<16xi32>, vector<16xi1> -> vector<16xi32>
      %reduce_sum3A_86 = vector.extract %reduce_sum3A_85[15] : i32 from vector<16xi32>
      %jit3A_87 = arith.constant 0 : i32
      %broadcast_in_dim3A_88 = vector.broadcast %reduce_sum3A_86 : i32 to vector<16xi32>
      %broadcast_in_dim3A_89 = vector.broadcast %jit3A_87 : i32 to vector<16xi32>
      %select_n3A_90 = arith.select %eq3A_82, %broadcast_in_dim3A_88, %broadcast_in_dim3A_89 : vector<16xi1>, vector<16xi32>
      %add3A_91 = arith.addi %add3A_71, %select_n3A_90 : vector<16xi32>
      %broadcast_in_dim3A_92 = arith.constant 0 : i32
      %broadcast_in_dim3A_93 = vector.broadcast %broadcast_in_dim3A_92 : i32 to vector<16xi32>
      %scan3A_94 = arith.constant 0 : i32
      %scan3A_95 = arith.constant 64 : i32
      %scan3A_96 = arith.addi %scan3A_94, %scan3A_95 : i32
      %scan3A_97 = arith.constant 1 : i32
      %scan3A_98 = scf.for %scan3A_175 = %scan3A_94 to %scan3A_96 step %scan3A_97 iter_args(%scan3A_176 = %broadcast_in_dim3A_93) -> (vector<16xi32>)  : i32 {
        %mul3A_177 = arith.constant 16 : i32
        %mul3A_178 = arith.muli %scan3A_175, %mul3A_177 : i32
        %get3A = arith.index_cast %mul3A_178 : i32 to index
        %get3A_179 = tpu.vector_load %arg5[%get3A] {strides = array<i32>} : memref<1024xi32, #tpu.memory_space<vmem>>, vector<16xi32>,
        %eq3A_180 = arith.constant 4 : i32
        %eq3A_181 = vector.broadcast %eq3A_180 : i32 to vector<16xi32>
        %eq3A_182 = arith.cmpi eq, %get3A_179, %eq3A_181 : vector<16xi32>
        %convert_element_type3A_183 = arith.extui %eq3A_182 : vector<16xi1> to vector<16xi32>
        %add3A_184 = arith.addi %scan3A_176, %convert_element_type3A_183 : vector<16xi32>
        scf.yield %add3A_184 : vector<16xi32>
      }
      %scan3A_99 = arith.constant 64 : i32
      %eq3A_100 = arith.constant 4 : i32
      %eq3A_101 = vector.broadcast %eq3A_100 : i32 to vector<16xi32>
      %eq3A_102 = arith.cmpi eq, %iota3A, %eq3A_101 : vector<16xi32>
      %reduce_sum3A_103 = arith.constant true
      %reduce_sum3A_104 = vector.broadcast %reduce_sum3A_103 : i1 to vector<16xi1>
      %reduce_sum3A_105 = tpu.scan <sum>, %scan3A_98 masked %reduce_sum3A_104 : vector<16xi32>, vector<16xi1> -> vector<16xi32>
      %reduce_sum3A_106 = vector.extract %reduce_sum3A_105[15] : i32 from vector<16xi32>
      %jit3A_107 = arith.constant 0 : i32
      %broadcast_in_dim3A_108 = vector.broadcast %reduce_sum3A_106 : i32 to vector<16xi32>
      %broadcast_in_dim3A_109 = vector.broadcast %jit3A_107 : i32 to vector<16xi32>
      %select_n3A_110 = arith.select %eq3A_102, %broadcast_in_dim3A_108, %broadcast_in_dim3A_109 : vector<16xi1>, vector<16xi32>
      %add3A_111 = arith.addi %add3A_91, %select_n3A_110 : vector<16xi32>
      %broadcast_in_dim3A_112 = arith.constant 0 : i32
      %broadcast_in_dim3A_113 = vector.broadcast %broadcast_in_dim3A_112 : i32 to vector<16xi32>
      %scan3A_114 = arith.constant 0 : i32
      %scan3A_115 = arith.constant 64 : i32
      %scan3A_116 = arith.addi %scan3A_114, %scan3A_115 : i32
      %scan3A_117 = arith.constant 1 : i32
      %scan3A_118 = scf.for %scan3A_175 = %scan3A_114 to %scan3A_116 step %scan3A_117 iter_args(%scan3A_176 = %broadcast_in_dim3A_113) -> (vector<16xi32>)  : i32 {
        %mul3A_177 = arith.constant 16 : i32
        %mul3A_178 = arith.muli %scan3A_175, %mul3A_177 : i32
        %get3A = arith.index_cast %mul3A_178 : i32 to index
        %get3A_179 = tpu.vector_load %arg5[%get3A] {strides = array<i32>} : memref<1024xi32, #tpu.memory_space<vmem>>, vector<16xi32>,
        %eq3A_180 = arith.constant 5 : i32
        %eq3A_181 = vector.broadcast %eq3A_180 : i32 to vector<16xi32>
        %eq3A_182 = arith.cmpi eq, %get3A_179, %eq3A_181 : vector<16xi32>
        %convert_element_type3A_183 = arith.extui %eq3A_182 : vector<16xi1> to vector<16xi32>
        %add3A_184 = arith.addi %scan3A_176, %convert_element_type3A_183 : vector<16xi32>
        scf.yield %add3A_184 : vector<16xi32>
      }
      %scan3A_119 = arith.constant 64 : i32
      %eq3A_120 = arith.constant 5 : i32
      %eq3A_121 = vector.broadcast %eq3A_120 : i32 to vector<16xi32>
      %eq3A_122 = arith.cmpi eq, %iota3A, %eq3A_121 : vector<16xi32>
      %reduce_sum3A_123 = arith.constant true
      %reduce_sum3A_124 = vector.broadcast %reduce_sum3A_123 : i1 to vector<16xi1>
      %reduce_sum3A_125 = tpu.scan <sum>, %scan3A_118 masked %reduce_sum3A_124 : vector<16xi32>, vector<16xi1> -> vector<16xi32>
      %reduce_sum3A_126 = vector.extract %reduce_sum3A_125[15] : i32 from vector<16xi32>
      %jit3A_127 = arith.constant 0 : i32
      %broadcast_in_dim3A_128 = vector.broadcast %reduce_sum3A_126 : i32 to vector<16xi32>
      %broadcast_in_dim3A_129 = vector.broadcast %jit3A_127 : i32 to vector<16xi32>
      %select_n3A_130 = arith.select %eq3A_122, %broadcast_in_dim3A_128, %broadcast_in_dim3A_129 : vector<16xi1>, vector<16xi32>
      %add3A_131 = arith.addi %add3A_111, %select_n3A_130 : vector<16xi32>
      %broadcast_in_dim3A_132 = arith.constant 0 : i32
      %broadcast_in_dim3A_133 = vector.broadcast %broadcast_in_dim3A_132 : i32 to vector<16xi32>
      %scan3A_134 = arith.constant 0 : i32
      %scan3A_135 = arith.constant 64 : i32
      %scan3A_136 = arith.addi %scan3A_134, %scan3A_135 : i32
      %scan3A_137 = arith.constant 1 : i32
      %scan3A_138 = scf.for %scan3A_175 = %scan3A_134 to %scan3A_136 step %scan3A_137 iter_args(%scan3A_176 = %broadcast_in_dim3A_133) -> (vector<16xi32>)  : i32 {
        %mul3A_177 = arith.constant 16 : i32
        %mul3A_178 = arith.muli %scan3A_175, %mul3A_177 : i32
        %get3A = arith.index_cast %mul3A_178 : i32 to index
        %get3A_179 = tpu.vector_load %arg5[%get3A] {strides = array<i32>} : memref<1024xi32, #tpu.memory_space<vmem>>, vector<16xi32>,
        %eq3A_180 = arith.constant 6 : i32
        %eq3A_181 = vector.broadcast %eq3A_180 : i32 to vector<16xi32>
        %eq3A_182 = arith.cmpi eq, %get3A_179, %eq3A_181 : vector<16xi32>
        %convert_element_type3A_183 = arith.extui %eq3A_182 : vector<16xi1> to vector<16xi32>
        %add3A_184 = arith.addi %scan3A_176, %convert_element_type3A_183 : vector<16xi32>
        scf.yield %add3A_184 : vector<16xi32>
      }
      %scan3A_139 = arith.constant 64 : i32
      %eq3A_140 = arith.constant 6 : i32
      %eq3A_141 = vector.broadcast %eq3A_140 : i32 to vector<16xi32>
      %eq3A_142 = arith.cmpi eq, %iota3A, %eq3A_141 : vector<16xi32>
      %reduce_sum3A_143 = arith.constant true
      %reduce_sum3A_144 = vector.broadcast %reduce_sum3A_143 : i1 to vector<16xi1>
      %reduce_sum3A_145 = tpu.scan <sum>, %scan3A_138 masked %reduce_sum3A_144 : vector<16xi32>, vector<16xi1> -> vector<16xi32>
      %reduce_sum3A_146 = vector.extract %reduce_sum3A_145[15] : i32 from vector<16xi32>
      %jit3A_147 = arith.constant 0 : i32
      %broadcast_in_dim3A_148 = vector.broadcast %reduce_sum3A_146 : i32 to vector<16xi32>
      %broadcast_in_dim3A_149 = vector.broadcast %jit3A_147 : i32 to vector<16xi32>
      %select_n3A_150 = arith.select %eq3A_142, %broadcast_in_dim3A_148, %broadcast_in_dim3A_149 : vector<16xi1>, vector<16xi32>
      %add3A_151 = arith.addi %add3A_131, %select_n3A_150 : vector<16xi32>
      %broadcast_in_dim3A_152 = arith.constant 0 : i32
      %broadcast_in_dim3A_153 = vector.broadcast %broadcast_in_dim3A_152 : i32 to vector<16xi32>
      %scan3A_154 = arith.constant 0 : i32
      %scan3A_155 = arith.constant 64 : i32
      %scan3A_156 = arith.addi %scan3A_154, %scan3A_155 : i32
      %scan3A_157 = arith.constant 1 : i32
      %scan3A_158 = scf.for %scan3A_175 = %scan3A_154 to %scan3A_156 step %scan3A_157 iter_args(%scan3A_176 = %broadcast_in_dim3A_153) -> (vector<16xi32>)  : i32 {
        %mul3A_177 = arith.constant 16 : i32
        %mul3A_178 = arith.muli %scan3A_175, %mul3A_177 : i32
        %get3A = arith.index_cast %mul3A_178 : i32 to index
        %get3A_179 = tpu.vector_load %arg5[%get3A] {strides = array<i32>} : memref<1024xi32, #tpu.memory_space<vmem>>, vector<16xi32>,
        %eq3A_180 = arith.constant 7 : i32
        %eq3A_181 = vector.broadcast %eq3A_180 : i32 to vector<16xi32>
        %eq3A_182 = arith.cmpi eq, %get3A_179, %eq3A_181 : vector<16xi32>
        %convert_element_type3A_183 = arith.extui %eq3A_182 : vector<16xi1> to vector<16xi32>
        %add3A_184 = arith.addi %scan3A_176, %convert_element_type3A_183 : vector<16xi32>
        scf.yield %add3A_184 : vector<16xi32>
      }
      %scan3A_159 = arith.constant 64 : i32
      %eq3A_160 = arith.constant 7 : i32
      %eq3A_161 = vector.broadcast %eq3A_160 : i32 to vector<16xi32>
      %eq3A_162 = arith.cmpi eq, %iota3A, %eq3A_161 : vector<16xi32>
      %reduce_sum3A_163 = arith.constant true
      %reduce_sum3A_164 = vector.broadcast %reduce_sum3A_163 : i1 to vector<16xi1>
      %reduce_sum3A_165 = tpu.scan <sum>, %scan3A_158 masked %reduce_sum3A_164 : vector<16xi32>, vector<16xi1> -> vector<16xi32>
      %reduce_sum3A_166 = vector.extract %reduce_sum3A_165[15] : i32 from vector<16xi32>
      %jit3A_167 = arith.constant 0 : i32
      %broadcast_in_dim3A_168 = vector.broadcast %reduce_sum3A_166 : i32 to vector<16xi32>
      %broadcast_in_dim3A_169 = vector.broadcast %jit3A_167 : i32 to vector<16xi32>
      %select_n3A_170 = arith.select %eq3A_162, %broadcast_in_dim3A_168, %broadcast_in_dim3A_169 : vector<16xi1>, vector<16xi32>
      %add3A_171 = arith.addi %add3A_151, %select_n3A_170 : vector<16xi32>
      %swap3A = arith.constant 0 : index
      %swap3A_172 = tpu.vector_load %arg6[%swap3A] {strides = array<i32>} : memref<16xi32, #tpu.memory_space<vmem>>, vector<16xi32>,
      tpu.vector_store %arg6[%swap3A], %add3A_171 {strides = array<i32>} : memref<16xi32, #tpu.memory_space<vmem>>, vector<16xi32>,
      %mul3A_173 = arith.constant 16 : i32
      %mul3A_174 = arith.muli %arg1, %mul3A_173 : i32
      "tpu.region"() ({
        %run_scoped3A = tpu.sem_alloc : memref<!tpu.dma_semaphore, #tpu.memory_space<semaphore_mem>>
        %dma_start3A = tpu.memref_slice %arg10[%mul3A_174] : memref<256xi32, #tpu.memory_space<vmem_shared>> -> memref<16xi32, #tpu.memory_space<vmem_shared>>
        %dma_start3A_175 = tpu.memref_slice %arg10[%mul3A_174] : memref<256xi32, #tpu.memory_space<vmem_shared>> -> memref<16xi32, #tpu.memory_space<vmem_shared>>
        tpu.enqueue_dma source(%arg6 : memref<16xi32, #tpu.memory_space<vmem>>) target(%dma_start3A_175 : memref<16xi32, #tpu.memory_space<vmem_shared>>) target_semaphore(%run_scoped3A : memref<!tpu.dma_semaphore, #tpu.memory_space<semaphore_mem>>)
        %dma_wait3A = tpu.memref_slice %arg10[%mul3A_174] : memref<256xi32, #tpu.memory_space<vmem_shared>> -> memref<16xi32, #tpu.memory_space<vmem_shared>>
        %dma_wait3A_176 = tpu.memref_slice %arg10[%mul3A_174] : memref<256xi32, #tpu.memory_space<vmem_shared>> -> memref<16xi32, #tpu.memory_space<vmem_shared>>
        tpu.wait_dma2 semaphore(%run_scoped3A : memref<!tpu.dma_semaphore, #tpu.memory_space<semaphore_mem>>) src(%arg6 : memref<16xi32, #tpu.memory_space<vmem>>) dst(%dma_wait3A_176 : memref<16xi32, #tpu.memory_space<vmem_shared>>)
        tpu.yield
      }) : () -> ()
    } else {
    }
    %barrier3A = arith.constant 0 : index
    tpu.barrier barrier_id(%barrier3A)
    %eq3A_2 = arith.constant 0 : i32
    %eq3A_3 = arith.cmpi eq, %arg0, %eq3A_2 : i32
    %eq3A_4 = arith.constant 0 : i32
    %eq3A_5 = arith.cmpi eq, %arg1, %eq3A_4 : i32
    %and3A = arith.andi %eq3A_3, %eq3A_5 : i1
    %convert_element_type3A_6 = arith.extui %and3A : i1 to i32
    %cond3A_7 = arith.constant 0 : i32
    %cond3A_8 = arith.cmpi ne, %convert_element_type3A_6, %cond3A_7 : i32
    scf.if %cond3A_8 {
      "tpu.region"() ({
        %run_scoped3A = tpu.sem_alloc : memref<!tpu.dma_semaphore, #tpu.memory_space<semaphore_mem>>
        tpu.enqueue_dma source(%arg10 : memref<256xi32, #tpu.memory_space<vmem_shared>>) target(%arg11 : memref<256xi32, #tpu.memory_space<vmem>>) target_semaphore(%run_scoped3A : memref<!tpu.dma_semaphore, #tpu.memory_space<semaphore_mem>>)
        tpu.wait_dma2 semaphore(%run_scoped3A : memref<!tpu.dma_semaphore, #tpu.memory_space<semaphore_mem>>) src(%arg10 : memref<256xi32, #tpu.memory_space<vmem_shared>>) dst(%arg11 : memref<256xi32, #tpu.memory_space<vmem>>)
        tpu.yield
      }) : () -> ()
      %broadcast_in_dim3A = arith.constant 0 : i32
      %broadcast_in_dim3A_15 = vector.broadcast %broadcast_in_dim3A : i32 to vector<16xi32>
      %get3A = arith.constant 0 : index
      %get3A_16 = tpu.vector_load %arg11[%get3A] {strides = array<i32>} : memref<256xi32, #tpu.memory_space<vmem>>, vector<16xi32>,
      %add3A = arith.addi %broadcast_in_dim3A_15, %get3A_16 : vector<16xi32>
      %get3A_17 = arith.constant 16 : index
      %get3A_18 = tpu.vector_load %arg11[%get3A_17] {strides = array<i32>} : memref<256xi32, #tpu.memory_space<vmem>>, vector<16xi32>,
      %add3A_19 = arith.addi %add3A, %get3A_18 : vector<16xi32>
      %get3A_20 = arith.constant 32 : index
      %get3A_21 = tpu.vector_load %arg11[%get3A_20] {strides = array<i32>} : memref<256xi32, #tpu.memory_space<vmem>>, vector<16xi32>,
      %add3A_22 = arith.addi %add3A_19, %get3A_21 : vector<16xi32>
      %get3A_23 = arith.constant 48 : index
      %get3A_24 = tpu.vector_load %arg11[%get3A_23] {strides = array<i32>} : memref<256xi32, #tpu.memory_space<vmem>>, vector<16xi32>,
      %add3A_25 = arith.addi %add3A_22, %get3A_24 : vector<16xi32>
      %get3A_26 = arith.constant 64 : index
      %get3A_27 = tpu.vector_load %arg11[%get3A_26] {strides = array<i32>} : memref<256xi32, #tpu.memory_space<vmem>>, vector<16xi32>,
      %add3A_28 = arith.addi %add3A_25, %get3A_27 : vector<16xi32>
      %get3A_29 = arith.constant 80 : index
      %get3A_30 = tpu.vector_load %arg11[%get3A_29] {strides = array<i32>} : memref<256xi32, #tpu.memory_space<vmem>>, vector<16xi32>,
      %add3A_31 = arith.addi %add3A_28, %get3A_30 : vector<16xi32>
      %get3A_32 = arith.constant 96 : index
      %get3A_33 = tpu.vector_load %arg11[%get3A_32] {strides = array<i32>} : memref<256xi32, #tpu.memory_space<vmem>>, vector<16xi32>,
      %add3A_34 = arith.addi %add3A_31, %get3A_33 : vector<16xi32>
      %get3A_35 = arith.constant 112 : index
      %get3A_36 = tpu.vector_load %arg11[%get3A_35] {strides = array<i32>} : memref<256xi32, #tpu.memory_space<vmem>>, vector<16xi32>,
      %add3A_37 = arith.addi %add3A_34, %get3A_36 : vector<16xi32>
      %get3A_38 = arith.constant 128 : index
      %get3A_39 = tpu.vector_load %arg11[%get3A_38] {strides = array<i32>} : memref<256xi32, #tpu.memory_space<vmem>>, vector<16xi32>,
      %add3A_40 = arith.addi %add3A_37, %get3A_39 : vector<16xi32>
      %get3A_41 = arith.constant 144 : index
      %get3A_42 = tpu.vector_load %arg11[%get3A_41] {strides = array<i32>} : memref<256xi32, #tpu.memory_space<vmem>>, vector<16xi32>,
      %add3A_43 = arith.addi %add3A_40, %get3A_42 : vector<16xi32>
      %get3A_44 = arith.constant 160 : index
      %get3A_45 = tpu.vector_load %arg11[%get3A_44] {strides = array<i32>} : memref<256xi32, #tpu.memory_space<vmem>>, vector<16xi32>,
      %add3A_46 = arith.addi %add3A_43, %get3A_45 : vector<16xi32>
      %get3A_47 = arith.constant 176 : index
      %get3A_48 = tpu.vector_load %arg11[%get3A_47] {strides = array<i32>} : memref<256xi32, #tpu.memory_space<vmem>>, vector<16xi32>,
      %add3A_49 = arith.addi %add3A_46, %get3A_48 : vector<16xi32>
      %get3A_50 = arith.constant 192 : index
      %get3A_51 = tpu.vector_load %arg11[%get3A_50] {strides = array<i32>} : memref<256xi32, #tpu.memory_space<vmem>>, vector<16xi32>,
      %add3A_52 = arith.addi %add3A_49, %get3A_51 : vector<16xi32>
      %get3A_53 = arith.constant 208 : index
      %get3A_54 = tpu.vector_load %arg11[%get3A_53] {strides = array<i32>} : memref<256xi32, #tpu.memory_space<vmem>>, vector<16xi32>,
      %add3A_55 = arith.addi %add3A_52, %get3A_54 : vector<16xi32>
      %get3A_56 = arith.constant 224 : index
      %get3A_57 = tpu.vector_load %arg11[%get3A_56] {strides = array<i32>} : memref<256xi32, #tpu.memory_space<vmem>>, vector<16xi32>,
      %add3A_58 = arith.addi %add3A_55, %get3A_57 : vector<16xi32>
      %get3A_59 = arith.constant 240 : index
      %get3A_60 = tpu.vector_load %arg11[%get3A_59] {strides = array<i32>} : memref<256xi32, #tpu.memory_space<vmem>>, vector<16xi32>,
      %add3A_61 = arith.addi %add3A_58, %get3A_60 : vector<16xi32>
      %swap3A = arith.constant 0 : index
      %swap3A_62 = tpu.vector_load %arg7[%swap3A] {strides = array<i32>} : memref<32xi32, #tpu.memory_space<vmem>>, vector<16xi32>,
      tpu.vector_store %arg7[%swap3A], %add3A_61 {strides = array<i32>} : memref<32xi32, #tpu.memory_space<vmem>>, vector<16xi32>,
      %broadcast_in_dim3A_63 = arith.constant true
      %broadcast_in_dim3A_64 = vector.broadcast %broadcast_in_dim3A_63 : i1 to vector<16xi1>
      %masked_cumsum3A = tpu.scan <sum>, %add3A_61 masked %broadcast_in_dim3A_64 : vector<16xi32>, vector<16xi1> -> vector<16xi32>
      %sub3A = arith.subi %masked_cumsum3A, %add3A_61 : vector<16xi32>
      %swap3A_65 = arith.constant 16 : index
      %swap3A_66 = tpu.vector_load %arg7[%swap3A_65] {strides = array<i32>} : memref<32xi32, #tpu.memory_space<vmem>>, vector<16xi32>,
      tpu.vector_store %arg7[%swap3A_65], %sub3A {strides = array<i32>} : memref<32xi32, #tpu.memory_space<vmem>>, vector<16xi32>,
      "tpu.region"() ({
        %run_scoped3A = tpu.sem_alloc : memref<!tpu.dma_semaphore, #tpu.memory_space<semaphore_mem>>
        %dma_start3A = arith.constant 0 : i32
        %dma_start3A_67 = tpu.memref_slice %arg10[%dma_start3A] : memref<256xi32, #tpu.memory_space<vmem_shared>> -> memref<32xi32, #tpu.memory_space<vmem_shared>>
        %dma_start3A_68 = arith.constant 0 : i32
        %dma_start3A_69 = tpu.memref_slice %arg10[%dma_start3A_68] : memref<256xi32, #tpu.memory_space<vmem_shared>> -> memref<32xi32, #tpu.memory_space<vmem_shared>>
        tpu.enqueue_dma source(%arg7 : memref<32xi32, #tpu.memory_space<vmem>>) target(%dma_start3A_69 : memref<32xi32, #tpu.memory_space<vmem_shared>>) target_semaphore(%run_scoped3A : memref<!tpu.dma_semaphore, #tpu.memory_space<semaphore_mem>>)
        %dma_wait3A = arith.constant 0 : i32
        %dma_wait3A_70 = tpu.memref_slice %arg10[%dma_wait3A] : memref<256xi32, #tpu.memory_space<vmem_shared>> -> memref<32xi32, #tpu.memory_space<vmem_shared>>
        %dma_wait3A_71 = arith.constant 0 : i32
        %dma_wait3A_72 = tpu.memref_slice %arg10[%dma_wait3A_71] : memref<256xi32, #tpu.memory_space<vmem_shared>> -> memref<32xi32, #tpu.memory_space<vmem_shared>>
        tpu.wait_dma2 semaphore(%run_scoped3A : memref<!tpu.dma_semaphore, #tpu.memory_space<semaphore_mem>>) src(%arg7 : memref<32xi32, #tpu.memory_space<vmem>>) dst(%dma_wait3A_72 : memref<32xi32, #tpu.memory_space<vmem_shared>>)
        tpu.yield
      }) : () -> ()
    } else {
    }
    %barrier3A_9 = arith.constant 0 : index
    tpu.barrier barrier_id(%barrier3A_9)
    %eq3A_10 = arith.constant 0 : i32
    %eq3A_11 = arith.cmpi eq, %arg0, %eq3A_10 : i32
    %convert_element_type3A_12 = arith.extui %eq3A_11 : i1 to i32
    %cond3A_13 = arith.constant 0 : i32
    %cond3A_14 = arith.cmpi ne, %convert_element_type3A_12, %cond3A_13 : i32
    scf.if %cond3A_14 {
      "tpu.region"() ({
        %run_scoped3A = tpu.sem_alloc : memref<!tpu.dma_semaphore, #tpu.memory_space<semaphore_mem>>
        %dma_start3A = arith.constant 0 : i32
        %dma_start3A_284 = tpu.memref_slice %arg10[%dma_start3A] : memref<256xi32, #tpu.memory_space<vmem_shared>> -> memref<32xi32, #tpu.memory_space<vmem_shared>>
        %dma_start3A_285 = arith.constant 0 : i32
        %dma_start3A_286 = tpu.memref_slice %arg10[%dma_start3A_285] : memref<256xi32, #tpu.memory_space<vmem_shared>> -> memref<32xi32, #tpu.memory_space<vmem_shared>>
        tpu.enqueue_dma source(%dma_start3A_286 : memref<32xi32, #tpu.memory_space<vmem_shared>>) target(%arg7 : memref<32xi32, #tpu.memory_space<vmem>>) target_semaphore(%run_scoped3A : memref<!tpu.dma_semaphore, #tpu.memory_space<semaphore_mem>>)
        %dma_wait3A = arith.constant 0 : i32
        %dma_wait3A_287 = tpu.memref_slice %arg10[%dma_wait3A] : memref<256xi32, #tpu.memory_space<vmem_shared>> -> memref<32xi32, #tpu.memory_space<vmem_shared>>
        %dma_wait3A_288 = arith.constant 0 : i32
        %dma_wait3A_289 = tpu.memref_slice %arg10[%dma_wait3A_288] : memref<256xi32, #tpu.memory_space<vmem_shared>> -> memref<32xi32, #tpu.memory_space<vmem_shared>>
        tpu.wait_dma2 semaphore(%run_scoped3A : memref<!tpu.dma_semaphore, #tpu.memory_space<semaphore_mem>>) src(%dma_wait3A_289 : memref<32xi32, #tpu.memory_space<vmem_shared>>) dst(%arg7 : memref<32xi32, #tpu.memory_space<vmem>>)
        tpu.yield
      }) : () -> ()
      %get3A = arith.constant 0 : index
      %get3A_15 = tpu.vector_load %arg7[%get3A] {strides = array<i32>} : memref<32xi32, #tpu.memory_space<vmem>>, vector<16xi32>,
      %get3A_16 = arith.constant 16 : index
      %get3A_17 = tpu.vector_load %arg7[%get3A_16] {strides = array<i32>} : memref<32xi32, #tpu.memory_space<vmem>>, vector<16xi32>,
      %mul3A = arith.constant 256 : i32
      %mul3A_18 = arith.muli %arg1, %mul3A : i32
      %eq3A_19 = arith.constant 0 : i32
      %eq3A_20 = vector.broadcast %eq3A_19 : i32 to vector<16xi32>
      %eq3A_21 = arith.cmpi eq, %iota3A, %eq3A_20 : vector<16xi32>
      %jit3A = arith.constant 0 : i32
      %broadcast_in_dim3A = vector.broadcast %jit3A : i32 to vector<16xi32>
      %select_n3A = arith.select %eq3A_21, %get3A_15, %broadcast_in_dim3A : vector<16xi1>, vector<16xi32>
      %reduce_sum3A = arith.constant true
      %reduce_sum3A_22 = vector.broadcast %reduce_sum3A : i1 to vector<16xi1>
      %reduce_sum3A_23 = tpu.scan <sum>, %select_n3A masked %reduce_sum3A_22 : vector<16xi32>, vector<16xi1> -> vector<16xi32>
      %reduce_sum3A_24 = vector.extract %reduce_sum3A_23[15] : i32 from vector<16xi32>
      %eq3A_25 = arith.constant 0 : i32
      %eq3A_26 = vector.broadcast %eq3A_25 : i32 to vector<16xi32>
      %eq3A_27 = arith.cmpi eq, %iota3A, %eq3A_26 : vector<16xi32>
      %jit3A_28 = arith.constant 0 : i32
      %broadcast_in_dim3A_29 = vector.broadcast %jit3A_28 : i32 to vector<16xi32>
      %select_n3A_30 = arith.select %eq3A_27, %get3A_17, %broadcast_in_dim3A_29 : vector<16xi1>, vector<16xi32>
      %reduce_sum3A_31 = arith.constant true
      %reduce_sum3A_32 = vector.broadcast %reduce_sum3A_31 : i1 to vector<16xi1>
      %reduce_sum3A_33 = tpu.scan <sum>, %select_n3A_30 masked %reduce_sum3A_32 : vector<16xi32>, vector<16xi1> -> vector<16xi32>
      %reduce_sum3A_34 = vector.extract %reduce_sum3A_33[15] : i32 from vector<16xi32>
      %sub3A = arith.constant 1 : i32
      %sub3A_35 = arith.subi %reduce_sum3A_24, %sub3A : i32
      %scan3A = arith.constant 0 : i32
      %scan3A_36 = arith.constant 0 : i32
      %scan3A_37 = arith.constant 16 : i32
      %scan3A_38 = arith.addi %scan3A_36, %scan3A_37 : i32
      %scan3A_39 = arith.constant 1 : i32
      scf.for %scan3A_284 = %scan3A_36 to %scan3A_38 step %scan3A_39  : i32 {
        %mul3A_285 = arith.constant 16 : i32
        %mul3A_286 = arith.muli %scan3A_284, %mul3A_285 : i32
        %add3A_287 = arith.addi %mul3A_18, %mul3A_286 : i32
        %add3A_288 = vector.broadcast %add3A_287 : i32 to vector<16xi32>
        %add3A_289 = arith.addi %add3A_288, %iota3A : vector<16xi32>
        %mul3A_290 = vector.broadcast %reduce_sum3A_24 : i32 to vector<16xi32>
        %mul3A_291 = arith.muli %add3A_289, %mul3A_290 : vector<16xi32>
        %shift_right_arithmetic3A = arith.constant 12 : i32
        %shift_right_arithmetic3A_292 = vector.broadcast %shift_right_arithmetic3A : i32 to vector<16xi32>
        %shift_right_arithmetic3A_293 = arith.shrsi %mul3A_291, %shift_right_arithmetic3A_292 : vector<16xi32>
        %min3A = vector.broadcast %sub3A_35 : i32 to vector<16xi32>
        %min3A_294 = arith.minsi %shift_right_arithmetic3A_293, %min3A : vector<16xi32>
        %add3A_295 = vector.broadcast %reduce_sum3A_34 : i32 to vector<16xi32>
        %add3A_296 = arith.addi %add3A_295, %min3A_294 : vector<16xi32>
        %lt3A = arith.constant 0 : i32
        %lt3A_297 = vector.broadcast %lt3A : i32 to vector<16xi32>
        %lt3A_298 = arith.cmpi slt, %add3A_296, %lt3A_297 : vector<16xi32>
        %add3A_299 = arith.constant 16384 : i32
        %add3A_300 = vector.broadcast %add3A_299 : i32 to vector<16xi32>
        %add3A_301 = arith.addi %add3A_296, %add3A_300 : vector<16xi32>
        %select_n3A_302 = arith.select %lt3A_298, %add3A_301, %add3A_296 : vector<16xi1>, vector<16xi32>
        %mul3A_303 = arith.constant 4 : i32
        %mul3A_304 = vector.broadcast %mul3A_303 : i32 to vector<16xi32>
        %mul3A_305 = arith.muli %select_n3A_302, %mul3A_304 : vector<16xi32>
        %add3A_306 = arith.constant 0 : i32
        %add3A_307 = vector.broadcast %add3A_306 : i32 to vector<16xi32>
        %add3A_308 = arith.addi %mul3A_305, %add3A_307 : vector<16xi32>
        %gather3A = tpu.vector_load_idx %arg8[%add3A_308] : memref<65536xf32, #tpu.memory_space<vmem>>[vector<16xi32>], vector<16xf32>,
        %mul3A_309 = arith.constant 16 : i32
        %mul3A_310 = arith.muli %scan3A_284, %mul3A_309 : i32
        %add3A_311 = arith.constant 0 : i32
        %add3A_312 = arith.addi %add3A_311, %mul3A_310 : i32
        %swap3A = arith.index_cast %add3A_312 : i32 to index
        %swap3A_313 = tpu.vector_load %arg9[%swap3A] {strides = array<i32>} : memref<6144xf32, #tpu.memory_space<vmem>>, vector<16xf32>,
        tpu.vector_store %arg9[%swap3A], %gather3A {strides = array<i32>} : memref<6144xf32, #tpu.memory_space<vmem>>, vector<16xf32>,
        %add3A_314 = arith.constant 1 : i32
        %add3A_315 = vector.broadcast %add3A_314 : i32 to vector<16xi32>
        %add3A_316 = arith.addi %mul3A_305, %add3A_315 : vector<16xi32>
        %gather3A_317 = tpu.vector_load_idx %arg8[%add3A_316] : memref<65536xf32, #tpu.memory_space<vmem>>[vector<16xi32>], vector<16xf32>,
        %mul3A_318 = arith.constant 16 : i32
        %mul3A_319 = arith.muli %scan3A_284, %mul3A_318 : i32
        %add3A_320 = arith.constant 256 : i32
        %add3A_321 = arith.addi %add3A_320, %mul3A_319 : i32
        %swap3A_322 = arith.index_cast %add3A_321 : i32 to index
        %swap3A_323 = tpu.vector_load %arg9[%swap3A_322] {strides = array<i32>} : memref<6144xf32, #tpu.memory_space<vmem>>, vector<16xf32>,
        tpu.vector_store %arg9[%swap3A_322], %gather3A_317 {strides = array<i32>} : memref<6144xf32, #tpu.memory_space<vmem>>, vector<16xf32>,
        %add3A_324 = arith.constant 2 : i32
        %add3A_325 = vector.broadcast %add3A_324 : i32 to vector<16xi32>
        %add3A_326 = arith.addi %mul3A_305, %add3A_325 : vector<16xi32>
        %gather3A_327 = tpu.vector_load_idx %arg8[%add3A_326] : memref<65536xf32, #tpu.memory_space<vmem>>[vector<16xi32>], vector<16xf32>,
        %mul3A_328 = arith.constant 16 : i32
        %mul3A_329 = arith.muli %scan3A_284, %mul3A_328 : i32
        %add3A_330 = arith.constant 512 : i32
        %add3A_331 = arith.addi %add3A_330, %mul3A_329 : i32
        %swap3A_332 = arith.index_cast %add3A_331 : i32 to index
        %swap3A_333 = tpu.vector_load %arg9[%swap3A_332] {strides = array<i32>} : memref<6144xf32, #tpu.memory_space<vmem>>, vector<16xf32>,
        tpu.vector_store %arg9[%swap3A_332], %gather3A_327 {strides = array<i32>} : memref<6144xf32, #tpu.memory_space<vmem>>, vector<16xf32>,
      }
      %scan3A_40 = arith.constant 16 : i32
      %eq3A_41 = arith.constant 1 : i32
      %eq3A_42 = vector.broadcast %eq3A_41 : i32 to vector<16xi32>
      %eq3A_43 = arith.cmpi eq, %iota3A, %eq3A_42 : vector<16xi32>
      %jit3A_44 = arith.constant 0 : i32
      %broadcast_in_dim3A_45 = vector.broadcast %jit3A_44 : i32 to vector<16xi32>
      %select_n3A_46 = arith.select %eq3A_43, %get3A_15, %broadcast_in_dim3A_45 : vector<16xi1>, vector<16xi32>
      %reduce_sum3A_47 = arith.constant true
      %reduce_sum3A_48 = vector.broadcast %reduce_sum3A_47 : i1 to vector<16xi1>
      %reduce_sum3A_49 = tpu.scan <sum>, %select_n3A_46 masked %reduce_sum3A_48 : vector<16xi32>, vector<16xi1> -> vector<16xi32>
      %reduce_sum3A_50 = vector.extract %reduce_sum3A_49[15] : i32 from vector<16xi32>
      %eq3A_51 = arith.constant 1 : i32
      %eq3A_52 = vector.broadcast %eq3A_51 : i32 to vector<16xi32>
      %eq3A_53 = arith.cmpi eq, %iota3A, %eq3A_52 : vector<16xi32>
      %jit3A_54 = arith.constant 0 : i32
      %broadcast_in_dim3A_55 = vector.broadcast %jit3A_54 : i32 to vector<16xi32>
      %select_n3A_56 = arith.select %eq3A_53, %get3A_17, %broadcast_in_dim3A_55 : vector<16xi1>, vector<16xi32>
      %reduce_sum3A_57 = arith.constant true
      %reduce_sum3A_58 = vector.broadcast %reduce_sum3A_57 : i1 to vector<16xi1>
      %reduce_sum3A_59 = tpu.scan <sum>, %select_n3A_56 masked %reduce_sum3A_58 : vector<16xi32>, vector<16xi1> -> vector<16xi32>
      %reduce_sum3A_60 = vector.extract %reduce_sum3A_59[15] : i32 from vector<16xi32>
      %sub3A_61 = arith.constant 1 : i32
      %sub3A_62 = arith.subi %reduce_sum3A_50, %sub3A_61 : i32
      %scan3A_63 = arith.constant 0 : i32
      %scan3A_64 = arith.constant 0 : i32
      %scan3A_65 = arith.constant 16 : i32
      %scan3A_66 = arith.addi %scan3A_64, %scan3A_65 : i32
      %scan3A_67 = arith.constant 1 : i32
      scf.for %scan3A_284 = %scan3A_64 to %scan3A_66 step %scan3A_67  : i32 {
        %mul3A_285 = arith.constant 16 : i32
        %mul3A_286 = arith.muli %scan3A_284, %mul3A_285 : i32
        %add3A_287 = arith.addi %mul3A_18, %mul3A_286 : i32
        %add3A_288 = vector.broadcast %add3A_287 : i32 to vector<16xi32>
        %add3A_289 = arith.addi %add3A_288, %iota3A : vector<16xi32>
        %mul3A_290 = vector.broadcast %reduce_sum3A_50 : i32 to vector<16xi32>
        %mul3A_291 = arith.muli %add3A_289, %mul3A_290 : vector<16xi32>
        %shift_right_arithmetic3A = arith.constant 12 : i32
        %shift_right_arithmetic3A_292 = vector.broadcast %shift_right_arithmetic3A : i32 to vector<16xi32>
        %shift_right_arithmetic3A_293 = arith.shrsi %mul3A_291, %shift_right_arithmetic3A_292 : vector<16xi32>
        %min3A = vector.broadcast %sub3A_62 : i32 to vector<16xi32>
        %min3A_294 = arith.minsi %shift_right_arithmetic3A_293, %min3A : vector<16xi32>
        %add3A_295 = vector.broadcast %reduce_sum3A_60 : i32 to vector<16xi32>
        %add3A_296 = arith.addi %add3A_295, %min3A_294 : vector<16xi32>
        %lt3A = arith.constant 0 : i32
        %lt3A_297 = vector.broadcast %lt3A : i32 to vector<16xi32>
        %lt3A_298 = arith.cmpi slt, %add3A_296, %lt3A_297 : vector<16xi32>
        %add3A_299 = arith.constant 16384 : i32
        %add3A_300 = vector.broadcast %add3A_299 : i32 to vector<16xi32>
        %add3A_301 = arith.addi %add3A_296, %add3A_300 : vector<16xi32>
        %select_n3A_302 = arith.select %lt3A_298, %add3A_301, %add3A_296 : vector<16xi1>, vector<16xi32>
        %mul3A_303 = arith.constant 4 : i32
        %mul3A_304 = vector.broadcast %mul3A_303 : i32 to vector<16xi32>
        %mul3A_305 = arith.muli %select_n3A_302, %mul3A_304 : vector<16xi32>
        %add3A_306 = arith.constant 0 : i32
        %add3A_307 = vector.broadcast %add3A_306 : i32 to vector<16xi32>
        %add3A_308 = arith.addi %mul3A_305, %add3A_307 : vector<16xi32>
        %gather3A = tpu.vector_load_idx %arg8[%add3A_308] : memref<65536xf32, #tpu.memory_space<vmem>>[vector<16xi32>], vector<16xf32>,
        %mul3A_309 = arith.constant 16 : i32
        %mul3A_310 = arith.muli %scan3A_284, %mul3A_309 : i32
        %add3A_311 = arith.constant 768 : i32
        %add3A_312 = arith.addi %add3A_311, %mul3A_310 : i32
        %swap3A = arith.index_cast %add3A_312 : i32 to index
        %swap3A_313 = tpu.vector_load %arg9[%swap3A] {strides = array<i32>} : memref<6144xf32, #tpu.memory_space<vmem>>, vector<16xf32>,
        tpu.vector_store %arg9[%swap3A], %gather3A {strides = array<i32>} : memref<6144xf32, #tpu.memory_space<vmem>>, vector<16xf32>,
        %add3A_314 = arith.constant 1 : i32
        %add3A_315 = vector.broadcast %add3A_314 : i32 to vector<16xi32>
        %add3A_316 = arith.addi %mul3A_305, %add3A_315 : vector<16xi32>
        %gather3A_317 = tpu.vector_load_idx %arg8[%add3A_316] : memref<65536xf32, #tpu.memory_space<vmem>>[vector<16xi32>], vector<16xf32>,
        %mul3A_318 = arith.constant 16 : i32
        %mul3A_319 = arith.muli %scan3A_284, %mul3A_318 : i32
        %add3A_320 = arith.constant 1024 : i32
        %add3A_321 = arith.addi %add3A_320, %mul3A_319 : i32
        %swap3A_322 = arith.index_cast %add3A_321 : i32 to index
        %swap3A_323 = tpu.vector_load %arg9[%swap3A_322] {strides = array<i32>} : memref<6144xf32, #tpu.memory_space<vmem>>, vector<16xf32>,
        tpu.vector_store %arg9[%swap3A_322], %gather3A_317 {strides = array<i32>} : memref<6144xf32, #tpu.memory_space<vmem>>, vector<16xf32>,
        %add3A_324 = arith.constant 2 : i32
        %add3A_325 = vector.broadcast %add3A_324 : i32 to vector<16xi32>
        %add3A_326 = arith.addi %mul3A_305, %add3A_325 : vector<16xi32>
        %gather3A_327 = tpu.vector_load_idx %arg8[%add3A_326] : memref<65536xf32, #tpu.memory_space<vmem>>[vector<16xi32>], vector<16xf32>,
        %mul3A_328 = arith.constant 16 : i32
        %mul3A_329 = arith.muli %scan3A_284, %mul3A_328 : i32
        %add3A_330 = arith.constant 1280 : i32
        %add3A_331 = arith.addi %add3A_330, %mul3A_329 : i32
        %swap3A_332 = arith.index_cast %add3A_331 : i32 to index
        %swap3A_333 = tpu.vector_load %arg9[%swap3A_332] {strides = array<i32>} : memref<6144xf32, #tpu.memory_space<vmem>>, vector<16xf32>,
        tpu.vector_store %arg9[%swap3A_332], %gather3A_327 {strides = array<i32>} : memref<6144xf32, #tpu.memory_space<vmem>>, vector<16xf32>,
      }
      %scan3A_68 = arith.constant 16 : i32
      %eq3A_69 = arith.constant 2 : i32
      %eq3A_70 = vector.broadcast %eq3A_69 : i32 to vector<16xi32>
      %eq3A_71 = arith.cmpi eq, %iota3A, %eq3A_70 : vector<16xi32>
      %jit3A_72 = arith.constant 0 : i32
      %broadcast_in_dim3A_73 = vector.broadcast %jit3A_72 : i32 to vector<16xi32>
      %select_n3A_74 = arith.select %eq3A_71, %get3A_15, %broadcast_in_dim3A_73 : vector<16xi1>, vector<16xi32>
      %reduce_sum3A_75 = arith.constant true
      %reduce_sum3A_76 = vector.broadcast %reduce_sum3A_75 : i1 to vector<16xi1>
      %reduce_sum3A_77 = tpu.scan <sum>, %select_n3A_74 masked %reduce_sum3A_76 : vector<16xi32>, vector<16xi1> -> vector<16xi32>
      %reduce_sum3A_78 = vector.extract %reduce_sum3A_77[15] : i32 from vector<16xi32>
      %eq3A_79 = arith.constant 2 : i32
      %eq3A_80 = vector.broadcast %eq3A_79 : i32 to vector<16xi32>
      %eq3A_81 = arith.cmpi eq, %iota3A, %eq3A_80 : vector<16xi32>
      %jit3A_82 = arith.constant 0 : i32
      %broadcast_in_dim3A_83 = vector.broadcast %jit3A_82 : i32 to vector<16xi32>
      %select_n3A_84 = arith.select %eq3A_81, %get3A_17, %broadcast_in_dim3A_83 : vector<16xi1>, vector<16xi32>
      %reduce_sum3A_85 = arith.constant true
      %reduce_sum3A_86 = vector.broadcast %reduce_sum3A_85 : i1 to vector<16xi1>
      %reduce_sum3A_87 = tpu.scan <sum>, %select_n3A_84 masked %reduce_sum3A_86 : vector<16xi32>, vector<16xi1> -> vector<16xi32>
      %reduce_sum3A_88 = vector.extract %reduce_sum3A_87[15] : i32 from vector<16xi32>
      %sub3A_89 = arith.constant 1 : i32
      %sub3A_90 = arith.subi %reduce_sum3A_78, %sub3A_89 : i32
      %scan3A_91 = arith.constant 0 : i32
      %scan3A_92 = arith.constant 0 : i32
      %scan3A_93 = arith.constant 16 : i32
      %scan3A_94 = arith.addi %scan3A_92, %scan3A_93 : i32
      %scan3A_95 = arith.constant 1 : i32
      scf.for %scan3A_284 = %scan3A_92 to %scan3A_94 step %scan3A_95  : i32 {
        %mul3A_285 = arith.constant 16 : i32
        %mul3A_286 = arith.muli %scan3A_284, %mul3A_285 : i32
        %add3A_287 = arith.addi %mul3A_18, %mul3A_286 : i32
        %add3A_288 = vector.broadcast %add3A_287 : i32 to vector<16xi32>
        %add3A_289 = arith.addi %add3A_288, %iota3A : vector<16xi32>
        %mul3A_290 = vector.broadcast %reduce_sum3A_78 : i32 to vector<16xi32>
        %mul3A_291 = arith.muli %add3A_289, %mul3A_290 : vector<16xi32>
        %shift_right_arithmetic3A = arith.constant 12 : i32
        %shift_right_arithmetic3A_292 = vector.broadcast %shift_right_arithmetic3A : i32 to vector<16xi32>
        %shift_right_arithmetic3A_293 = arith.shrsi %mul3A_291, %shift_right_arithmetic3A_292 : vector<16xi32>
        %min3A = vector.broadcast %sub3A_90 : i32 to vector<16xi32>
        %min3A_294 = arith.minsi %shift_right_arithmetic3A_293, %min3A : vector<16xi32>
        %add3A_295 = vector.broadcast %reduce_sum3A_88 : i32 to vector<16xi32>
        %add3A_296 = arith.addi %add3A_295, %min3A_294 : vector<16xi32>
        %lt3A = arith.constant 0 : i32
        %lt3A_297 = vector.broadcast %lt3A : i32 to vector<16xi32>
        %lt3A_298 = arith.cmpi slt, %add3A_296, %lt3A_297 : vector<16xi32>
        %add3A_299 = arith.constant 16384 : i32
        %add3A_300 = vector.broadcast %add3A_299 : i32 to vector<16xi32>
        %add3A_301 = arith.addi %add3A_296, %add3A_300 : vector<16xi32>
        %select_n3A_302 = arith.select %lt3A_298, %add3A_301, %add3A_296 : vector<16xi1>, vector<16xi32>
        %mul3A_303 = arith.constant 4 : i32
        %mul3A_304 = vector.broadcast %mul3A_303 : i32 to vector<16xi32>
        %mul3A_305 = arith.muli %select_n3A_302, %mul3A_304 : vector<16xi32>
        %add3A_306 = arith.constant 0 : i32
        %add3A_307 = vector.broadcast %add3A_306 : i32 to vector<16xi32>
        %add3A_308 = arith.addi %mul3A_305, %add3A_307 : vector<16xi32>
        %gather3A = tpu.vector_load_idx %arg8[%add3A_308] : memref<65536xf32, #tpu.memory_space<vmem>>[vector<16xi32>], vector<16xf32>,
        %mul3A_309 = arith.constant 16 : i32
        %mul3A_310 = arith.muli %scan3A_284, %mul3A_309 : i32
        %add3A_311 = arith.constant 1536 : i32
        %add3A_312 = arith.addi %add3A_311, %mul3A_310 : i32
        %swap3A = arith.index_cast %add3A_312 : i32 to index
        %swap3A_313 = tpu.vector_load %arg9[%swap3A] {strides = array<i32>} : memref<6144xf32, #tpu.memory_space<vmem>>, vector<16xf32>,
        tpu.vector_store %arg9[%swap3A], %gather3A {strides = array<i32>} : memref<6144xf32, #tpu.memory_space<vmem>>, vector<16xf32>,
        %add3A_314 = arith.constant 1 : i32
        %add3A_315 = vector.broadcast %add3A_314 : i32 to vector<16xi32>
        %add3A_316 = arith.addi %mul3A_305, %add3A_315 : vector<16xi32>
        %gather3A_317 = tpu.vector_load_idx %arg8[%add3A_316] : memref<65536xf32, #tpu.memory_space<vmem>>[vector<16xi32>], vector<16xf32>,
        %mul3A_318 = arith.constant 16 : i32
        %mul3A_319 = arith.muli %scan3A_284, %mul3A_318 : i32
        %add3A_320 = arith.constant 1792 : i32
        %add3A_321 = arith.addi %add3A_320, %mul3A_319 : i32
        %swap3A_322 = arith.index_cast %add3A_321 : i32 to index
        %swap3A_323 = tpu.vector_load %arg9[%swap3A_322] {strides = array<i32>} : memref<6144xf32, #tpu.memory_space<vmem>>, vector<16xf32>,
        tpu.vector_store %arg9[%swap3A_322], %gather3A_317 {strides = array<i32>} : memref<6144xf32, #tpu.memory_space<vmem>>, vector<16xf32>,
        %add3A_324 = arith.constant 2 : i32
        %add3A_325 = vector.broadcast %add3A_324 : i32 to vector<16xi32>
        %add3A_326 = arith.addi %mul3A_305, %add3A_325 : vector<16xi32>
        %gather3A_327 = tpu.vector_load_idx %arg8[%add3A_326] : memref<65536xf32, #tpu.memory_space<vmem>>[vector<16xi32>], vector<16xf32>,
        %mul3A_328 = arith.constant 16 : i32
        %mul3A_329 = arith.muli %scan3A_284, %mul3A_328 : i32
        %add3A_330 = arith.constant 2048 : i32
        %add3A_331 = arith.addi %add3A_330, %mul3A_329 : i32
        %swap3A_332 = arith.index_cast %add3A_331 : i32 to index
        %swap3A_333 = tpu.vector_load %arg9[%swap3A_332] {strides = array<i32>} : memref<6144xf32, #tpu.memory_space<vmem>>, vector<16xf32>,
        tpu.vector_store %arg9[%swap3A_332], %gather3A_327 {strides = array<i32>} : memref<6144xf32, #tpu.memory_space<vmem>>, vector<16xf32>,
      }
      %scan3A_96 = arith.constant 16 : i32
      %eq3A_97 = arith.constant 3 : i32
      %eq3A_98 = vector.broadcast %eq3A_97 : i32 to vector<16xi32>
      %eq3A_99 = arith.cmpi eq, %iota3A, %eq3A_98 : vector<16xi32>
      %jit3A_100 = arith.constant 0 : i32
      %broadcast_in_dim3A_101 = vector.broadcast %jit3A_100 : i32 to vector<16xi32>
      %select_n3A_102 = arith.select %eq3A_99, %get3A_15, %broadcast_in_dim3A_101 : vector<16xi1>, vector<16xi32>
      %reduce_sum3A_103 = arith.constant true
      %reduce_sum3A_104 = vector.broadcast %reduce_sum3A_103 : i1 to vector<16xi1>
      %reduce_sum3A_105 = tpu.scan <sum>, %select_n3A_102 masked %reduce_sum3A_104 : vector<16xi32>, vector<16xi1> -> vector<16xi32>
      %reduce_sum3A_106 = vector.extract %reduce_sum3A_105[15] : i32 from vector<16xi32>
      %eq3A_107 = arith.constant 3 : i32
      %eq3A_108 = vector.broadcast %eq3A_107 : i32 to vector<16xi32>
      %eq3A_109 = arith.cmpi eq, %iota3A, %eq3A_108 : vector<16xi32>
      %jit3A_110 = arith.constant 0 : i32
      %broadcast_in_dim3A_111 = vector.broadcast %jit3A_110 : i32 to vector<16xi32>
      %select_n3A_112 = arith.select %eq3A_109, %get3A_17, %broadcast_in_dim3A_111 : vector<16xi1>, vector<16xi32>
      %reduce_sum3A_113 = arith.constant true
      %reduce_sum3A_114 = vector.broadcast %reduce_sum3A_113 : i1 to vector<16xi1>
      %reduce_sum3A_115 = tpu.scan <sum>, %select_n3A_112 masked %reduce_sum3A_114 : vector<16xi32>, vector<16xi1> -> vector<16xi32>
      %reduce_sum3A_116 = vector.extract %reduce_sum3A_115[15] : i32 from vector<16xi32>
      %sub3A_117 = arith.constant 1 : i32
      %sub3A_118 = arith.subi %reduce_sum3A_106, %sub3A_117 : i32
      %scan3A_119 = arith.constant 0 : i32
      %scan3A_120 = arith.constant 0 : i32
      %scan3A_121 = arith.constant 16 : i32
      %scan3A_122 = arith.addi %scan3A_120, %scan3A_121 : i32
      %scan3A_123 = arith.constant 1 : i32
      scf.for %scan3A_284 = %scan3A_120 to %scan3A_122 step %scan3A_123  : i32 {
        %mul3A_285 = arith.constant 16 : i32
        %mul3A_286 = arith.muli %scan3A_284, %mul3A_285 : i32
        %add3A_287 = arith.addi %mul3A_18, %mul3A_286 : i32
        %add3A_288 = vector.broadcast %add3A_287 : i32 to vector<16xi32>
        %add3A_289 = arith.addi %add3A_288, %iota3A : vector<16xi32>
        %mul3A_290 = vector.broadcast %reduce_sum3A_106 : i32 to vector<16xi32>
        %mul3A_291 = arith.muli %add3A_289, %mul3A_290 : vector<16xi32>
        %shift_right_arithmetic3A = arith.constant 12 : i32
        %shift_right_arithmetic3A_292 = vector.broadcast %shift_right_arithmetic3A : i32 to vector<16xi32>
        %shift_right_arithmetic3A_293 = arith.shrsi %mul3A_291, %shift_right_arithmetic3A_292 : vector<16xi32>
        %min3A = vector.broadcast %sub3A_118 : i32 to vector<16xi32>
        %min3A_294 = arith.minsi %shift_right_arithmetic3A_293, %min3A : vector<16xi32>
        %add3A_295 = vector.broadcast %reduce_sum3A_116 : i32 to vector<16xi32>
        %add3A_296 = arith.addi %add3A_295, %min3A_294 : vector<16xi32>
        %lt3A = arith.constant 0 : i32
        %lt3A_297 = vector.broadcast %lt3A : i32 to vector<16xi32>
        %lt3A_298 = arith.cmpi slt, %add3A_296, %lt3A_297 : vector<16xi32>
        %add3A_299 = arith.constant 16384 : i32
        %add3A_300 = vector.broadcast %add3A_299 : i32 to vector<16xi32>
        %add3A_301 = arith.addi %add3A_296, %add3A_300 : vector<16xi32>
        %select_n3A_302 = arith.select %lt3A_298, %add3A_301, %add3A_296 : vector<16xi1>, vector<16xi32>
        %mul3A_303 = arith.constant 4 : i32
        %mul3A_304 = vector.broadcast %mul3A_303 : i32 to vector<16xi32>
        %mul3A_305 = arith.muli %select_n3A_302, %mul3A_304 : vector<16xi32>
        %add3A_306 = arith.constant 0 : i32
        %add3A_307 = vector.broadcast %add3A_306 : i32 to vector<16xi32>
        %add3A_308 = arith.addi %mul3A_305, %add3A_307 : vector<16xi32>
        %gather3A = tpu.vector_load_idx %arg8[%add3A_308] : memref<65536xf32, #tpu.memory_space<vmem>>[vector<16xi32>], vector<16xf32>,
        %mul3A_309 = arith.constant 16 : i32
        %mul3A_310 = arith.muli %scan3A_284, %mul3A_309 : i32
        %add3A_311 = arith.constant 2304 : i32
        %add3A_312 = arith.addi %add3A_311, %mul3A_310 : i32
        %swap3A = arith.index_cast %add3A_312 : i32 to index
        %swap3A_313 = tpu.vector_load %arg9[%swap3A] {strides = array<i32>} : memref<6144xf32, #tpu.memory_space<vmem>>, vector<16xf32>,
        tpu.vector_store %arg9[%swap3A], %gather3A {strides = array<i32>} : memref<6144xf32, #tpu.memory_space<vmem>>, vector<16xf32>,
        %add3A_314 = arith.constant 1 : i32
        %add3A_315 = vector.broadcast %add3A_314 : i32 to vector<16xi32>
        %add3A_316 = arith.addi %mul3A_305, %add3A_315 : vector<16xi32>
        %gather3A_317 = tpu.vector_load_idx %arg8[%add3A_316] : memref<65536xf32, #tpu.memory_space<vmem>>[vector<16xi32>], vector<16xf32>,
        %mul3A_318 = arith.constant 16 : i32
        %mul3A_319 = arith.muli %scan3A_284, %mul3A_318 : i32
        %add3A_320 = arith.constant 2560 : i32
        %add3A_321 = arith.addi %add3A_320, %mul3A_319 : i32
        %swap3A_322 = arith.index_cast %add3A_321 : i32 to index
        %swap3A_323 = tpu.vector_load %arg9[%swap3A_322] {strides = array<i32>} : memref<6144xf32, #tpu.memory_space<vmem>>, vector<16xf32>,
        tpu.vector_store %arg9[%swap3A_322], %gather3A_317 {strides = array<i32>} : memref<6144xf32, #tpu.memory_space<vmem>>, vector<16xf32>,
        %add3A_324 = arith.constant 2 : i32
        %add3A_325 = vector.broadcast %add3A_324 : i32 to vector<16xi32>
        %add3A_326 = arith.addi %mul3A_305, %add3A_325 : vector<16xi32>
        %gather3A_327 = tpu.vector_load_idx %arg8[%add3A_326] : memref<65536xf32, #tpu.memory_space<vmem>>[vector<16xi32>], vector<16xf32>,
        %mul3A_328 = arith.constant 16 : i32
        %mul3A_329 = arith.muli %scan3A_284, %mul3A_328 : i32
        %add3A_330 = arith.constant 2816 : i32
        %add3A_331 = arith.addi %add3A_330, %mul3A_329 : i32
        %swap3A_332 = arith.index_cast %add3A_331 : i32 to index
        %swap3A_333 = tpu.vector_load %arg9[%swap3A_332] {strides = array<i32>} : memref<6144xf32, #tpu.memory_space<vmem>>, vector<16xf32>,
        tpu.vector_store %arg9[%swap3A_332], %gather3A_327 {strides = array<i32>} : memref<6144xf32, #tpu.memory_space<vmem>>, vector<16xf32>,
      }
      %scan3A_124 = arith.constant 16 : i32
      %eq3A_125 = arith.constant 4 : i32
      %eq3A_126 = vector.broadcast %eq3A_125 : i32 to vector<16xi32>
      %eq3A_127 = arith.cmpi eq, %iota3A, %eq3A_126 : vector<16xi32>
      %jit3A_128 = arith.constant 0 : i32
      %broadcast_in_dim3A_129 = vector.broadcast %jit3A_128 : i32 to vector<16xi32>
      %select_n3A_130 = arith.select %eq3A_127, %get3A_15, %broadcast_in_dim3A_129 : vector<16xi1>, vector<16xi32>
      %reduce_sum3A_131 = arith.constant true
      %reduce_sum3A_132 = vector.broadcast %reduce_sum3A_131 : i1 to vector<16xi1>
      %reduce_sum3A_133 = tpu.scan <sum>, %select_n3A_130 masked %reduce_sum3A_132 : vector<16xi32>, vector<16xi1> -> vector<16xi32>
      %reduce_sum3A_134 = vector.extract %reduce_sum3A_133[15] : i32 from vector<16xi32>
      %eq3A_135 = arith.constant 4 : i32
      %eq3A_136 = vector.broadcast %eq3A_135 : i32 to vector<16xi32>
      %eq3A_137 = arith.cmpi eq, %iota3A, %eq3A_136 : vector<16xi32>
      %jit3A_138 = arith.constant 0 : i32
      %broadcast_in_dim3A_139 = vector.broadcast %jit3A_138 : i32 to vector<16xi32>
      %select_n3A_140 = arith.select %eq3A_137, %get3A_17, %broadcast_in_dim3A_139 : vector<16xi1>, vector<16xi32>
      %reduce_sum3A_141 = arith.constant true
      %reduce_sum3A_142 = vector.broadcast %reduce_sum3A_141 : i1 to vector<16xi1>
      %reduce_sum3A_143 = tpu.scan <sum>, %select_n3A_140 masked %reduce_sum3A_142 : vector<16xi32>, vector<16xi1> -> vector<16xi32>
      %reduce_sum3A_144 = vector.extract %reduce_sum3A_143[15] : i32 from vector<16xi32>
      %sub3A_145 = arith.constant 1 : i32
      %sub3A_146 = arith.subi %reduce_sum3A_134, %sub3A_145 : i32
      %scan3A_147 = arith.constant 0 : i32
      %scan3A_148 = arith.constant 0 : i32
      %scan3A_149 = arith.constant 16 : i32
      %scan3A_150 = arith.addi %scan3A_148, %scan3A_149 : i32
      %scan3A_151 = arith.constant 1 : i32
      scf.for %scan3A_284 = %scan3A_148 to %scan3A_150 step %scan3A_151  : i32 {
        %mul3A_285 = arith.constant 16 : i32
        %mul3A_286 = arith.muli %scan3A_284, %mul3A_285 : i32
        %add3A_287 = arith.addi %mul3A_18, %mul3A_286 : i32
        %add3A_288 = vector.broadcast %add3A_287 : i32 to vector<16xi32>
        %add3A_289 = arith.addi %add3A_288, %iota3A : vector<16xi32>
        %mul3A_290 = vector.broadcast %reduce_sum3A_134 : i32 to vector<16xi32>
        %mul3A_291 = arith.muli %add3A_289, %mul3A_290 : vector<16xi32>
        %shift_right_arithmetic3A = arith.constant 12 : i32
        %shift_right_arithmetic3A_292 = vector.broadcast %shift_right_arithmetic3A : i32 to vector<16xi32>
        %shift_right_arithmetic3A_293 = arith.shrsi %mul3A_291, %shift_right_arithmetic3A_292 : vector<16xi32>
        %min3A = vector.broadcast %sub3A_146 : i32 to vector<16xi32>
        %min3A_294 = arith.minsi %shift_right_arithmetic3A_293, %min3A : vector<16xi32>
        %add3A_295 = vector.broadcast %reduce_sum3A_144 : i32 to vector<16xi32>
        %add3A_296 = arith.addi %add3A_295, %min3A_294 : vector<16xi32>
        %lt3A = arith.constant 0 : i32
        %lt3A_297 = vector.broadcast %lt3A : i32 to vector<16xi32>
        %lt3A_298 = arith.cmpi slt, %add3A_296, %lt3A_297 : vector<16xi32>
        %add3A_299 = arith.constant 16384 : i32
        %add3A_300 = vector.broadcast %add3A_299 : i32 to vector<16xi32>
        %add3A_301 = arith.addi %add3A_296, %add3A_300 : vector<16xi32>
        %select_n3A_302 = arith.select %lt3A_298, %add3A_301, %add3A_296 : vector<16xi1>, vector<16xi32>
        %mul3A_303 = arith.constant 4 : i32
        %mul3A_304 = vector.broadcast %mul3A_303 : i32 to vector<16xi32>
        %mul3A_305 = arith.muli %select_n3A_302, %mul3A_304 : vector<16xi32>
        %add3A_306 = arith.constant 0 : i32
        %add3A_307 = vector.broadcast %add3A_306 : i32 to vector<16xi32>
        %add3A_308 = arith.addi %mul3A_305, %add3A_307 : vector<16xi32>
        %gather3A = tpu.vector_load_idx %arg8[%add3A_308] : memref<65536xf32, #tpu.memory_space<vmem>>[vector<16xi32>], vector<16xf32>,
        %mul3A_309 = arith.constant 16 : i32
        %mul3A_310 = arith.muli %scan3A_284, %mul3A_309 : i32
        %add3A_311 = arith.constant 3072 : i32
        %add3A_312 = arith.addi %add3A_311, %mul3A_310 : i32
        %swap3A = arith.index_cast %add3A_312 : i32 to index
        %swap3A_313 = tpu.vector_load %arg9[%swap3A] {strides = array<i32>} : memref<6144xf32, #tpu.memory_space<vmem>>, vector<16xf32>,
        tpu.vector_store %arg9[%swap3A], %gather3A {strides = array<i32>} : memref<6144xf32, #tpu.memory_space<vmem>>, vector<16xf32>,
        %add3A_314 = arith.constant 1 : i32
        %add3A_315 = vector.broadcast %add3A_314 : i32 to vector<16xi32>
        %add3A_316 = arith.addi %mul3A_305, %add3A_315 : vector<16xi32>
        %gather3A_317 = tpu.vector_load_idx %arg8[%add3A_316] : memref<65536xf32, #tpu.memory_space<vmem>>[vector<16xi32>], vector<16xf32>,
        %mul3A_318 = arith.constant 16 : i32
        %mul3A_319 = arith.muli %scan3A_284, %mul3A_318 : i32
        %add3A_320 = arith.constant 3328 : i32
        %add3A_321 = arith.addi %add3A_320, %mul3A_319 : i32
        %swap3A_322 = arith.index_cast %add3A_321 : i32 to index
        %swap3A_323 = tpu.vector_load %arg9[%swap3A_322] {strides = array<i32>} : memref<6144xf32, #tpu.memory_space<vmem>>, vector<16xf32>,
        tpu.vector_store %arg9[%swap3A_322], %gather3A_317 {strides = array<i32>} : memref<6144xf32, #tpu.memory_space<vmem>>, vector<16xf32>,
        %add3A_324 = arith.constant 2 : i32
        %add3A_325 = vector.broadcast %add3A_324 : i32 to vector<16xi32>
        %add3A_326 = arith.addi %mul3A_305, %add3A_325 : vector<16xi32>
        %gather3A_327 = tpu.vector_load_idx %arg8[%add3A_326] : memref<65536xf32, #tpu.memory_space<vmem>>[vector<16xi32>], vector<16xf32>,
        %mul3A_328 = arith.constant 16 : i32
        %mul3A_329 = arith.muli %scan3A_284, %mul3A_328 : i32
        %add3A_330 = arith.constant 3584 : i32
        %add3A_331 = arith.addi %add3A_330, %mul3A_329 : i32
        %swap3A_332 = arith.index_cast %add3A_331 : i32 to index
        %swap3A_333 = tpu.vector_load %arg9[%swap3A_332] {strides = array<i32>} : memref<6144xf32, #tpu.memory_space<vmem>>, vector<16xf32>,
        tpu.vector_store %arg9[%swap3A_332], %gather3A_327 {strides = array<i32>} : memref<6144xf32, #tpu.memory_space<vmem>>, vector<16xf32>,
      }
      %scan3A_152 = arith.constant 16 : i32
      %eq3A_153 = arith.constant 5 : i32
      %eq3A_154 = vector.broadcast %eq3A_153 : i32 to vector<16xi32>
      %eq3A_155 = arith.cmpi eq, %iota3A, %eq3A_154 : vector<16xi32>
      %jit3A_156 = arith.constant 0 : i32
      %broadcast_in_dim3A_157 = vector.broadcast %jit3A_156 : i32 to vector<16xi32>
      %select_n3A_158 = arith.select %eq3A_155, %get3A_15, %broadcast_in_dim3A_157 : vector<16xi1>, vector<16xi32>
      %reduce_sum3A_159 = arith.constant true
      %reduce_sum3A_160 = vector.broadcast %reduce_sum3A_159 : i1 to vector<16xi1>
      %reduce_sum3A_161 = tpu.scan <sum>, %select_n3A_158 masked %reduce_sum3A_160 : vector<16xi32>, vector<16xi1> -> vector<16xi32>
      %reduce_sum3A_162 = vector.extract %reduce_sum3A_161[15] : i32 from vector<16xi32>
      %eq3A_163 = arith.constant 5 : i32
      %eq3A_164 = vector.broadcast %eq3A_163 : i32 to vector<16xi32>
      %eq3A_165 = arith.cmpi eq, %iota3A, %eq3A_164 : vector<16xi32>
      %jit3A_166 = arith.constant 0 : i32
      %broadcast_in_dim3A_167 = vector.broadcast %jit3A_166 : i32 to vector<16xi32>
      %select_n3A_168 = arith.select %eq3A_165, %get3A_17, %broadcast_in_dim3A_167 : vector<16xi1>, vector<16xi32>
      %reduce_sum3A_169 = arith.constant true
      %reduce_sum3A_170 = vector.broadcast %reduce_sum3A_169 : i1 to vector<16xi1>
      %reduce_sum3A_171 = tpu.scan <sum>, %select_n3A_168 masked %reduce_sum3A_170 : vector<16xi32>, vector<16xi1> -> vector<16xi32>
      %reduce_sum3A_172 = vector.extract %reduce_sum3A_171[15] : i32 from vector<16xi32>
      %sub3A_173 = arith.constant 1 : i32
      %sub3A_174 = arith.subi %reduce_sum3A_162, %sub3A_173 : i32
      %scan3A_175 = arith.constant 0 : i32
      %scan3A_176 = arith.constant 0 : i32
      %scan3A_177 = arith.constant 16 : i32
      %scan3A_178 = arith.addi %scan3A_176, %scan3A_177 : i32
      %scan3A_179 = arith.constant 1 : i32
      scf.for %scan3A_284 = %scan3A_176 to %scan3A_178 step %scan3A_179  : i32 {
        %mul3A_285 = arith.constant 16 : i32
        %mul3A_286 = arith.muli %scan3A_284, %mul3A_285 : i32
        %add3A_287 = arith.addi %mul3A_18, %mul3A_286 : i32
        %add3A_288 = vector.broadcast %add3A_287 : i32 to vector<16xi32>
        %add3A_289 = arith.addi %add3A_288, %iota3A : vector<16xi32>
        %mul3A_290 = vector.broadcast %reduce_sum3A_162 : i32 to vector<16xi32>
        %mul3A_291 = arith.muli %add3A_289, %mul3A_290 : vector<16xi32>
        %shift_right_arithmetic3A = arith.constant 12 : i32
        %shift_right_arithmetic3A_292 = vector.broadcast %shift_right_arithmetic3A : i32 to vector<16xi32>
        %shift_right_arithmetic3A_293 = arith.shrsi %mul3A_291, %shift_right_arithmetic3A_292 : vector<16xi32>
        %min3A = vector.broadcast %sub3A_174 : i32 to vector<16xi32>
        %min3A_294 = arith.minsi %shift_right_arithmetic3A_293, %min3A : vector<16xi32>
        %add3A_295 = vector.broadcast %reduce_sum3A_172 : i32 to vector<16xi32>
        %add3A_296 = arith.addi %add3A_295, %min3A_294 : vector<16xi32>
        %lt3A = arith.constant 0 : i32
        %lt3A_297 = vector.broadcast %lt3A : i32 to vector<16xi32>
        %lt3A_298 = arith.cmpi slt, %add3A_296, %lt3A_297 : vector<16xi32>
        %add3A_299 = arith.constant 16384 : i32
        %add3A_300 = vector.broadcast %add3A_299 : i32 to vector<16xi32>
        %add3A_301 = arith.addi %add3A_296, %add3A_300 : vector<16xi32>
        %select_n3A_302 = arith.select %lt3A_298, %add3A_301, %add3A_296 : vector<16xi1>, vector<16xi32>
        %mul3A_303 = arith.constant 4 : i32
        %mul3A_304 = vector.broadcast %mul3A_303 : i32 to vector<16xi32>
        %mul3A_305 = arith.muli %select_n3A_302, %mul3A_304 : vector<16xi32>
        %add3A_306 = arith.constant 0 : i32
        %add3A_307 = vector.broadcast %add3A_306 : i32 to vector<16xi32>
        %add3A_308 = arith.addi %mul3A_305, %add3A_307 : vector<16xi32>
        %gather3A = tpu.vector_load_idx %arg8[%add3A_308] : memref<65536xf32, #tpu.memory_space<vmem>>[vector<16xi32>], vector<16xf32>,
        %mul3A_309 = arith.constant 16 : i32
        %mul3A_310 = arith.muli %scan3A_284, %mul3A_309 : i32
        %add3A_311 = arith.constant 3840 : i32
        %add3A_312 = arith.addi %add3A_311, %mul3A_310 : i32
        %swap3A = arith.index_cast %add3A_312 : i32 to index
        %swap3A_313 = tpu.vector_load %arg9[%swap3A] {strides = array<i32>} : memref<6144xf32, #tpu.memory_space<vmem>>, vector<16xf32>,
        tpu.vector_store %arg9[%swap3A], %gather3A {strides = array<i32>} : memref<6144xf32, #tpu.memory_space<vmem>>, vector<16xf32>,
        %add3A_314 = arith.constant 1 : i32
        %add3A_315 = vector.broadcast %add3A_314 : i32 to vector<16xi32>
        %add3A_316 = arith.addi %mul3A_305, %add3A_315 : vector<16xi32>
        %gather3A_317 = tpu.vector_load_idx %arg8[%add3A_316] : memref<65536xf32, #tpu.memory_space<vmem>>[vector<16xi32>], vector<16xf32>,
        %mul3A_318 = arith.constant 16 : i32
        %mul3A_319 = arith.muli %scan3A_284, %mul3A_318 : i32
        %add3A_320 = arith.constant 4096 : i32
        %add3A_321 = arith.addi %add3A_320, %mul3A_319 : i32
        %swap3A_322 = arith.index_cast %add3A_321 : i32 to index
        %swap3A_323 = tpu.vector_load %arg9[%swap3A_322] {strides = array<i32>} : memref<6144xf32, #tpu.memory_space<vmem>>, vector<16xf32>,
        tpu.vector_store %arg9[%swap3A_322], %gather3A_317 {strides = array<i32>} : memref<6144xf32, #tpu.memory_space<vmem>>, vector<16xf32>,
        %add3A_324 = arith.constant 2 : i32
        %add3A_325 = vector.broadcast %add3A_324 : i32 to vector<16xi32>
        %add3A_326 = arith.addi %mul3A_305, %add3A_325 : vector<16xi32>
        %gather3A_327 = tpu.vector_load_idx %arg8[%add3A_326] : memref<65536xf32, #tpu.memory_space<vmem>>[vector<16xi32>], vector<16xf32>,
        %mul3A_328 = arith.constant 16 : i32
        %mul3A_329 = arith.muli %scan3A_284, %mul3A_328 : i32
        %add3A_330 = arith.constant 4352 : i32
        %add3A_331 = arith.addi %add3A_330, %mul3A_329 : i32
        %swap3A_332 = arith.index_cast %add3A_331 : i32 to index
        %swap3A_333 = tpu.vector_load %arg9[%swap3A_332] {strides = array<i32>} : memref<6144xf32, #tpu.memory_space<vmem>>, vector<16xf32>,
        tpu.vector_store %arg9[%swap3A_332], %gather3A_327 {strides = array<i32>} : memref<6144xf32, #tpu.memory_space<vmem>>, vector<16xf32>,
      }
      %scan3A_180 = arith.constant 16 : i32
      %eq3A_181 = arith.constant 6 : i32
      %eq3A_182 = vector.broadcast %eq3A_181 : i32 to vector<16xi32>
      %eq3A_183 = arith.cmpi eq, %iota3A, %eq3A_182 : vector<16xi32>
      %jit3A_184 = arith.constant 0 : i32
      %broadcast_in_dim3A_185 = vector.broadcast %jit3A_184 : i32 to vector<16xi32>
      %select_n3A_186 = arith.select %eq3A_183, %get3A_15, %broadcast_in_dim3A_185 : vector<16xi1>, vector<16xi32>
      %reduce_sum3A_187 = arith.constant true
      %reduce_sum3A_188 = vector.broadcast %reduce_sum3A_187 : i1 to vector<16xi1>
      %reduce_sum3A_189 = tpu.scan <sum>, %select_n3A_186 masked %reduce_sum3A_188 : vector<16xi32>, vector<16xi1> -> vector<16xi32>
      %reduce_sum3A_190 = vector.extract %reduce_sum3A_189[15] : i32 from vector<16xi32>
      %eq3A_191 = arith.constant 6 : i32
      %eq3A_192 = vector.broadcast %eq3A_191 : i32 to vector<16xi32>
      %eq3A_193 = arith.cmpi eq, %iota3A, %eq3A_192 : vector<16xi32>
      %jit3A_194 = arith.constant 0 : i32
      %broadcast_in_dim3A_195 = vector.broadcast %jit3A_194 : i32 to vector<16xi32>
      %select_n3A_196 = arith.select %eq3A_193, %get3A_17, %broadcast_in_dim3A_195 : vector<16xi1>, vector<16xi32>
      %reduce_sum3A_197 = arith.constant true
      %reduce_sum3A_198 = vector.broadcast %reduce_sum3A_197 : i1 to vector<16xi1>
      %reduce_sum3A_199 = tpu.scan <sum>, %select_n3A_196 masked %reduce_sum3A_198 : vector<16xi32>, vector<16xi1> -> vector<16xi32>
      %reduce_sum3A_200 = vector.extract %reduce_sum3A_199[15] : i32 from vector<16xi32>
      %sub3A_201 = arith.constant 1 : i32
      %sub3A_202 = arith.subi %reduce_sum3A_190, %sub3A_201 : i32
      %scan3A_203 = arith.constant 0 : i32
      %scan3A_204 = arith.constant 0 : i32
      %scan3A_205 = arith.constant 16 : i32
      %scan3A_206 = arith.addi %scan3A_204, %scan3A_205 : i32
      %scan3A_207 = arith.constant 1 : i32
      scf.for %scan3A_284 = %scan3A_204 to %scan3A_206 step %scan3A_207  : i32 {
        %mul3A_285 = arith.constant 16 : i32
        %mul3A_286 = arith.muli %scan3A_284, %mul3A_285 : i32
        %add3A_287 = arith.addi %mul3A_18, %mul3A_286 : i32
        %add3A_288 = vector.broadcast %add3A_287 : i32 to vector<16xi32>
        %add3A_289 = arith.addi %add3A_288, %iota3A : vector<16xi32>
        %mul3A_290 = vector.broadcast %reduce_sum3A_190 : i32 to vector<16xi32>
        %mul3A_291 = arith.muli %add3A_289, %mul3A_290 : vector<16xi32>
        %shift_right_arithmetic3A = arith.constant 12 : i32
        %shift_right_arithmetic3A_292 = vector.broadcast %shift_right_arithmetic3A : i32 to vector<16xi32>
        %shift_right_arithmetic3A_293 = arith.shrsi %mul3A_291, %shift_right_arithmetic3A_292 : vector<16xi32>
        %min3A = vector.broadcast %sub3A_202 : i32 to vector<16xi32>
        %min3A_294 = arith.minsi %shift_right_arithmetic3A_293, %min3A : vector<16xi32>
        %add3A_295 = vector.broadcast %reduce_sum3A_200 : i32 to vector<16xi32>
        %add3A_296 = arith.addi %add3A_295, %min3A_294 : vector<16xi32>
        %lt3A = arith.constant 0 : i32
        %lt3A_297 = vector.broadcast %lt3A : i32 to vector<16xi32>
        %lt3A_298 = arith.cmpi slt, %add3A_296, %lt3A_297 : vector<16xi32>
        %add3A_299 = arith.constant 16384 : i32
        %add3A_300 = vector.broadcast %add3A_299 : i32 to vector<16xi32>
        %add3A_301 = arith.addi %add3A_296, %add3A_300 : vector<16xi32>
        %select_n3A_302 = arith.select %lt3A_298, %add3A_301, %add3A_296 : vector<16xi1>, vector<16xi32>
        %mul3A_303 = arith.constant 4 : i32
        %mul3A_304 = vector.broadcast %mul3A_303 : i32 to vector<16xi32>
        %mul3A_305 = arith.muli %select_n3A_302, %mul3A_304 : vector<16xi32>
        %add3A_306 = arith.constant 0 : i32
        %add3A_307 = vector.broadcast %add3A_306 : i32 to vector<16xi32>
        %add3A_308 = arith.addi %mul3A_305, %add3A_307 : vector<16xi32>
        %gather3A = tpu.vector_load_idx %arg8[%add3A_308] : memref<65536xf32, #tpu.memory_space<vmem>>[vector<16xi32>], vector<16xf32>,
        %mul3A_309 = arith.constant 16 : i32
        %mul3A_310 = arith.muli %scan3A_284, %mul3A_309 : i32
        %add3A_311 = arith.constant 4608 : i32
        %add3A_312 = arith.addi %add3A_311, %mul3A_310 : i32
        %swap3A = arith.index_cast %add3A_312 : i32 to index
        %swap3A_313 = tpu.vector_load %arg9[%swap3A] {strides = array<i32>} : memref<6144xf32, #tpu.memory_space<vmem>>, vector<16xf32>,
        tpu.vector_store %arg9[%swap3A], %gather3A {strides = array<i32>} : memref<6144xf32, #tpu.memory_space<vmem>>, vector<16xf32>,
        %add3A_314 = arith.constant 1 : i32
        %add3A_315 = vector.broadcast %add3A_314 : i32 to vector<16xi32>
        %add3A_316 = arith.addi %mul3A_305, %add3A_315 : vector<16xi32>
        %gather3A_317 = tpu.vector_load_idx %arg8[%add3A_316] : memref<65536xf32, #tpu.memory_space<vmem>>[vector<16xi32>], vector<16xf32>,
        %mul3A_318 = arith.constant 16 : i32
        %mul3A_319 = arith.muli %scan3A_284, %mul3A_318 : i32
        %add3A_320 = arith.constant 4864 : i32
        %add3A_321 = arith.addi %add3A_320, %mul3A_319 : i32
        %swap3A_322 = arith.index_cast %add3A_321 : i32 to index
        %swap3A_323 = tpu.vector_load %arg9[%swap3A_322] {strides = array<i32>} : memref<6144xf32, #tpu.memory_space<vmem>>, vector<16xf32>,
        tpu.vector_store %arg9[%swap3A_322], %gather3A_317 {strides = array<i32>} : memref<6144xf32, #tpu.memory_space<vmem>>, vector<16xf32>,
        %add3A_324 = arith.constant 2 : i32
        %add3A_325 = vector.broadcast %add3A_324 : i32 to vector<16xi32>
        %add3A_326 = arith.addi %mul3A_305, %add3A_325 : vector<16xi32>
        %gather3A_327 = tpu.vector_load_idx %arg8[%add3A_326] : memref<65536xf32, #tpu.memory_space<vmem>>[vector<16xi32>], vector<16xf32>,
        %mul3A_328 = arith.constant 16 : i32
        %mul3A_329 = arith.muli %scan3A_284, %mul3A_328 : i32
        %add3A_330 = arith.constant 5120 : i32
        %add3A_331 = arith.addi %add3A_330, %mul3A_329 : i32
        %swap3A_332 = arith.index_cast %add3A_331 : i32 to index
        %swap3A_333 = tpu.vector_load %arg9[%swap3A_332] {strides = array<i32>} : memref<6144xf32, #tpu.memory_space<vmem>>, vector<16xf32>,
        tpu.vector_store %arg9[%swap3A_332], %gather3A_327 {strides = array<i32>} : memref<6144xf32, #tpu.memory_space<vmem>>, vector<16xf32>,
      }
      %scan3A_208 = arith.constant 16 : i32
      %eq3A_209 = arith.constant 7 : i32
      %eq3A_210 = vector.broadcast %eq3A_209 : i32 to vector<16xi32>
      %eq3A_211 = arith.cmpi eq, %iota3A, %eq3A_210 : vector<16xi32>
      %jit3A_212 = arith.constant 0 : i32
      %broadcast_in_dim3A_213 = vector.broadcast %jit3A_212 : i32 to vector<16xi32>
      %select_n3A_214 = arith.select %eq3A_211, %get3A_15, %broadcast_in_dim3A_213 : vector<16xi1>, vector<16xi32>
      %reduce_sum3A_215 = arith.constant true
      %reduce_sum3A_216 = vector.broadcast %reduce_sum3A_215 : i1 to vector<16xi1>
      %reduce_sum3A_217 = tpu.scan <sum>, %select_n3A_214 masked %reduce_sum3A_216 : vector<16xi32>, vector<16xi1> -> vector<16xi32>
      %reduce_sum3A_218 = vector.extract %reduce_sum3A_217[15] : i32 from vector<16xi32>
      %eq3A_219 = arith.constant 7 : i32
      %eq3A_220 = vector.broadcast %eq3A_219 : i32 to vector<16xi32>
      %eq3A_221 = arith.cmpi eq, %iota3A, %eq3A_220 : vector<16xi32>
      %jit3A_222 = arith.constant 0 : i32
      %broadcast_in_dim3A_223 = vector.broadcast %jit3A_222 : i32 to vector<16xi32>
      %select_n3A_224 = arith.select %eq3A_221, %get3A_17, %broadcast_in_dim3A_223 : vector<16xi1>, vector<16xi32>
      %reduce_sum3A_225 = arith.constant true
      %reduce_sum3A_226 = vector.broadcast %reduce_sum3A_225 : i1 to vector<16xi1>
      %reduce_sum3A_227 = tpu.scan <sum>, %select_n3A_224 masked %reduce_sum3A_226 : vector<16xi32>, vector<16xi1> -> vector<16xi32>
      %reduce_sum3A_228 = vector.extract %reduce_sum3A_227[15] : i32 from vector<16xi32>
      %sub3A_229 = arith.constant 1 : i32
      %sub3A_230 = arith.subi %reduce_sum3A_218, %sub3A_229 : i32
      %scan3A_231 = arith.constant 0 : i32
      %scan3A_232 = arith.constant 0 : i32
      %scan3A_233 = arith.constant 16 : i32
      %scan3A_234 = arith.addi %scan3A_232, %scan3A_233 : i32
      %scan3A_235 = arith.constant 1 : i32
      scf.for %scan3A_284 = %scan3A_232 to %scan3A_234 step %scan3A_235  : i32 {
        %mul3A_285 = arith.constant 16 : i32
        %mul3A_286 = arith.muli %scan3A_284, %mul3A_285 : i32
        %add3A_287 = arith.addi %mul3A_18, %mul3A_286 : i32
        %add3A_288 = vector.broadcast %add3A_287 : i32 to vector<16xi32>
        %add3A_289 = arith.addi %add3A_288, %iota3A : vector<16xi32>
        %mul3A_290 = vector.broadcast %reduce_sum3A_218 : i32 to vector<16xi32>
        %mul3A_291 = arith.muli %add3A_289, %mul3A_290 : vector<16xi32>
        %shift_right_arithmetic3A = arith.constant 12 : i32
        %shift_right_arithmetic3A_292 = vector.broadcast %shift_right_arithmetic3A : i32 to vector<16xi32>
        %shift_right_arithmetic3A_293 = arith.shrsi %mul3A_291, %shift_right_arithmetic3A_292 : vector<16xi32>
        %min3A = vector.broadcast %sub3A_230 : i32 to vector<16xi32>
        %min3A_294 = arith.minsi %shift_right_arithmetic3A_293, %min3A : vector<16xi32>
        %add3A_295 = vector.broadcast %reduce_sum3A_228 : i32 to vector<16xi32>
        %add3A_296 = arith.addi %add3A_295, %min3A_294 : vector<16xi32>
        %lt3A = arith.constant 0 : i32
        %lt3A_297 = vector.broadcast %lt3A : i32 to vector<16xi32>
        %lt3A_298 = arith.cmpi slt, %add3A_296, %lt3A_297 : vector<16xi32>
        %add3A_299 = arith.constant 16384 : i32
        %add3A_300 = vector.broadcast %add3A_299 : i32 to vector<16xi32>
        %add3A_301 = arith.addi %add3A_296, %add3A_300 : vector<16xi32>
        %select_n3A_302 = arith.select %lt3A_298, %add3A_301, %add3A_296 : vector<16xi1>, vector<16xi32>
        %mul3A_303 = arith.constant 4 : i32
        %mul3A_304 = vector.broadcast %mul3A_303 : i32 to vector<16xi32>
        %mul3A_305 = arith.muli %select_n3A_302, %mul3A_304 : vector<16xi32>
        %add3A_306 = arith.constant 0 : i32
        %add3A_307 = vector.broadcast %add3A_306 : i32 to vector<16xi32>
        %add3A_308 = arith.addi %mul3A_305, %add3A_307 : vector<16xi32>
        %gather3A = tpu.vector_load_idx %arg8[%add3A_308] : memref<65536xf32, #tpu.memory_space<vmem>>[vector<16xi32>], vector<16xf32>,
        %mul3A_309 = arith.constant 16 : i32
        %mul3A_310 = arith.muli %scan3A_284, %mul3A_309 : i32
        %add3A_311 = arith.constant 5376 : i32
        %add3A_312 = arith.addi %add3A_311, %mul3A_310 : i32
        %swap3A = arith.index_cast %add3A_312 : i32 to index
        %swap3A_313 = tpu.vector_load %arg9[%swap3A] {strides = array<i32>} : memref<6144xf32, #tpu.memory_space<vmem>>, vector<16xf32>,
        tpu.vector_store %arg9[%swap3A], %gather3A {strides = array<i32>} : memref<6144xf32, #tpu.memory_space<vmem>>, vector<16xf32>,
        %add3A_314 = arith.constant 1 : i32
        %add3A_315 = vector.broadcast %add3A_314 : i32 to vector<16xi32>
        %add3A_316 = arith.addi %mul3A_305, %add3A_315 : vector<16xi32>
        %gather3A_317 = tpu.vector_load_idx %arg8[%add3A_316] : memref<65536xf32, #tpu.memory_space<vmem>>[vector<16xi32>], vector<16xf32>,
        %mul3A_318 = arith.constant 16 : i32
        %mul3A_319 = arith.muli %scan3A_284, %mul3A_318 : i32
        %add3A_320 = arith.constant 5632 : i32
        %add3A_321 = arith.addi %add3A_320, %mul3A_319 : i32
        %swap3A_322 = arith.index_cast %add3A_321 : i32 to index
        %swap3A_323 = tpu.vector_load %arg9[%swap3A_322] {strides = array<i32>} : memref<6144xf32, #tpu.memory_space<vmem>>, vector<16xf32>,
        tpu.vector_store %arg9[%swap3A_322], %gather3A_317 {strides = array<i32>} : memref<6144xf32, #tpu.memory_space<vmem>>, vector<16xf32>,
        %add3A_324 = arith.constant 2 : i32
        %add3A_325 = vector.broadcast %add3A_324 : i32 to vector<16xi32>
        %add3A_326 = arith.addi %mul3A_305, %add3A_325 : vector<16xi32>
        %gather3A_327 = tpu.vector_load_idx %arg8[%add3A_326] : memref<65536xf32, #tpu.memory_space<vmem>>[vector<16xi32>], vector<16xf32>,
        %mul3A_328 = arith.constant 16 : i32
        %mul3A_329 = arith.muli %scan3A_284, %mul3A_328 : i32
        %add3A_330 = arith.constant 5888 : i32
        %add3A_331 = arith.addi %add3A_330, %mul3A_329 : i32
        %swap3A_332 = arith.index_cast %add3A_331 : i32 to index
        %swap3A_333 = tpu.vector_load %arg9[%swap3A_332] {strides = array<i32>} : memref<6144xf32, #tpu.memory_space<vmem>>, vector<16xf32>,
        tpu.vector_store %arg9[%swap3A_332], %gather3A_327 {strides = array<i32>} : memref<6144xf32, #tpu.memory_space<vmem>>, vector<16xf32>,
      }
      %scan3A_236 = arith.constant 16 : i32
      %add3A = arith.constant 0 : i32
      %add3A_237 = arith.addi %add3A, %mul3A_18 : i32
      "tpu.region"() ({
        %run_scoped3A = tpu.sem_alloc : memref<!tpu.dma_semaphore, #tpu.memory_space<semaphore_mem>>
        %dma_start3A = arith.constant 0 : i32
        %dma_start3A_284 = tpu.memref_slice %arg9[%dma_start3A] : memref<6144xf32, #tpu.memory_space<vmem>> -> memref<256xf32, #tpu.memory_space<vmem>>
        %dma_start3A_285 = tpu.memref_slice %arg4[%add3A_237] : memref<98304xf32, #tpu.memory_space<hbm>> -> memref<256xf32, #tpu.memory_space<hbm>>
        %dma_start3A_286 = tpu.memref_slice %arg4[%add3A_237] : memref<98304xf32, #tpu.memory_space<hbm>> -> memref<256xf32, #tpu.memory_space<hbm>>
        %dma_start3A_287 = arith.constant 0 : i32
        %dma_start3A_288 = tpu.memref_slice %arg9[%dma_start3A_287] : memref<6144xf32, #tpu.memory_space<vmem>> -> memref<256xf32, #tpu.memory_space<vmem>>
        tpu.enqueue_dma source(%dma_start3A_288 : memref<256xf32, #tpu.memory_space<vmem>>) target(%dma_start3A_286 : memref<256xf32, #tpu.memory_space<hbm>>) target_semaphore(%run_scoped3A : memref<!tpu.dma_semaphore, #tpu.memory_space<semaphore_mem>>)
        %dma_wait3A = arith.constant 0 : i32
        %dma_wait3A_289 = tpu.memref_slice %arg9[%dma_wait3A] : memref<6144xf32, #tpu.memory_space<vmem>> -> memref<256xf32, #tpu.memory_space<vmem>>
        %dma_wait3A_290 = tpu.memref_slice %arg4[%add3A_237] : memref<98304xf32, #tpu.memory_space<hbm>> -> memref<256xf32, #tpu.memory_space<hbm>>
        %dma_wait3A_291 = tpu.memref_slice %arg4[%add3A_237] : memref<98304xf32, #tpu.memory_space<hbm>> -> memref<256xf32, #tpu.memory_space<hbm>>
        %dma_wait3A_292 = arith.constant 0 : i32
        %dma_wait3A_293 = tpu.memref_slice %arg9[%dma_wait3A_292] : memref<6144xf32, #tpu.memory_space<vmem>> -> memref<256xf32, #tpu.memory_space<vmem>>
        tpu.wait_dma2 semaphore(%run_scoped3A : memref<!tpu.dma_semaphore, #tpu.memory_space<semaphore_mem>>) src(%dma_wait3A_293 : memref<256xf32, #tpu.memory_space<vmem>>) dst(%dma_wait3A_291 : memref<256xf32, #tpu.memory_space<hbm>>)
        tpu.yield
      }) : () -> ()
      %add3A_238 = arith.constant 4096 : i32
      %add3A_239 = arith.addi %add3A_238, %mul3A_18 : i32
      "tpu.region"() ({
        %run_scoped3A = tpu.sem_alloc : memref<!tpu.dma_semaphore, #tpu.memory_space<semaphore_mem>>
        %dma_start3A = arith.constant 256 : i32
        %dma_start3A_284 = tpu.memref_slice %arg9[%dma_start3A] : memref<6144xf32, #tpu.memory_space<vmem>> -> memref<256xf32, #tpu.memory_space<vmem>>
        %dma_start3A_285 = tpu.memref_slice %arg4[%add3A_239] : memref<98304xf32, #tpu.memory_space<hbm>> -> memref<256xf32, #tpu.memory_space<hbm>>
        %dma_start3A_286 = tpu.memref_slice %arg4[%add3A_239] : memref<98304xf32, #tpu.memory_space<hbm>> -> memref<256xf32, #tpu.memory_space<hbm>>
        %dma_start3A_287 = arith.constant 256 : i32
        %dma_start3A_288 = tpu.memref_slice %arg9[%dma_start3A_287] : memref<6144xf32, #tpu.memory_space<vmem>> -> memref<256xf32, #tpu.memory_space<vmem>>
        tpu.enqueue_dma source(%dma_start3A_288 : memref<256xf32, #tpu.memory_space<vmem>>) target(%dma_start3A_286 : memref<256xf32, #tpu.memory_space<hbm>>) target_semaphore(%run_scoped3A : memref<!tpu.dma_semaphore, #tpu.memory_space<semaphore_mem>>)
        %dma_wait3A = arith.constant 256 : i32
        %dma_wait3A_289 = tpu.memref_slice %arg9[%dma_wait3A] : memref<6144xf32, #tpu.memory_space<vmem>> -> memref<256xf32, #tpu.memory_space<vmem>>
        %dma_wait3A_290 = tpu.memref_slice %arg4[%add3A_239] : memref<98304xf32, #tpu.memory_space<hbm>> -> memref<256xf32, #tpu.memory_space<hbm>>
        %dma_wait3A_291 = tpu.memref_slice %arg4[%add3A_239] : memref<98304xf32, #tpu.memory_space<hbm>> -> memref<256xf32, #tpu.memory_space<hbm>>
        %dma_wait3A_292 = arith.constant 256 : i32
        %dma_wait3A_293 = tpu.memref_slice %arg9[%dma_wait3A_292] : memref<6144xf32, #tpu.memory_space<vmem>> -> memref<256xf32, #tpu.memory_space<vmem>>
        tpu.wait_dma2 semaphore(%run_scoped3A : memref<!tpu.dma_semaphore, #tpu.memory_space<semaphore_mem>>) src(%dma_wait3A_293 : memref<256xf32, #tpu.memory_space<vmem>>) dst(%dma_wait3A_291 : memref<256xf32, #tpu.memory_space<hbm>>)
        tpu.yield
      }) : () -> ()
      %add3A_240 = arith.constant 8192 : i32
      %add3A_241 = arith.addi %add3A_240, %mul3A_18 : i32
      "tpu.region"() ({
        %run_scoped3A = tpu.sem_alloc : memref<!tpu.dma_semaphore, #tpu.memory_space<semaphore_mem>>
        %dma_start3A = arith.constant 512 : i32
        %dma_start3A_284 = tpu.memref_slice %arg9[%dma_start3A] : memref<6144xf32, #tpu.memory_space<vmem>> -> memref<256xf32, #tpu.memory_space<vmem>>
        %dma_start3A_285 = tpu.memref_slice %arg4[%add3A_241] : memref<98304xf32, #tpu.memory_space<hbm>> -> memref<256xf32, #tpu.memory_space<hbm>>
        %dma_start3A_286 = tpu.memref_slice %arg4[%add3A_241] : memref<98304xf32, #tpu.memory_space<hbm>> -> memref<256xf32, #tpu.memory_space<hbm>>
        %dma_start3A_287 = arith.constant 512 : i32
        %dma_start3A_288 = tpu.memref_slice %arg9[%dma_start3A_287] : memref<6144xf32, #tpu.memory_space<vmem>> -> memref<256xf32, #tpu.memory_space<vmem>>
        tpu.enqueue_dma source(%dma_start3A_288 : memref<256xf32, #tpu.memory_space<vmem>>) target(%dma_start3A_286 : memref<256xf32, #tpu.memory_space<hbm>>) target_semaphore(%run_scoped3A : memref<!tpu.dma_semaphore, #tpu.memory_space<semaphore_mem>>)
        %dma_wait3A = arith.constant 512 : i32
        %dma_wait3A_289 = tpu.memref_slice %arg9[%dma_wait3A] : memref<6144xf32, #tpu.memory_space<vmem>> -> memref<256xf32, #tpu.memory_space<vmem>>
        %dma_wait3A_290 = tpu.memref_slice %arg4[%add3A_241] : memref<98304xf32, #tpu.memory_space<hbm>> -> memref<256xf32, #tpu.memory_space<hbm>>
        %dma_wait3A_291 = tpu.memref_slice %arg4[%add3A_241] : memref<98304xf32, #tpu.memory_space<hbm>> -> memref<256xf32, #tpu.memory_space<hbm>>
        %dma_wait3A_292 = arith.constant 512 : i32
        %dma_wait3A_293 = tpu.memref_slice %arg9[%dma_wait3A_292] : memref<6144xf32, #tpu.memory_space<vmem>> -> memref<256xf32, #tpu.memory_space<vmem>>
        tpu.wait_dma2 semaphore(%run_scoped3A : memref<!tpu.dma_semaphore, #tpu.memory_space<semaphore_mem>>) src(%dma_wait3A_293 : memref<256xf32, #tpu.memory_space<vmem>>) dst(%dma_wait3A_291 : memref<256xf32, #tpu.memory_space<hbm>>)
        tpu.yield
      }) : () -> ()
      %add3A_242 = arith.constant 12288 : i32
      %add3A_243 = arith.addi %add3A_242, %mul3A_18 : i32
      "tpu.region"() ({
        %run_scoped3A = tpu.sem_alloc : memref<!tpu.dma_semaphore, #tpu.memory_space<semaphore_mem>>
        %dma_start3A = arith.constant 768 : i32
        %dma_start3A_284 = tpu.memref_slice %arg9[%dma_start3A] : memref<6144xf32, #tpu.memory_space<vmem>> -> memref<256xf32, #tpu.memory_space<vmem>>
        %dma_start3A_285 = tpu.memref_slice %arg4[%add3A_243] : memref<98304xf32, #tpu.memory_space<hbm>> -> memref<256xf32, #tpu.memory_space<hbm>>
        %dma_start3A_286 = tpu.memref_slice %arg4[%add3A_243] : memref<98304xf32, #tpu.memory_space<hbm>> -> memref<256xf32, #tpu.memory_space<hbm>>
        %dma_start3A_287 = arith.constant 768 : i32
        %dma_start3A_288 = tpu.memref_slice %arg9[%dma_start3A_287] : memref<6144xf32, #tpu.memory_space<vmem>> -> memref<256xf32, #tpu.memory_space<vmem>>
        tpu.enqueue_dma source(%dma_start3A_288 : memref<256xf32, #tpu.memory_space<vmem>>) target(%dma_start3A_286 : memref<256xf32, #tpu.memory_space<hbm>>) target_semaphore(%run_scoped3A : memref<!tpu.dma_semaphore, #tpu.memory_space<semaphore_mem>>)
        %dma_wait3A = arith.constant 768 : i32
        %dma_wait3A_289 = tpu.memref_slice %arg9[%dma_wait3A] : memref<6144xf32, #tpu.memory_space<vmem>> -> memref<256xf32, #tpu.memory_space<vmem>>
        %dma_wait3A_290 = tpu.memref_slice %arg4[%add3A_243] : memref<98304xf32, #tpu.memory_space<hbm>> -> memref<256xf32, #tpu.memory_space<hbm>>
        %dma_wait3A_291 = tpu.memref_slice %arg4[%add3A_243] : memref<98304xf32, #tpu.memory_space<hbm>> -> memref<256xf32, #tpu.memory_space<hbm>>
        %dma_wait3A_292 = arith.constant 768 : i32
        %dma_wait3A_293 = tpu.memref_slice %arg9[%dma_wait3A_292] : memref<6144xf32, #tpu.memory_space<vmem>> -> memref<256xf32, #tpu.memory_space<vmem>>
        tpu.wait_dma2 semaphore(%run_scoped3A : memref<!tpu.dma_semaphore, #tpu.memory_space<semaphore_mem>>) src(%dma_wait3A_293 : memref<256xf32, #tpu.memory_space<vmem>>) dst(%dma_wait3A_291 : memref<256xf32, #tpu.memory_space<hbm>>)
        tpu.yield
      }) : () -> ()
      %add3A_244 = arith.constant 16384 : i32
      %add3A_245 = arith.addi %add3A_244, %mul3A_18 : i32
      "tpu.region"() ({
        %run_scoped3A = tpu.sem_alloc : memref<!tpu.dma_semaphore, #tpu.memory_space<semaphore_mem>>
        %dma_start3A = arith.constant 1024 : i32
        %dma_start3A_284 = tpu.memref_slice %arg9[%dma_start3A] : memref<6144xf32, #tpu.memory_space<vmem>> -> memref<256xf32, #tpu.memory_space<vmem>>
        %dma_start3A_285 = tpu.memref_slice %arg4[%add3A_245] : memref<98304xf32, #tpu.memory_space<hbm>> -> memref<256xf32, #tpu.memory_space<hbm>>
        %dma_start3A_286 = tpu.memref_slice %arg4[%add3A_245] : memref<98304xf32, #tpu.memory_space<hbm>> -> memref<256xf32, #tpu.memory_space<hbm>>
        %dma_start3A_287 = arith.constant 1024 : i32
        %dma_start3A_288 = tpu.memref_slice %arg9[%dma_start3A_287] : memref<6144xf32, #tpu.memory_space<vmem>> -> memref<256xf32, #tpu.memory_space<vmem>>
        tpu.enqueue_dma source(%dma_start3A_288 : memref<256xf32, #tpu.memory_space<vmem>>) target(%dma_start3A_286 : memref<256xf32, #tpu.memory_space<hbm>>) target_semaphore(%run_scoped3A : memref<!tpu.dma_semaphore, #tpu.memory_space<semaphore_mem>>)
        %dma_wait3A = arith.constant 1024 : i32
        %dma_wait3A_289 = tpu.memref_slice %arg9[%dma_wait3A] : memref<6144xf32, #tpu.memory_space<vmem>> -> memref<256xf32, #tpu.memory_space<vmem>>
        %dma_wait3A_290 = tpu.memref_slice %arg4[%add3A_245] : memref<98304xf32, #tpu.memory_space<hbm>> -> memref<256xf32, #tpu.memory_space<hbm>>
        %dma_wait3A_291 = tpu.memref_slice %arg4[%add3A_245] : memref<98304xf32, #tpu.memory_space<hbm>> -> memref<256xf32, #tpu.memory_space<hbm>>
        %dma_wait3A_292 = arith.constant 1024 : i32
        %dma_wait3A_293 = tpu.memref_slice %arg9[%dma_wait3A_292] : memref<6144xf32, #tpu.memory_space<vmem>> -> memref<256xf32, #tpu.memory_space<vmem>>
        tpu.wait_dma2 semaphore(%run_scoped3A : memref<!tpu.dma_semaphore, #tpu.memory_space<semaphore_mem>>) src(%dma_wait3A_293 : memref<256xf32, #tpu.memory_space<vmem>>) dst(%dma_wait3A_291 : memref<256xf32, #tpu.memory_space<hbm>>)
        tpu.yield
      }) : () -> ()
      %add3A_246 = arith.constant 20480 : i32
      %add3A_247 = arith.addi %add3A_246, %mul3A_18 : i32
      "tpu.region"() ({
        %run_scoped3A = tpu.sem_alloc : memref<!tpu.dma_semaphore, #tpu.memory_space<semaphore_mem>>
        %dma_start3A = arith.constant 1280 : i32
        %dma_start3A_284 = tpu.memref_slice %arg9[%dma_start3A] : memref<6144xf32, #tpu.memory_space<vmem>> -> memref<256xf32, #tpu.memory_space<vmem>>
        %dma_start3A_285 = tpu.memref_slice %arg4[%add3A_247] : memref<98304xf32, #tpu.memory_space<hbm>> -> memref<256xf32, #tpu.memory_space<hbm>>
        %dma_start3A_286 = tpu.memref_slice %arg4[%add3A_247] : memref<98304xf32, #tpu.memory_space<hbm>> -> memref<256xf32, #tpu.memory_space<hbm>>
        %dma_start3A_287 = arith.constant 1280 : i32
        %dma_start3A_288 = tpu.memref_slice %arg9[%dma_start3A_287] : memref<6144xf32, #tpu.memory_space<vmem>> -> memref<256xf32, #tpu.memory_space<vmem>>
        tpu.enqueue_dma source(%dma_start3A_288 : memref<256xf32, #tpu.memory_space<vmem>>) target(%dma_start3A_286 : memref<256xf32, #tpu.memory_space<hbm>>) target_semaphore(%run_scoped3A : memref<!tpu.dma_semaphore, #tpu.memory_space<semaphore_mem>>)
        %dma_wait3A = arith.constant 1280 : i32
        %dma_wait3A_289 = tpu.memref_slice %arg9[%dma_wait3A] : memref<6144xf32, #tpu.memory_space<vmem>> -> memref<256xf32, #tpu.memory_space<vmem>>
        %dma_wait3A_290 = tpu.memref_slice %arg4[%add3A_247] : memref<98304xf32, #tpu.memory_space<hbm>> -> memref<256xf32, #tpu.memory_space<hbm>>
        %dma_wait3A_291 = tpu.memref_slice %arg4[%add3A_247] : memref<98304xf32, #tpu.memory_space<hbm>> -> memref<256xf32, #tpu.memory_space<hbm>>
        %dma_wait3A_292 = arith.constant 1280 : i32
        %dma_wait3A_293 = tpu.memref_slice %arg9[%dma_wait3A_292] : memref<6144xf32, #tpu.memory_space<vmem>> -> memref<256xf32, #tpu.memory_space<vmem>>
        tpu.wait_dma2 semaphore(%run_scoped3A : memref<!tpu.dma_semaphore, #tpu.memory_space<semaphore_mem>>) src(%dma_wait3A_293 : memref<256xf32, #tpu.memory_space<vmem>>) dst(%dma_wait3A_291 : memref<256xf32, #tpu.memory_space<hbm>>)
        tpu.yield
      }) : () -> ()
      %add3A_248 = arith.constant 24576 : i32
      %add3A_249 = arith.addi %add3A_248, %mul3A_18 : i32
      "tpu.region"() ({
        %run_scoped3A = tpu.sem_alloc : memref<!tpu.dma_semaphore, #tpu.memory_space<semaphore_mem>>
        %dma_start3A = arith.constant 1536 : i32
        %dma_start3A_284 = tpu.memref_slice %arg9[%dma_start3A] : memref<6144xf32, #tpu.memory_space<vmem>> -> memref<256xf32, #tpu.memory_space<vmem>>
        %dma_start3A_285 = tpu.memref_slice %arg4[%add3A_249] : memref<98304xf32, #tpu.memory_space<hbm>> -> memref<256xf32, #tpu.memory_space<hbm>>
        %dma_start3A_286 = tpu.memref_slice %arg4[%add3A_249] : memref<98304xf32, #tpu.memory_space<hbm>> -> memref<256xf32, #tpu.memory_space<hbm>>
        %dma_start3A_287 = arith.constant 1536 : i32
        %dma_start3A_288 = tpu.memref_slice %arg9[%dma_start3A_287] : memref<6144xf32, #tpu.memory_space<vmem>> -> memref<256xf32, #tpu.memory_space<vmem>>
        tpu.enqueue_dma source(%dma_start3A_288 : memref<256xf32, #tpu.memory_space<vmem>>) target(%dma_start3A_286 : memref<256xf32, #tpu.memory_space<hbm>>) target_semaphore(%run_scoped3A : memref<!tpu.dma_semaphore, #tpu.memory_space<semaphore_mem>>)
        %dma_wait3A = arith.constant 1536 : i32
        %dma_wait3A_289 = tpu.memref_slice %arg9[%dma_wait3A] : memref<6144xf32, #tpu.memory_space<vmem>> -> memref<256xf32, #tpu.memory_space<vmem>>
        %dma_wait3A_290 = tpu.memref_slice %arg4[%add3A_249] : memref<98304xf32, #tpu.memory_space<hbm>> -> memref<256xf32, #tpu.memory_space<hbm>>
        %dma_wait3A_291 = tpu.memref_slice %arg4[%add3A_249] : memref<98304xf32, #tpu.memory_space<hbm>> -> memref<256xf32, #tpu.memory_space<hbm>>
        %dma_wait3A_292 = arith.constant 1536 : i32
        %dma_wait3A_293 = tpu.memref_slice %arg9[%dma_wait3A_292] : memref<6144xf32, #tpu.memory_space<vmem>> -> memref<256xf32, #tpu.memory_space<vmem>>
        tpu.wait_dma2 semaphore(%run_scoped3A : memref<!tpu.dma_semaphore, #tpu.memory_space<semaphore_mem>>) src(%dma_wait3A_293 : memref<256xf32, #tpu.memory_space<vmem>>) dst(%dma_wait3A_291 : memref<256xf32, #tpu.memory_space<hbm>>)
        tpu.yield
      }) : () -> ()
      %add3A_250 = arith.constant 28672 : i32
      %add3A_251 = arith.addi %add3A_250, %mul3A_18 : i32
      "tpu.region"() ({
        %run_scoped3A = tpu.sem_alloc : memref<!tpu.dma_semaphore, #tpu.memory_space<semaphore_mem>>
        %dma_start3A = arith.constant 1792 : i32
        %dma_start3A_284 = tpu.memref_slice %arg9[%dma_start3A] : memref<6144xf32, #tpu.memory_space<vmem>> -> memref<256xf32, #tpu.memory_space<vmem>>
        %dma_start3A_285 = tpu.memref_slice %arg4[%add3A_251] : memref<98304xf32, #tpu.memory_space<hbm>> -> memref<256xf32, #tpu.memory_space<hbm>>
        %dma_start3A_286 = tpu.memref_slice %arg4[%add3A_251] : memref<98304xf32, #tpu.memory_space<hbm>> -> memref<256xf32, #tpu.memory_space<hbm>>
        %dma_start3A_287 = arith.constant 1792 : i32
        %dma_start3A_288 = tpu.memref_slice %arg9[%dma_start3A_287] : memref<6144xf32, #tpu.memory_space<vmem>> -> memref<256xf32, #tpu.memory_space<vmem>>
        tpu.enqueue_dma source(%dma_start3A_288 : memref<256xf32, #tpu.memory_space<vmem>>) target(%dma_start3A_286 : memref<256xf32, #tpu.memory_space<hbm>>) target_semaphore(%run_scoped3A : memref<!tpu.dma_semaphore, #tpu.memory_space<semaphore_mem>>)
        %dma_wait3A = arith.constant 1792 : i32
        %dma_wait3A_289 = tpu.memref_slice %arg9[%dma_wait3A] : memref<6144xf32, #tpu.memory_space<vmem>> -> memref<256xf32, #tpu.memory_space<vmem>>
        %dma_wait3A_290 = tpu.memref_slice %arg4[%add3A_251] : memref<98304xf32, #tpu.memory_space<hbm>> -> memref<256xf32, #tpu.memory_space<hbm>>
        %dma_wait3A_291 = tpu.memref_slice %arg4[%add3A_251] : memref<98304xf32, #tpu.memory_space<hbm>> -> memref<256xf32, #tpu.memory_space<hbm>>
        %dma_wait3A_292 = arith.constant 1792 : i32
        %dma_wait3A_293 = tpu.memref_slice %arg9[%dma_wait3A_292] : memref<6144xf32, #tpu.memory_space<vmem>> -> memref<256xf32, #tpu.memory_space<vmem>>
        tpu.wait_dma2 semaphore(%run_scoped3A : memref<!tpu.dma_semaphore, #tpu.memory_space<semaphore_mem>>) src(%dma_wait3A_293 : memref<256xf32, #tpu.memory_space<vmem>>) dst(%dma_wait3A_291 : memref<256xf32, #tpu.memory_space<hbm>>)
        tpu.yield
      }) : () -> ()
      %add3A_252 = arith.constant 32768 : i32
      %add3A_253 = arith.addi %add3A_252, %mul3A_18 : i32
      "tpu.region"() ({
        %run_scoped3A = tpu.sem_alloc : memref<!tpu.dma_semaphore, #tpu.memory_space<semaphore_mem>>
        %dma_start3A = arith.constant 2048 : i32
        %dma_start3A_284 = tpu.memref_slice %arg9[%dma_start3A] : memref<6144xf32, #tpu.memory_space<vmem>> -> memref<256xf32, #tpu.memory_space<vmem>>
        %dma_start3A_285 = tpu.memref_slice %arg4[%add3A_253] : memref<98304xf32, #tpu.memory_space<hbm>> -> memref<256xf32, #tpu.memory_space<hbm>>
        %dma_start3A_286 = tpu.memref_slice %arg4[%add3A_253] : memref<98304xf32, #tpu.memory_space<hbm>> -> memref<256xf32, #tpu.memory_space<hbm>>
        %dma_start3A_287 = arith.constant 2048 : i32
        %dma_start3A_288 = tpu.memref_slice %arg9[%dma_start3A_287] : memref<6144xf32, #tpu.memory_space<vmem>> -> memref<256xf32, #tpu.memory_space<vmem>>
        tpu.enqueue_dma source(%dma_start3A_288 : memref<256xf32, #tpu.memory_space<vmem>>) target(%dma_start3A_286 : memref<256xf32, #tpu.memory_space<hbm>>) target_semaphore(%run_scoped3A : memref<!tpu.dma_semaphore, #tpu.memory_space<semaphore_mem>>)
        %dma_wait3A = arith.constant 2048 : i32
        %dma_wait3A_289 = tpu.memref_slice %arg9[%dma_wait3A] : memref<6144xf32, #tpu.memory_space<vmem>> -> memref<256xf32, #tpu.memory_space<vmem>>
        %dma_wait3A_290 = tpu.memref_slice %arg4[%add3A_253] : memref<98304xf32, #tpu.memory_space<hbm>> -> memref<256xf32, #tpu.memory_space<hbm>>
        %dma_wait3A_291 = tpu.memref_slice %arg4[%add3A_253] : memref<98304xf32, #tpu.memory_space<hbm>> -> memref<256xf32, #tpu.memory_space<hbm>>
        %dma_wait3A_292 = arith.constant 2048 : i32
        %dma_wait3A_293 = tpu.memref_slice %arg9[%dma_wait3A_292] : memref<6144xf32, #tpu.memory_space<vmem>> -> memref<256xf32, #tpu.memory_space<vmem>>
        tpu.wait_dma2 semaphore(%run_scoped3A : memref<!tpu.dma_semaphore, #tpu.memory_space<semaphore_mem>>) src(%dma_wait3A_293 : memref<256xf32, #tpu.memory_space<vmem>>) dst(%dma_wait3A_291 : memref<256xf32, #tpu.memory_space<hbm>>)
        tpu.yield
      }) : () -> ()
      %add3A_254 = arith.constant 36864 : i32
      %add3A_255 = arith.addi %add3A_254, %mul3A_18 : i32
      "tpu.region"() ({
        %run_scoped3A = tpu.sem_alloc : memref<!tpu.dma_semaphore, #tpu.memory_space<semaphore_mem>>
        %dma_start3A = arith.constant 2304 : i32
        %dma_start3A_284 = tpu.memref_slice %arg9[%dma_start3A] : memref<6144xf32, #tpu.memory_space<vmem>> -> memref<256xf32, #tpu.memory_space<vmem>>
        %dma_start3A_285 = tpu.memref_slice %arg4[%add3A_255] : memref<98304xf32, #tpu.memory_space<hbm>> -> memref<256xf32, #tpu.memory_space<hbm>>
        %dma_start3A_286 = tpu.memref_slice %arg4[%add3A_255] : memref<98304xf32, #tpu.memory_space<hbm>> -> memref<256xf32, #tpu.memory_space<hbm>>
        %dma_start3A_287 = arith.constant 2304 : i32
        %dma_start3A_288 = tpu.memref_slice %arg9[%dma_start3A_287] : memref<6144xf32, #tpu.memory_space<vmem>> -> memref<256xf32, #tpu.memory_space<vmem>>
        tpu.enqueue_dma source(%dma_start3A_288 : memref<256xf32, #tpu.memory_space<vmem>>) target(%dma_start3A_286 : memref<256xf32, #tpu.memory_space<hbm>>) target_semaphore(%run_scoped3A : memref<!tpu.dma_semaphore, #tpu.memory_space<semaphore_mem>>)
        %dma_wait3A = arith.constant 2304 : i32
        %dma_wait3A_289 = tpu.memref_slice %arg9[%dma_wait3A] : memref<6144xf32, #tpu.memory_space<vmem>> -> memref<256xf32, #tpu.memory_space<vmem>>
        %dma_wait3A_290 = tpu.memref_slice %arg4[%add3A_255] : memref<98304xf32, #tpu.memory_space<hbm>> -> memref<256xf32, #tpu.memory_space<hbm>>
        %dma_wait3A_291 = tpu.memref_slice %arg4[%add3A_255] : memref<98304xf32, #tpu.memory_space<hbm>> -> memref<256xf32, #tpu.memory_space<hbm>>
        %dma_wait3A_292 = arith.constant 2304 : i32
        %dma_wait3A_293 = tpu.memref_slice %arg9[%dma_wait3A_292] : memref<6144xf32, #tpu.memory_space<vmem>> -> memref<256xf32, #tpu.memory_space<vmem>>
        tpu.wait_dma2 semaphore(%run_scoped3A : memref<!tpu.dma_semaphore, #tpu.memory_space<semaphore_mem>>) src(%dma_wait3A_293 : memref<256xf32, #tpu.memory_space<vmem>>) dst(%dma_wait3A_291 : memref<256xf32, #tpu.memory_space<hbm>>)
        tpu.yield
      }) : () -> ()
      %add3A_256 = arith.constant 40960 : i32
      %add3A_257 = arith.addi %add3A_256, %mul3A_18 : i32
      "tpu.region"() ({
        %run_scoped3A = tpu.sem_alloc : memref<!tpu.dma_semaphore, #tpu.memory_space<semaphore_mem>>
        %dma_start3A = arith.constant 2560 : i32
        %dma_start3A_284 = tpu.memref_slice %arg9[%dma_start3A] : memref<6144xf32, #tpu.memory_space<vmem>> -> memref<256xf32, #tpu.memory_space<vmem>>
        %dma_start3A_285 = tpu.memref_slice %arg4[%add3A_257] : memref<98304xf32, #tpu.memory_space<hbm>> -> memref<256xf32, #tpu.memory_space<hbm>>
        %dma_start3A_286 = tpu.memref_slice %arg4[%add3A_257] : memref<98304xf32, #tpu.memory_space<hbm>> -> memref<256xf32, #tpu.memory_space<hbm>>
        %dma_start3A_287 = arith.constant 2560 : i32
        %dma_start3A_288 = tpu.memref_slice %arg9[%dma_start3A_287] : memref<6144xf32, #tpu.memory_space<vmem>> -> memref<256xf32, #tpu.memory_space<vmem>>
        tpu.enqueue_dma source(%dma_start3A_288 : memref<256xf32, #tpu.memory_space<vmem>>) target(%dma_start3A_286 : memref<256xf32, #tpu.memory_space<hbm>>) target_semaphore(%run_scoped3A : memref<!tpu.dma_semaphore, #tpu.memory_space<semaphore_mem>>)
        %dma_wait3A = arith.constant 2560 : i32
        %dma_wait3A_289 = tpu.memref_slice %arg9[%dma_wait3A] : memref<6144xf32, #tpu.memory_space<vmem>> -> memref<256xf32, #tpu.memory_space<vmem>>
        %dma_wait3A_290 = tpu.memref_slice %arg4[%add3A_257] : memref<98304xf32, #tpu.memory_space<hbm>> -> memref<256xf32, #tpu.memory_space<hbm>>
        %dma_wait3A_291 = tpu.memref_slice %arg4[%add3A_257] : memref<98304xf32, #tpu.memory_space<hbm>> -> memref<256xf32, #tpu.memory_space<hbm>>
        %dma_wait3A_292 = arith.constant 2560 : i32
        %dma_wait3A_293 = tpu.memref_slice %arg9[%dma_wait3A_292] : memref<6144xf32, #tpu.memory_space<vmem>> -> memref<256xf32, #tpu.memory_space<vmem>>
        tpu.wait_dma2 semaphore(%run_scoped3A : memref<!tpu.dma_semaphore, #tpu.memory_space<semaphore_mem>>) src(%dma_wait3A_293 : memref<256xf32, #tpu.memory_space<vmem>>) dst(%dma_wait3A_291 : memref<256xf32, #tpu.memory_space<hbm>>)
        tpu.yield
      }) : () -> ()
      %add3A_258 = arith.constant 45056 : i32
      %add3A_259 = arith.addi %add3A_258, %mul3A_18 : i32
      "tpu.region"() ({
        %run_scoped3A = tpu.sem_alloc : memref<!tpu.dma_semaphore, #tpu.memory_space<semaphore_mem>>
        %dma_start3A = arith.constant 2816 : i32
        %dma_start3A_284 = tpu.memref_slice %arg9[%dma_start3A] : memref<6144xf32, #tpu.memory_space<vmem>> -> memref<256xf32, #tpu.memory_space<vmem>>
        %dma_start3A_285 = tpu.memref_slice %arg4[%add3A_259] : memref<98304xf32, #tpu.memory_space<hbm>> -> memref<256xf32, #tpu.memory_space<hbm>>
        %dma_start3A_286 = tpu.memref_slice %arg4[%add3A_259] : memref<98304xf32, #tpu.memory_space<hbm>> -> memref<256xf32, #tpu.memory_space<hbm>>
        %dma_start3A_287 = arith.constant 2816 : i32
        %dma_start3A_288 = tpu.memref_slice %arg9[%dma_start3A_287] : memref<6144xf32, #tpu.memory_space<vmem>> -> memref<256xf32, #tpu.memory_space<vmem>>
        tpu.enqueue_dma source(%dma_start3A_288 : memref<256xf32, #tpu.memory_space<vmem>>) target(%dma_start3A_286 : memref<256xf32, #tpu.memory_space<hbm>>) target_semaphore(%run_scoped3A : memref<!tpu.dma_semaphore, #tpu.memory_space<semaphore_mem>>)
        %dma_wait3A = arith.constant 2816 : i32
        %dma_wait3A_289 = tpu.memref_slice %arg9[%dma_wait3A] : memref<6144xf32, #tpu.memory_space<vmem>> -> memref<256xf32, #tpu.memory_space<vmem>>
        %dma_wait3A_290 = tpu.memref_slice %arg4[%add3A_259] : memref<98304xf32, #tpu.memory_space<hbm>> -> memref<256xf32, #tpu.memory_space<hbm>>
        %dma_wait3A_291 = tpu.memref_slice %arg4[%add3A_259] : memref<98304xf32, #tpu.memory_space<hbm>> -> memref<256xf32, #tpu.memory_space<hbm>>
        %dma_wait3A_292 = arith.constant 2816 : i32
        %dma_wait3A_293 = tpu.memref_slice %arg9[%dma_wait3A_292] : memref<6144xf32, #tpu.memory_space<vmem>> -> memref<256xf32, #tpu.memory_space<vmem>>
        tpu.wait_dma2 semaphore(%run_scoped3A : memref<!tpu.dma_semaphore, #tpu.memory_space<semaphore_mem>>) src(%dma_wait3A_293 : memref<256xf32, #tpu.memory_space<vmem>>) dst(%dma_wait3A_291 : memref<256xf32, #tpu.memory_space<hbm>>)
        tpu.yield
      }) : () -> ()
      %add3A_260 = arith.constant 49152 : i32
      %add3A_261 = arith.addi %add3A_260, %mul3A_18 : i32
      "tpu.region"() ({
        %run_scoped3A = tpu.sem_alloc : memref<!tpu.dma_semaphore, #tpu.memory_space<semaphore_mem>>
        %dma_start3A = arith.constant 3072 : i32
        %dma_start3A_284 = tpu.memref_slice %arg9[%dma_start3A] : memref<6144xf32, #tpu.memory_space<vmem>> -> memref<256xf32, #tpu.memory_space<vmem>>
        %dma_start3A_285 = tpu.memref_slice %arg4[%add3A_261] : memref<98304xf32, #tpu.memory_space<hbm>> -> memref<256xf32, #tpu.memory_space<hbm>>
        %dma_start3A_286 = tpu.memref_slice %arg4[%add3A_261] : memref<98304xf32, #tpu.memory_space<hbm>> -> memref<256xf32, #tpu.memory_space<hbm>>
        %dma_start3A_287 = arith.constant 3072 : i32
        %dma_start3A_288 = tpu.memref_slice %arg9[%dma_start3A_287] : memref<6144xf32, #tpu.memory_space<vmem>> -> memref<256xf32, #tpu.memory_space<vmem>>
        tpu.enqueue_dma source(%dma_start3A_288 : memref<256xf32, #tpu.memory_space<vmem>>) target(%dma_start3A_286 : memref<256xf32, #tpu.memory_space<hbm>>) target_semaphore(%run_scoped3A : memref<!tpu.dma_semaphore, #tpu.memory_space<semaphore_mem>>)
        %dma_wait3A = arith.constant 3072 : i32
        %dma_wait3A_289 = tpu.memref_slice %arg9[%dma_wait3A] : memref<6144xf32, #tpu.memory_space<vmem>> -> memref<256xf32, #tpu.memory_space<vmem>>
        %dma_wait3A_290 = tpu.memref_slice %arg4[%add3A_261] : memref<98304xf32, #tpu.memory_space<hbm>> -> memref<256xf32, #tpu.memory_space<hbm>>
        %dma_wait3A_291 = tpu.memref_slice %arg4[%add3A_261] : memref<98304xf32, #tpu.memory_space<hbm>> -> memref<256xf32, #tpu.memory_space<hbm>>
        %dma_wait3A_292 = arith.constant 3072 : i32
        %dma_wait3A_293 = tpu.memref_slice %arg9[%dma_wait3A_292] : memref<6144xf32, #tpu.memory_space<vmem>> -> memref<256xf32, #tpu.memory_space<vmem>>
        tpu.wait_dma2 semaphore(%run_scoped3A : memref<!tpu.dma_semaphore, #tpu.memory_space<semaphore_mem>>) src(%dma_wait3A_293 : memref<256xf32, #tpu.memory_space<vmem>>) dst(%dma_wait3A_291 : memref<256xf32, #tpu.memory_space<hbm>>)
        tpu.yield
      }) : () -> ()
      %add3A_262 = arith.constant 53248 : i32
      %add3A_263 = arith.addi %add3A_262, %mul3A_18 : i32
      "tpu.region"() ({
        %run_scoped3A = tpu.sem_alloc : memref<!tpu.dma_semaphore, #tpu.memory_space<semaphore_mem>>
        %dma_start3A = arith.constant 3328 : i32
        %dma_start3A_284 = tpu.memref_slice %arg9[%dma_start3A] : memref<6144xf32, #tpu.memory_space<vmem>> -> memref<256xf32, #tpu.memory_space<vmem>>
        %dma_start3A_285 = tpu.memref_slice %arg4[%add3A_263] : memref<98304xf32, #tpu.memory_space<hbm>> -> memref<256xf32, #tpu.memory_space<hbm>>
        %dma_start3A_286 = tpu.memref_slice %arg4[%add3A_263] : memref<98304xf32, #tpu.memory_space<hbm>> -> memref<256xf32, #tpu.memory_space<hbm>>
        %dma_start3A_287 = arith.constant 3328 : i32
        %dma_start3A_288 = tpu.memref_slice %arg9[%dma_start3A_287] : memref<6144xf32, #tpu.memory_space<vmem>> -> memref<256xf32, #tpu.memory_space<vmem>>
        tpu.enqueue_dma source(%dma_start3A_288 : memref<256xf32, #tpu.memory_space<vmem>>) target(%dma_start3A_286 : memref<256xf32, #tpu.memory_space<hbm>>) target_semaphore(%run_scoped3A : memref<!tpu.dma_semaphore, #tpu.memory_space<semaphore_mem>>)
        %dma_wait3A = arith.constant 3328 : i32
        %dma_wait3A_289 = tpu.memref_slice %arg9[%dma_wait3A] : memref<6144xf32, #tpu.memory_space<vmem>> -> memref<256xf32, #tpu.memory_space<vmem>>
        %dma_wait3A_290 = tpu.memref_slice %arg4[%add3A_263] : memref<98304xf32, #tpu.memory_space<hbm>> -> memref<256xf32, #tpu.memory_space<hbm>>
        %dma_wait3A_291 = tpu.memref_slice %arg4[%add3A_263] : memref<98304xf32, #tpu.memory_space<hbm>> -> memref<256xf32, #tpu.memory_space<hbm>>
        %dma_wait3A_292 = arith.constant 3328 : i32
        %dma_wait3A_293 = tpu.memref_slice %arg9[%dma_wait3A_292] : memref<6144xf32, #tpu.memory_space<vmem>> -> memref<256xf32, #tpu.memory_space<vmem>>
        tpu.wait_dma2 semaphore(%run_scoped3A : memref<!tpu.dma_semaphore, #tpu.memory_space<semaphore_mem>>) src(%dma_wait3A_293 : memref<256xf32, #tpu.memory_space<vmem>>) dst(%dma_wait3A_291 : memref<256xf32, #tpu.memory_space<hbm>>)
        tpu.yield
      }) : () -> ()
      %add3A_264 = arith.constant 57344 : i32
      %add3A_265 = arith.addi %add3A_264, %mul3A_18 : i32
      "tpu.region"() ({
        %run_scoped3A = tpu.sem_alloc : memref<!tpu.dma_semaphore, #tpu.memory_space<semaphore_mem>>
        %dma_start3A = arith.constant 3584 : i32
        %dma_start3A_284 = tpu.memref_slice %arg9[%dma_start3A] : memref<6144xf32, #tpu.memory_space<vmem>> -> memref<256xf32, #tpu.memory_space<vmem>>
        %dma_start3A_285 = tpu.memref_slice %arg4[%add3A_265] : memref<98304xf32, #tpu.memory_space<hbm>> -> memref<256xf32, #tpu.memory_space<hbm>>
        %dma_start3A_286 = tpu.memref_slice %arg4[%add3A_265] : memref<98304xf32, #tpu.memory_space<hbm>> -> memref<256xf32, #tpu.memory_space<hbm>>
        %dma_start3A_287 = arith.constant 3584 : i32
        %dma_start3A_288 = tpu.memref_slice %arg9[%dma_start3A_287] : memref<6144xf32, #tpu.memory_space<vmem>> -> memref<256xf32, #tpu.memory_space<vmem>>
        tpu.enqueue_dma source(%dma_start3A_288 : memref<256xf32, #tpu.memory_space<vmem>>) target(%dma_start3A_286 : memref<256xf32, #tpu.memory_space<hbm>>) target_semaphore(%run_scoped3A : memref<!tpu.dma_semaphore, #tpu.memory_space<semaphore_mem>>)
        %dma_wait3A = arith.constant 3584 : i32
        %dma_wait3A_289 = tpu.memref_slice %arg9[%dma_wait3A] : memref<6144xf32, #tpu.memory_space<vmem>> -> memref<256xf32, #tpu.memory_space<vmem>>
        %dma_wait3A_290 = tpu.memref_slice %arg4[%add3A_265] : memref<98304xf32, #tpu.memory_space<hbm>> -> memref<256xf32, #tpu.memory_space<hbm>>
        %dma_wait3A_291 = tpu.memref_slice %arg4[%add3A_265] : memref<98304xf32, #tpu.memory_space<hbm>> -> memref<256xf32, #tpu.memory_space<hbm>>
        %dma_wait3A_292 = arith.constant 3584 : i32
        %dma_wait3A_293 = tpu.memref_slice %arg9[%dma_wait3A_292] : memref<6144xf32, #tpu.memory_space<vmem>> -> memref<256xf32, #tpu.memory_space<vmem>>
        tpu.wait_dma2 semaphore(%run_scoped3A : memref<!tpu.dma_semaphore, #tpu.memory_space<semaphore_mem>>) src(%dma_wait3A_293 : memref<256xf32, #tpu.memory_space<vmem>>) dst(%dma_wait3A_291 : memref<256xf32, #tpu.memory_space<hbm>>)
        tpu.yield
      }) : () -> ()
      %add3A_266 = arith.constant 61440 : i32
      %add3A_267 = arith.addi %add3A_266, %mul3A_18 : i32
      "tpu.region"() ({
        %run_scoped3A = tpu.sem_alloc : memref<!tpu.dma_semaphore, #tpu.memory_space<semaphore_mem>>
        %dma_start3A = arith.constant 3840 : i32
        %dma_start3A_284 = tpu.memref_slice %arg9[%dma_start3A] : memref<6144xf32, #tpu.memory_space<vmem>> -> memref<256xf32, #tpu.memory_space<vmem>>
        %dma_start3A_285 = tpu.memref_slice %arg4[%add3A_267] : memref<98304xf32, #tpu.memory_space<hbm>> -> memref<256xf32, #tpu.memory_space<hbm>>
        %dma_start3A_286 = tpu.memref_slice %arg4[%add3A_267] : memref<98304xf32, #tpu.memory_space<hbm>> -> memref<256xf32, #tpu.memory_space<hbm>>
        %dma_start3A_287 = arith.constant 3840 : i32
        %dma_start3A_288 = tpu.memref_slice %arg9[%dma_start3A_287] : memref<6144xf32, #tpu.memory_space<vmem>> -> memref<256xf32, #tpu.memory_space<vmem>>
        tpu.enqueue_dma source(%dma_start3A_288 : memref<256xf32, #tpu.memory_space<vmem>>) target(%dma_start3A_286 : memref<256xf32, #tpu.memory_space<hbm>>) target_semaphore(%run_scoped3A : memref<!tpu.dma_semaphore, #tpu.memory_space<semaphore_mem>>)
        %dma_wait3A = arith.constant 3840 : i32
        %dma_wait3A_289 = tpu.memref_slice %arg9[%dma_wait3A] : memref<6144xf32, #tpu.memory_space<vmem>> -> memref<256xf32, #tpu.memory_space<vmem>>
        %dma_wait3A_290 = tpu.memref_slice %arg4[%add3A_267] : memref<98304xf32, #tpu.memory_space<hbm>> -> memref<256xf32, #tpu.memory_space<hbm>>
        %dma_wait3A_291 = tpu.memref_slice %arg4[%add3A_267] : memref<98304xf32, #tpu.memory_space<hbm>> -> memref<256xf32, #tpu.memory_space<hbm>>
        %dma_wait3A_292 = arith.constant 3840 : i32
        %dma_wait3A_293 = tpu.memref_slice %arg9[%dma_wait3A_292] : memref<6144xf32, #tpu.memory_space<vmem>> -> memref<256xf32, #tpu.memory_space<vmem>>
        tpu.wait_dma2 semaphore(%run_scoped3A : memref<!tpu.dma_semaphore, #tpu.memory_space<semaphore_mem>>) src(%dma_wait3A_293 : memref<256xf32, #tpu.memory_space<vmem>>) dst(%dma_wait3A_291 : memref<256xf32, #tpu.memory_space<hbm>>)
        tpu.yield
      }) : () -> ()
      %add3A_268 = arith.constant 65536 : i32
      %add3A_269 = arith.addi %add3A_268, %mul3A_18 : i32
      "tpu.region"() ({
        %run_scoped3A = tpu.sem_alloc : memref<!tpu.dma_semaphore, #tpu.memory_space<semaphore_mem>>
        %dma_start3A = arith.constant 4096 : i32
        %dma_start3A_284 = tpu.memref_slice %arg9[%dma_start3A] : memref<6144xf32, #tpu.memory_space<vmem>> -> memref<256xf32, #tpu.memory_space<vmem>>
        %dma_start3A_285 = tpu.memref_slice %arg4[%add3A_269] : memref<98304xf32, #tpu.memory_space<hbm>> -> memref<256xf32, #tpu.memory_space<hbm>>
        %dma_start3A_286 = tpu.memref_slice %arg4[%add3A_269] : memref<98304xf32, #tpu.memory_space<hbm>> -> memref<256xf32, #tpu.memory_space<hbm>>
        %dma_start3A_287 = arith.constant 4096 : i32
        %dma_start3A_288 = tpu.memref_slice %arg9[%dma_start3A_287] : memref<6144xf32, #tpu.memory_space<vmem>> -> memref<256xf32, #tpu.memory_space<vmem>>
        tpu.enqueue_dma source(%dma_start3A_288 : memref<256xf32, #tpu.memory_space<vmem>>) target(%dma_start3A_286 : memref<256xf32, #tpu.memory_space<hbm>>) target_semaphore(%run_scoped3A : memref<!tpu.dma_semaphore, #tpu.memory_space<semaphore_mem>>)
        %dma_wait3A = arith.constant 4096 : i32
        %dma_wait3A_289 = tpu.memref_slice %arg9[%dma_wait3A] : memref<6144xf32, #tpu.memory_space<vmem>> -> memref<256xf32, #tpu.memory_space<vmem>>
        %dma_wait3A_290 = tpu.memref_slice %arg4[%add3A_269] : memref<98304xf32, #tpu.memory_space<hbm>> -> memref<256xf32, #tpu.memory_space<hbm>>
        %dma_wait3A_291 = tpu.memref_slice %arg4[%add3A_269] : memref<98304xf32, #tpu.memory_space<hbm>> -> memref<256xf32, #tpu.memory_space<hbm>>
        %dma_wait3A_292 = arith.constant 4096 : i32
        %dma_wait3A_293 = tpu.memref_slice %arg9[%dma_wait3A_292] : memref<6144xf32, #tpu.memory_space<vmem>> -> memref<256xf32, #tpu.memory_space<vmem>>
        tpu.wait_dma2 semaphore(%run_scoped3A : memref<!tpu.dma_semaphore, #tpu.memory_space<semaphore_mem>>) src(%dma_wait3A_293 : memref<256xf32, #tpu.memory_space<vmem>>) dst(%dma_wait3A_291 : memref<256xf32, #tpu.memory_space<hbm>>)
        tpu.yield
      }) : () -> ()
      %add3A_270 = arith.constant 69632 : i32
      %add3A_271 = arith.addi %add3A_270, %mul3A_18 : i32
      "tpu.region"() ({
        %run_scoped3A = tpu.sem_alloc : memref<!tpu.dma_semaphore, #tpu.memory_space<semaphore_mem>>
        %dma_start3A = arith.constant 4352 : i32
        %dma_start3A_284 = tpu.memref_slice %arg9[%dma_start3A] : memref<6144xf32, #tpu.memory_space<vmem>> -> memref<256xf32, #tpu.memory_space<vmem>>
        %dma_start3A_285 = tpu.memref_slice %arg4[%add3A_271] : memref<98304xf32, #tpu.memory_space<hbm>> -> memref<256xf32, #tpu.memory_space<hbm>>
        %dma_start3A_286 = tpu.memref_slice %arg4[%add3A_271] : memref<98304xf32, #tpu.memory_space<hbm>> -> memref<256xf32, #tpu.memory_space<hbm>>
        %dma_start3A_287 = arith.constant 4352 : i32
        %dma_start3A_288 = tpu.memref_slice %arg9[%dma_start3A_287] : memref<6144xf32, #tpu.memory_space<vmem>> -> memref<256xf32, #tpu.memory_space<vmem>>
        tpu.enqueue_dma source(%dma_start3A_288 : memref<256xf32, #tpu.memory_space<vmem>>) target(%dma_start3A_286 : memref<256xf32, #tpu.memory_space<hbm>>) target_semaphore(%run_scoped3A : memref<!tpu.dma_semaphore, #tpu.memory_space<semaphore_mem>>)
        %dma_wait3A = arith.constant 4352 : i32
        %dma_wait3A_289 = tpu.memref_slice %arg9[%dma_wait3A] : memref<6144xf32, #tpu.memory_space<vmem>> -> memref<256xf32, #tpu.memory_space<vmem>>
        %dma_wait3A_290 = tpu.memref_slice %arg4[%add3A_271] : memref<98304xf32, #tpu.memory_space<hbm>> -> memref<256xf32, #tpu.memory_space<hbm>>
        %dma_wait3A_291 = tpu.memref_slice %arg4[%add3A_271] : memref<98304xf32, #tpu.memory_space<hbm>> -> memref<256xf32, #tpu.memory_space<hbm>>
        %dma_wait3A_292 = arith.constant 4352 : i32
        %dma_wait3A_293 = tpu.memref_slice %arg9[%dma_wait3A_292] : memref<6144xf32, #tpu.memory_space<vmem>> -> memref<256xf32, #tpu.memory_space<vmem>>
        tpu.wait_dma2 semaphore(%run_scoped3A : memref<!tpu.dma_semaphore, #tpu.memory_space<semaphore_mem>>) src(%dma_wait3A_293 : memref<256xf32, #tpu.memory_space<vmem>>) dst(%dma_wait3A_291 : memref<256xf32, #tpu.memory_space<hbm>>)
        tpu.yield
      }) : () -> ()
      %add3A_272 = arith.constant 73728 : i32
      %add3A_273 = arith.addi %add3A_272, %mul3A_18 : i32
      "tpu.region"() ({
        %run_scoped3A = tpu.sem_alloc : memref<!tpu.dma_semaphore, #tpu.memory_space<semaphore_mem>>
        %dma_start3A = arith.constant 4608 : i32
        %dma_start3A_284 = tpu.memref_slice %arg9[%dma_start3A] : memref<6144xf32, #tpu.memory_space<vmem>> -> memref<256xf32, #tpu.memory_space<vmem>>
        %dma_start3A_285 = tpu.memref_slice %arg4[%add3A_273] : memref<98304xf32, #tpu.memory_space<hbm>> -> memref<256xf32, #tpu.memory_space<hbm>>
        %dma_start3A_286 = tpu.memref_slice %arg4[%add3A_273] : memref<98304xf32, #tpu.memory_space<hbm>> -> memref<256xf32, #tpu.memory_space<hbm>>
        %dma_start3A_287 = arith.constant 4608 : i32
        %dma_start3A_288 = tpu.memref_slice %arg9[%dma_start3A_287] : memref<6144xf32, #tpu.memory_space<vmem>> -> memref<256xf32, #tpu.memory_space<vmem>>
        tpu.enqueue_dma source(%dma_start3A_288 : memref<256xf32, #tpu.memory_space<vmem>>) target(%dma_start3A_286 : memref<256xf32, #tpu.memory_space<hbm>>) target_semaphore(%run_scoped3A : memref<!tpu.dma_semaphore, #tpu.memory_space<semaphore_mem>>)
        %dma_wait3A = arith.constant 4608 : i32
        %dma_wait3A_289 = tpu.memref_slice %arg9[%dma_wait3A] : memref<6144xf32, #tpu.memory_space<vmem>> -> memref<256xf32, #tpu.memory_space<vmem>>
        %dma_wait3A_290 = tpu.memref_slice %arg4[%add3A_273] : memref<98304xf32, #tpu.memory_space<hbm>> -> memref<256xf32, #tpu.memory_space<hbm>>
        %dma_wait3A_291 = tpu.memref_slice %arg4[%add3A_273] : memref<98304xf32, #tpu.memory_space<hbm>> -> memref<256xf32, #tpu.memory_space<hbm>>
        %dma_wait3A_292 = arith.constant 4608 : i32
        %dma_wait3A_293 = tpu.memref_slice %arg9[%dma_wait3A_292] : memref<6144xf32, #tpu.memory_space<vmem>> -> memref<256xf32, #tpu.memory_space<vmem>>
        tpu.wait_dma2 semaphore(%run_scoped3A : memref<!tpu.dma_semaphore, #tpu.memory_space<semaphore_mem>>) src(%dma_wait3A_293 : memref<256xf32, #tpu.memory_space<vmem>>) dst(%dma_wait3A_291 : memref<256xf32, #tpu.memory_space<hbm>>)
        tpu.yield
      }) : () -> ()
      %add3A_274 = arith.constant 77824 : i32
      %add3A_275 = arith.addi %add3A_274, %mul3A_18 : i32
      "tpu.region"() ({
        %run_scoped3A = tpu.sem_alloc : memref<!tpu.dma_semaphore, #tpu.memory_space<semaphore_mem>>
        %dma_start3A = arith.constant 4864 : i32
        %dma_start3A_284 = tpu.memref_slice %arg9[%dma_start3A] : memref<6144xf32, #tpu.memory_space<vmem>> -> memref<256xf32, #tpu.memory_space<vmem>>
        %dma_start3A_285 = tpu.memref_slice %arg4[%add3A_275] : memref<98304xf32, #tpu.memory_space<hbm>> -> memref<256xf32, #tpu.memory_space<hbm>>
        %dma_start3A_286 = tpu.memref_slice %arg4[%add3A_275] : memref<98304xf32, #tpu.memory_space<hbm>> -> memref<256xf32, #tpu.memory_space<hbm>>
        %dma_start3A_287 = arith.constant 4864 : i32
        %dma_start3A_288 = tpu.memref_slice %arg9[%dma_start3A_287] : memref<6144xf32, #tpu.memory_space<vmem>> -> memref<256xf32, #tpu.memory_space<vmem>>
        tpu.enqueue_dma source(%dma_start3A_288 : memref<256xf32, #tpu.memory_space<vmem>>) target(%dma_start3A_286 : memref<256xf32, #tpu.memory_space<hbm>>) target_semaphore(%run_scoped3A : memref<!tpu.dma_semaphore, #tpu.memory_space<semaphore_mem>>)
        %dma_wait3A = arith.constant 4864 : i32
        %dma_wait3A_289 = tpu.memref_slice %arg9[%dma_wait3A] : memref<6144xf32, #tpu.memory_space<vmem>> -> memref<256xf32, #tpu.memory_space<vmem>>
        %dma_wait3A_290 = tpu.memref_slice %arg4[%add3A_275] : memref<98304xf32, #tpu.memory_space<hbm>> -> memref<256xf32, #tpu.memory_space<hbm>>
        %dma_wait3A_291 = tpu.memref_slice %arg4[%add3A_275] : memref<98304xf32, #tpu.memory_space<hbm>> -> memref<256xf32, #tpu.memory_space<hbm>>
        %dma_wait3A_292 = arith.constant 4864 : i32
        %dma_wait3A_293 = tpu.memref_slice %arg9[%dma_wait3A_292] : memref<6144xf32, #tpu.memory_space<vmem>> -> memref<256xf32, #tpu.memory_space<vmem>>
        tpu.wait_dma2 semaphore(%run_scoped3A : memref<!tpu.dma_semaphore, #tpu.memory_space<semaphore_mem>>) src(%dma_wait3A_293 : memref<256xf32, #tpu.memory_space<vmem>>) dst(%dma_wait3A_291 : memref<256xf32, #tpu.memory_space<hbm>>)
        tpu.yield
      }) : () -> ()
      %add3A_276 = arith.constant 81920 : i32
      %add3A_277 = arith.addi %add3A_276, %mul3A_18 : i32
      "tpu.region"() ({
        %run_scoped3A = tpu.sem_alloc : memref<!tpu.dma_semaphore, #tpu.memory_space<semaphore_mem>>
        %dma_start3A = arith.constant 5120 : i32
        %dma_start3A_284 = tpu.memref_slice %arg9[%dma_start3A] : memref<6144xf32, #tpu.memory_space<vmem>> -> memref<256xf32, #tpu.memory_space<vmem>>
        %dma_start3A_285 = tpu.memref_slice %arg4[%add3A_277] : memref<98304xf32, #tpu.memory_space<hbm>> -> memref<256xf32, #tpu.memory_space<hbm>>
        %dma_start3A_286 = tpu.memref_slice %arg4[%add3A_277] : memref<98304xf32, #tpu.memory_space<hbm>> -> memref<256xf32, #tpu.memory_space<hbm>>
        %dma_start3A_287 = arith.constant 5120 : i32
        %dma_start3A_288 = tpu.memref_slice %arg9[%dma_start3A_287] : memref<6144xf32, #tpu.memory_space<vmem>> -> memref<256xf32, #tpu.memory_space<vmem>>
        tpu.enqueue_dma source(%dma_start3A_288 : memref<256xf32, #tpu.memory_space<vmem>>) target(%dma_start3A_286 : memref<256xf32, #tpu.memory_space<hbm>>) target_semaphore(%run_scoped3A : memref<!tpu.dma_semaphore, #tpu.memory_space<semaphore_mem>>)
        %dma_wait3A = arith.constant 5120 : i32
        %dma_wait3A_289 = tpu.memref_slice %arg9[%dma_wait3A] : memref<6144xf32, #tpu.memory_space<vmem>> -> memref<256xf32, #tpu.memory_space<vmem>>
        %dma_wait3A_290 = tpu.memref_slice %arg4[%add3A_277] : memref<98304xf32, #tpu.memory_space<hbm>> -> memref<256xf32, #tpu.memory_space<hbm>>
        %dma_wait3A_291 = tpu.memref_slice %arg4[%add3A_277] : memref<98304xf32, #tpu.memory_space<hbm>> -> memref<256xf32, #tpu.memory_space<hbm>>
        %dma_wait3A_292 = arith.constant 5120 : i32
        %dma_wait3A_293 = tpu.memref_slice %arg9[%dma_wait3A_292] : memref<6144xf32, #tpu.memory_space<vmem>> -> memref<256xf32, #tpu.memory_space<vmem>>
        tpu.wait_dma2 semaphore(%run_scoped3A : memref<!tpu.dma_semaphore, #tpu.memory_space<semaphore_mem>>) src(%dma_wait3A_293 : memref<256xf32, #tpu.memory_space<vmem>>) dst(%dma_wait3A_291 : memref<256xf32, #tpu.memory_space<hbm>>)
        tpu.yield
      }) : () -> ()
      %add3A_278 = arith.constant 86016 : i32
      %add3A_279 = arith.addi %add3A_278, %mul3A_18 : i32
      "tpu.region"() ({
        %run_scoped3A = tpu.sem_alloc : memref<!tpu.dma_semaphore, #tpu.memory_space<semaphore_mem>>
        %dma_start3A = arith.constant 5376 : i32
        %dma_start3A_284 = tpu.memref_slice %arg9[%dma_start3A] : memref<6144xf32, #tpu.memory_space<vmem>> -> memref<256xf32, #tpu.memory_space<vmem>>
        %dma_start3A_285 = tpu.memref_slice %arg4[%add3A_279] : memref<98304xf32, #tpu.memory_space<hbm>> -> memref<256xf32, #tpu.memory_space<hbm>>
        %dma_start3A_286 = tpu.memref_slice %arg4[%add3A_279] : memref<98304xf32, #tpu.memory_space<hbm>> -> memref<256xf32, #tpu.memory_space<hbm>>
        %dma_start3A_287 = arith.constant 5376 : i32
        %dma_start3A_288 = tpu.memref_slice %arg9[%dma_start3A_287] : memref<6144xf32, #tpu.memory_space<vmem>> -> memref<256xf32, #tpu.memory_space<vmem>>
        tpu.enqueue_dma source(%dma_start3A_288 : memref<256xf32, #tpu.memory_space<vmem>>) target(%dma_start3A_286 : memref<256xf32, #tpu.memory_space<hbm>>) target_semaphore(%run_scoped3A : memref<!tpu.dma_semaphore, #tpu.memory_space<semaphore_mem>>)
        %dma_wait3A = arith.constant 5376 : i32
        %dma_wait3A_289 = tpu.memref_slice %arg9[%dma_wait3A] : memref<6144xf32, #tpu.memory_space<vmem>> -> memref<256xf32, #tpu.memory_space<vmem>>
        %dma_wait3A_290 = tpu.memref_slice %arg4[%add3A_279] : memref<98304xf32, #tpu.memory_space<hbm>> -> memref<256xf32, #tpu.memory_space<hbm>>
        %dma_wait3A_291 = tpu.memref_slice %arg4[%add3A_279] : memref<98304xf32, #tpu.memory_space<hbm>> -> memref<256xf32, #tpu.memory_space<hbm>>
        %dma_wait3A_292 = arith.constant 5376 : i32
        %dma_wait3A_293 = tpu.memref_slice %arg9[%dma_wait3A_292] : memref<6144xf32, #tpu.memory_space<vmem>> -> memref<256xf32, #tpu.memory_space<vmem>>
        tpu.wait_dma2 semaphore(%run_scoped3A : memref<!tpu.dma_semaphore, #tpu.memory_space<semaphore_mem>>) src(%dma_wait3A_293 : memref<256xf32, #tpu.memory_space<vmem>>) dst(%dma_wait3A_291 : memref<256xf32, #tpu.memory_space<hbm>>)
        tpu.yield
      }) : () -> ()
      %add3A_280 = arith.constant 90112 : i32
      %add3A_281 = arith.addi %add3A_280, %mul3A_18 : i32
      "tpu.region"() ({
        %run_scoped3A = tpu.sem_alloc : memref<!tpu.dma_semaphore, #tpu.memory_space<semaphore_mem>>
        %dma_start3A = arith.constant 5632 : i32
        %dma_start3A_284 = tpu.memref_slice %arg9[%dma_start3A] : memref<6144xf32, #tpu.memory_space<vmem>> -> memref<256xf32, #tpu.memory_space<vmem>>
        %dma_start3A_285 = tpu.memref_slice %arg4[%add3A_281] : memref<98304xf32, #tpu.memory_space<hbm>> -> memref<256xf32, #tpu.memory_space<hbm>>
        %dma_start3A_286 = tpu.memref_slice %arg4[%add3A_281] : memref<98304xf32, #tpu.memory_space<hbm>> -> memref<256xf32, #tpu.memory_space<hbm>>
        %dma_start3A_287 = arith.constant 5632 : i32
        %dma_start3A_288 = tpu.memref_slice %arg9[%dma_start3A_287] : memref<6144xf32, #tpu.memory_space<vmem>> -> memref<256xf32, #tpu.memory_space<vmem>>
        tpu.enqueue_dma source(%dma_start3A_288 : memref<256xf32, #tpu.memory_space<vmem>>) target(%dma_start3A_286 : memref<256xf32, #tpu.memory_space<hbm>>) target_semaphore(%run_scoped3A : memref<!tpu.dma_semaphore, #tpu.memory_space<semaphore_mem>>)
        %dma_wait3A = arith.constant 5632 : i32
        %dma_wait3A_289 = tpu.memref_slice %arg9[%dma_wait3A] : memref<6144xf32, #tpu.memory_space<vmem>> -> memref<256xf32, #tpu.memory_space<vmem>>
        %dma_wait3A_290 = tpu.memref_slice %arg4[%add3A_281] : memref<98304xf32, #tpu.memory_space<hbm>> -> memref<256xf32, #tpu.memory_space<hbm>>
        %dma_wait3A_291 = tpu.memref_slice %arg4[%add3A_281] : memref<98304xf32, #tpu.memory_space<hbm>> -> memref<256xf32, #tpu.memory_space<hbm>>
        %dma_wait3A_292 = arith.constant 5632 : i32
        %dma_wait3A_293 = tpu.memref_slice %arg9[%dma_wait3A_292] : memref<6144xf32, #tpu.memory_space<vmem>> -> memref<256xf32, #tpu.memory_space<vmem>>
        tpu.wait_dma2 semaphore(%run_scoped3A : memref<!tpu.dma_semaphore, #tpu.memory_space<semaphore_mem>>) src(%dma_wait3A_293 : memref<256xf32, #tpu.memory_space<vmem>>) dst(%dma_wait3A_291 : memref<256xf32, #tpu.memory_space<hbm>>)
        tpu.yield
      }) : () -> ()
      %add3A_282 = arith.constant 94208 : i32
      %add3A_283 = arith.addi %add3A_282, %mul3A_18 : i32
      "tpu.region"() ({
        %run_scoped3A = tpu.sem_alloc : memref<!tpu.dma_semaphore, #tpu.memory_space<semaphore_mem>>
        %dma_start3A = arith.constant 5888 : i32
        %dma_start3A_284 = tpu.memref_slice %arg9[%dma_start3A] : memref<6144xf32, #tpu.memory_space<vmem>> -> memref<256xf32, #tpu.memory_space<vmem>>
        %dma_start3A_285 = tpu.memref_slice %arg4[%add3A_283] : memref<98304xf32, #tpu.memory_space<hbm>> -> memref<256xf32, #tpu.memory_space<hbm>>
        %dma_start3A_286 = tpu.memref_slice %arg4[%add3A_283] : memref<98304xf32, #tpu.memory_space<hbm>> -> memref<256xf32, #tpu.memory_space<hbm>>
        %dma_start3A_287 = arith.constant 5888 : i32
        %dma_start3A_288 = tpu.memref_slice %arg9[%dma_start3A_287] : memref<6144xf32, #tpu.memory_space<vmem>> -> memref<256xf32, #tpu.memory_space<vmem>>
        tpu.enqueue_dma source(%dma_start3A_288 : memref<256xf32, #tpu.memory_space<vmem>>) target(%dma_start3A_286 : memref<256xf32, #tpu.memory_space<hbm>>) target_semaphore(%run_scoped3A : memref<!tpu.dma_semaphore, #tpu.memory_space<semaphore_mem>>)
        %dma_wait3A = arith.constant 5888 : i32
        %dma_wait3A_289 = tpu.memref_slice %arg9[%dma_wait3A] : memref<6144xf32, #tpu.memory_space<vmem>> -> memref<256xf32, #tpu.memory_space<vmem>>
        %dma_wait3A_290 = tpu.memref_slice %arg4[%add3A_283] : memref<98304xf32, #tpu.memory_space<hbm>> -> memref<256xf32, #tpu.memory_space<hbm>>
        %dma_wait3A_291 = tpu.memref_slice %arg4[%add3A_283] : memref<98304xf32, #tpu.memory_space<hbm>> -> memref<256xf32, #tpu.memory_space<hbm>>
        %dma_wait3A_292 = arith.constant 5888 : i32
        %dma_wait3A_293 = tpu.memref_slice %arg9[%dma_wait3A_292] : memref<6144xf32, #tpu.memory_space<vmem>> -> memref<256xf32, #tpu.memory_space<vmem>>
        tpu.wait_dma2 semaphore(%run_scoped3A : memref<!tpu.dma_semaphore, #tpu.memory_space<semaphore_mem>>) src(%dma_wait3A_293 : memref<256xf32, #tpu.memory_space<vmem>>) dst(%dma_wait3A_291 : memref<256xf32, #tpu.memory_space<hbm>>)
        tpu.yield
      }) : () -> ()
    } else {
    }
    return
  }
}

module attributes {stable_mosaic.version = 14 : i64} {
  func.func @_gather_body(%arg0: i32, %arg1: i32, %arg2: memref<128x128xi32, #tpu.memory_space<vmem>>, %arg3: memref<16384x256xf32, #tpu.memory_space<vmem>>, %arg4: memref<1x256x1024xf32, #tpu.memory_space<vmem>>) attributes {dimension_semantics = [#tpu.dimension_semantics<arbitrary>, #tpu.dimension_semantics<arbitrary>], iteration_bounds = array<i64: 8, 4>, scalar_prefetch = 0 : i64, scratch_operands = 0 : i64, tpu.core_type = #tpu.core_type<tc>, window_params = [{pipeline_mode = #tpu.pipeline_mode<synchronous>, transform_indices = @transform_0, window_bounds = array<i64: 128, 128>}, {pipeline_mode = #tpu.pipeline_mode<synchronous>, transform_indices = @transform_1, window_bounds = array<i64: 16384, 256>}, {transform_indices = @transform_2, window_bounds = array<i64: 1, 256, 1024>}]} {
    %get3A = arith.constant 0 : index
    %get3A_0 = arith.constant 0 : index
    %get3A_1 = vector.load %arg2[%get3A, %get3A_0] : memref<128x128xi32, #tpu.memory_space<vmem>>, vector<128x128xi32>
    %eq3A = vector.broadcast %arg0 : i32 to vector<128x128xi32>
    %eq3A_2 = arith.cmpi eq, %get3A_1, %eq3A : vector<128x128xi32>
    %convert_element_type3A = arith.extui %eq3A_2 : vector<128x128xi1> to vector<128x128xi32>
    %reduce_sum3A = vector.shape_cast %convert_element_type3A : vector<128x128xi32> to vector<1x128x128xi32>
    %reduce_sum3A_3 = arith.constant dense<0> : vector<1xi32>
    %reduce_sum3A_4 = vector.multi_reduction <add>, %reduce_sum3A, %reduce_sum3A_3 [1, 2] : vector<1x128x128xi32> to vector<1xi32>
    %reduce_sum3A_5 = vector.shape_cast %reduce_sum3A_4 : vector<1xi32> to vector<1x1x1xi32>
    %reduce_sum3A_6 = vector.extract %reduce_sum3A_5[0, 0, 0] : i32 from vector<1x1x1xi32>
    %lt3A = vector.broadcast %arg0 : i32 to vector<128x128xi32>
    %lt3A_7 = arith.cmpi slt, %get3A_1, %lt3A : vector<128x128xi32>
    %convert_element_type3A_8 = arith.extui %lt3A_7 : vector<128x128xi1> to vector<128x128xi32>
    %reduce_sum3A_9 = vector.shape_cast %convert_element_type3A_8 : vector<128x128xi32> to vector<1x128x128xi32>
    %reduce_sum3A_10 = arith.constant dense<0> : vector<1xi32>
    %reduce_sum3A_11 = vector.multi_reduction <add>, %reduce_sum3A_9, %reduce_sum3A_10 [1, 2] : vector<1x128x128xi32> to vector<1xi32>
    %reduce_sum3A_12 = vector.shape_cast %reduce_sum3A_11 : vector<1xi32> to vector<1x1x1xi32>
    %reduce_sum3A_13 = vector.extract %reduce_sum3A_12[0, 0, 0] : i32 from vector<1x1x1xi32>
    %sub3A = arith.constant 1 : i32
    %sub3A_14 = arith.subi %reduce_sum3A_6, %sub3A : i32
    %mul3A = arith.constant 4 : i32
    %mul3A_15 = arith.muli %arg1, %mul3A : i32
    %add3A = arith.constant 0 : i32
    %add3A_16 = arith.addi %mul3A_15, %add3A : i32
    %mul3A_17 = arith.constant 256 : i32
    %mul3A_18 = arith.muli %add3A_16, %mul3A_17 : i32
    %mul3A_19 = arith.muli %mul3A_18, %reduce_sum3A_6 : i32
    %shift_right_arithmetic3A = arith.constant 12 : i32
    %shift_right_arithmetic3A_20 = arith.shrsi %mul3A_19, %shift_right_arithmetic3A : i32
    %min3A = arith.minsi %shift_right_arithmetic3A_20, %sub3A_14 : i32
    %add3A_21 = arith.constant 256 : i32
    %add3A_22 = arith.addi %mul3A_18, %add3A_21 : i32
    %sub3A_23 = arith.constant 1 : i32
    %sub3A_24 = arith.subi %add3A_22, %sub3A_23 : i32
    %mul3A_25 = arith.muli %sub3A_24, %reduce_sum3A_6 : i32
    %shift_right_arithmetic3A_26 = arith.constant 12 : i32
    %shift_right_arithmetic3A_27 = arith.shrsi %mul3A_25, %shift_right_arithmetic3A_26 : i32
    %min3A_28 = arith.minsi %shift_right_arithmetic3A_27, %sub3A_14 : i32
    %add3A_29 = arith.addi %reduce_sum3A_13, %min3A : i32
    %add3A_30 = arith.addi %reduce_sum3A_13, %min3A_28 : i32
    %lt3A_31 = arith.constant 0 : i32
    %lt3A_32 = arith.cmpi slt, %add3A_29, %lt3A_31 : i32
    %add3A_33 = arith.constant 16384 : i32
    %add3A_34 = arith.addi %add3A_29, %add3A_33 : i32
    %select_n3A = arith.select %lt3A_32, %add3A_34, %add3A_29 : i32
    %lt3A_35 = arith.constant 0 : i32
    %lt3A_36 = arith.cmpi slt, %add3A_30, %lt3A_35 : i32
    %add3A_37 = arith.constant 16384 : i32
    %add3A_38 = arith.addi %add3A_30, %add3A_37 : i32
    %select_n3A_39 = arith.select %lt3A_36, %add3A_38, %add3A_30 : i32
    %iota3A = tpu.iota {dimensions = array<i32: 1>} : vector<1x256xi32>
    %add3A_40 = vector.broadcast %mul3A_18 : i32 to vector<1x256xi32>
    %add3A_41 = arith.addi %add3A_40, %iota3A : vector<1x256xi32>
    %mul3A_42 = vector.broadcast %reduce_sum3A_6 : i32 to vector<1x256xi32>
    %mul3A_43 = arith.muli %add3A_41, %mul3A_42 : vector<1x256xi32>
    %shift_right_arithmetic3A_44 = arith.constant 12 : i32
    %shift_right_arithmetic3A_45 = vector.broadcast %shift_right_arithmetic3A_44 : i32 to vector<1x256xi32>
    %shift_right_arithmetic3A_46 = arith.shrsi %mul3A_43, %shift_right_arithmetic3A_45 : vector<1x256xi32>
    %min3A_47 = vector.broadcast %sub3A_14 : i32 to vector<1x256xi32>
    %min3A_48 = arith.minsi %shift_right_arithmetic3A_46, %min3A_47 : vector<1x256xi32>
    %add3A_49 = vector.broadcast %reduce_sum3A_13 : i32 to vector<1x256xi32>
    %add3A_50 = arith.addi %add3A_49, %min3A_48 : vector<1x256xi32>
    %lt3A_51 = arith.constant 0 : i32
    %lt3A_52 = vector.broadcast %lt3A_51 : i32 to vector<1x256xi32>
    %lt3A_53 = arith.cmpi slt, %add3A_50, %lt3A_52 : vector<1x256xi32>
    %add3A_54 = arith.constant 16384 : i32
    %add3A_55 = vector.broadcast %add3A_54 : i32 to vector<1x256xi32>
    %add3A_56 = arith.addi %add3A_50, %add3A_55 : vector<1x256xi32>
    %select_n3A_57 = arith.select %lt3A_53, %add3A_56, %add3A_50 : vector<1x256xi1>, vector<1x256xi32>
    %add3A_58 = arith.constant 0 : i32
    %add3A_59 = arith.addi %select_n3A, %add3A_58 : i32
    %min3A_60 = arith.constant 16128 : i32
    %min3A_61 = arith.minsi %add3A_59, %min3A_60 : i32
    %shift_right_arithmetic3A_62 = arith.constant 3 : i32
    %shift_right_arithmetic3A_63 = arith.shrsi %min3A_61, %shift_right_arithmetic3A_62 : i32
    %shift_left3A = arith.constant 3 : i32
    %shift_left3A_64 = arith.shli %shift_right_arithmetic3A_63, %shift_left3A : i32
    %multiple_of3A = tpu.assume_multiple %shift_left3A_64, 8 : i32
    %ge3A = vector.broadcast %add3A_59 : i32 to vector<1x256xi32>
    %ge3A_65 = arith.cmpi sge, %select_n3A_57, %ge3A : vector<1x256xi32>
    %add3A_66 = arith.constant 248 : i32
    %add3A_67 = arith.addi %add3A_59, %add3A_66 : i32
    %lt3A_68 = vector.broadcast %add3A_67 : i32 to vector<1x256xi32>
    %lt3A_69 = arith.cmpi slt, %select_n3A_57, %lt3A_68 : vector<1x256xi32>
    %and3A = arith.andi %ge3A_65, %lt3A_69 : vector<1x256xi1>
    %sub3A_70 = vector.broadcast %multiple_of3A : i32 to vector<1x256xi32>
    %sub3A_71 = arith.subi %select_n3A_57, %sub3A_70 : vector<1x256xi32>
    %iota3A_72 = tpu.iota {dimensions = array<i32: 0>} : vector<256x256xi32>
    %eq3A_73 = vector.broadcast %sub3A_71 : vector<1x256xi32> to vector<256x256xi32>
    %eq3A_74 = arith.cmpi eq, %iota3A_72, %eq3A_73 : vector<256x256xi32>
    %and3A_75 = vector.broadcast %and3A : vector<1x256xi1> to vector<256x256xi1>
    %and3A_76 = arith.andi %eq3A_74, %and3A_75 : vector<256x256xi1>
    %jit3A = arith.constant 1.000000e+00 : f32
    %jit3A_77 = arith.constant 0.000000e+00 : f32
    %broadcast_in_dim3A = vector.broadcast %jit3A : f32 to vector<256x256xf32>
    %broadcast_in_dim3A_78 = vector.broadcast %jit3A_77 : f32 to vector<256x256xf32>
    %select_n3A_79 = arith.select %and3A_76, %broadcast_in_dim3A, %broadcast_in_dim3A_78 : vector<256x256xi1>, vector<256x256xf32>
    %convert_element_type3A_80 = arith.truncf %select_n3A_79 : vector<256x256xf32> to vector<256x256xbf16>
    %get3A_81 = arith.index_cast %multiple_of3A : i32 to index
    %get3A_82 = arith.constant 0 : index
    %get3A_83 = vector.load %arg3[%get3A_81, %get3A_82] : memref<16384x256xf32, #tpu.memory_space<vmem>>, vector<256x256xf32>
    %convert_element_type3A_84 = arith.truncf %get3A_83 : vector<256x256xf32> to vector<256x256xbf16>
    %dot_general3A = arith.constant dense<0.000000e+00> : vector<256x256xf32>
    %dot_general3A_85 = tpu.matmul %convert_element_type3A_84, %convert_element_type3A_80, %dot_general3A {dimension_numbers = #tpu.dot_dimension_numbers<[0], [0], [1], [1], [0, 1, 1, 1], [], []>, transpose_lhs_hint = false} : vector<256x256xbf16>, vector<256x256xbf16>, vector<256x256xf32> -> vector<256x256xf32>
    %swap3A = arith.constant 0 : index
    %swap3A_86 = arith.constant 0 : index
    %swap3A_87 = arith.constant 0 : index
    %swap3A_88 = vector.load %arg4[%swap3A, %swap3A_86, %swap3A_87] : memref<1x256x1024xf32, #tpu.memory_space<vmem>>, vector<1x256x256xf32>
    %swap3A_89 = vector.shape_cast %swap3A_88 : vector<1x256x256xf32> to vector<256x256xf32>
    %swap3A_90 = vector.shape_cast %dot_general3A_85 : vector<256x256xf32> to vector<1x256x256xf32>
    tpu.vector_store %arg4[%swap3A, %swap3A_86, %swap3A_87], %swap3A_90 {strides = array<i32>} : memref<1x256x1024xf32, #tpu.memory_space<vmem>>, vector<1x256x256xf32>,
    %add3A_91 = arith.constant 248 : i32
    %add3A_92 = arith.addi %select_n3A, %add3A_91 : i32
    %le3A = arith.cmpi sle, %add3A_92, %select_n3A_39 : i32
    %convert_element_type3A_93 = arith.extui %le3A : i1 to i32
    %cond3A = arith.constant 0 : i32
    %cond3A_94 = arith.cmpi ne, %convert_element_type3A_93, %cond3A : i32
    scf.if %cond3A_94 {
      %get3A_455 = arith.constant 0 : index
      %get3A_456 = arith.constant 0 : index
      %get3A_457 = arith.constant 0 : index
      %get3A_458 = vector.load %arg4[%get3A_455, %get3A_456, %get3A_457] : memref<1x256x1024xf32, #tpu.memory_space<vmem>>, vector<1x256x256xf32>
      %get3A_459 = vector.shape_cast %get3A_458 : vector<1x256x256xf32> to vector<256x256xf32>
      %add3A_460 = arith.constant 248 : i32
      %add3A_461 = arith.addi %select_n3A, %add3A_460 : i32
      %min3A_462 = arith.constant 16128 : i32
      %min3A_463 = arith.minsi %add3A_461, %min3A_462 : i32
      %shift_right_arithmetic3A_464 = arith.constant 3 : i32
      %shift_right_arithmetic3A_465 = arith.shrsi %min3A_463, %shift_right_arithmetic3A_464 : i32
      %shift_left3A_466 = arith.constant 3 : i32
      %shift_left3A_467 = arith.shli %shift_right_arithmetic3A_465, %shift_left3A_466 : i32
      %multiple_of3A_468 = tpu.assume_multiple %shift_left3A_467, 8 : i32
      %ge3A_469 = vector.broadcast %add3A_461 : i32 to vector<1x256xi32>
      %ge3A_470 = arith.cmpi sge, %select_n3A_57, %ge3A_469 : vector<1x256xi32>
      %add3A_471 = arith.constant 248 : i32
      %add3A_472 = arith.addi %add3A_461, %add3A_471 : i32
      %lt3A_473 = vector.broadcast %add3A_472 : i32 to vector<1x256xi32>
      %lt3A_474 = arith.cmpi slt, %select_n3A_57, %lt3A_473 : vector<1x256xi32>
      %and3A_475 = arith.andi %ge3A_470, %lt3A_474 : vector<1x256xi1>
      %sub3A_476 = vector.broadcast %multiple_of3A_468 : i32 to vector<1x256xi32>
      %sub3A_477 = arith.subi %select_n3A_57, %sub3A_476 : vector<1x256xi32>
      %iota3A_478 = tpu.iota {dimensions = array<i32: 0>} : vector<256x256xi32>
      %eq3A_479 = vector.broadcast %sub3A_477 : vector<1x256xi32> to vector<256x256xi32>
      %eq3A_480 = arith.cmpi eq, %iota3A_478, %eq3A_479 : vector<256x256xi32>
      %and3A_481 = vector.broadcast %and3A_475 : vector<1x256xi1> to vector<256x256xi1>
      %and3A_482 = arith.andi %eq3A_480, %and3A_481 : vector<256x256xi1>
      %jit3A_483 = arith.constant 1.000000e+00 : f32
      %jit3A_484 = arith.constant 0.000000e+00 : f32
      %broadcast_in_dim3A_485 = vector.broadcast %jit3A_483 : f32 to vector<256x256xf32>
      %broadcast_in_dim3A_486 = vector.broadcast %jit3A_484 : f32 to vector<256x256xf32>
      %select_n3A_487 = arith.select %and3A_482, %broadcast_in_dim3A_485, %broadcast_in_dim3A_486 : vector<256x256xi1>, vector<256x256xf32>
      %convert_element_type3A_488 = arith.truncf %select_n3A_487 : vector<256x256xf32> to vector<256x256xbf16>
      %get3A_489 = arith.index_cast %multiple_of3A_468 : i32 to index
      %get3A_490 = arith.constant 0 : index
      %get3A_491 = vector.load %arg3[%get3A_489, %get3A_490] : memref<16384x256xf32, #tpu.memory_space<vmem>>, vector<256x256xf32>
      %convert_element_type3A_492 = arith.truncf %get3A_491 : vector<256x256xf32> to vector<256x256xbf16>
      %dot_general3A_493 = arith.constant dense<0.000000e+00> : vector<256x256xf32>
      %dot_general3A_494 = tpu.matmul %convert_element_type3A_492, %convert_element_type3A_488, %dot_general3A_493 {dimension_numbers = #tpu.dot_dimension_numbers<[0], [0], [1], [1], [0, 1, 1, 1], [], []>, transpose_lhs_hint = false} : vector<256x256xbf16>, vector<256x256xbf16>, vector<256x256xf32> -> vector<256x256xf32>
      %add3A_495 = arith.addf %get3A_459, %dot_general3A_494 : vector<256x256xf32>
      %swap3A_496 = arith.constant 0 : index
      %swap3A_497 = arith.constant 0 : index
      %swap3A_498 = arith.constant 0 : index
      %swap3A_499 = vector.load %arg4[%swap3A_496, %swap3A_497, %swap3A_498] : memref<1x256x1024xf32, #tpu.memory_space<vmem>>, vector<1x256x256xf32>
      %swap3A_500 = vector.shape_cast %swap3A_499 : vector<1x256x256xf32> to vector<256x256xf32>
      %swap3A_501 = vector.shape_cast %add3A_495 : vector<256x256xf32> to vector<1x256x256xf32>
      tpu.vector_store %arg4[%swap3A_496, %swap3A_497, %swap3A_498], %swap3A_501 {strides = array<i32>} : memref<1x256x1024xf32, #tpu.memory_space<vmem>>, vector<1x256x256xf32>,
    } else {
    }
    %add3A_95 = arith.constant 496 : i32
    %add3A_96 = arith.addi %select_n3A, %add3A_95 : i32
    %le3A_97 = arith.cmpi sle, %add3A_96, %select_n3A_39 : i32
    %convert_element_type3A_98 = arith.extui %le3A_97 : i1 to i32
    %cond3A_99 = arith.constant 0 : i32
    %cond3A_100 = arith.cmpi ne, %convert_element_type3A_98, %cond3A_99 : i32
    scf.if %cond3A_100 {
      %get3A_455 = arith.constant 0 : index
      %get3A_456 = arith.constant 0 : index
      %get3A_457 = arith.constant 0 : index
      %get3A_458 = vector.load %arg4[%get3A_455, %get3A_456, %get3A_457] : memref<1x256x1024xf32, #tpu.memory_space<vmem>>, vector<1x256x256xf32>
      %get3A_459 = vector.shape_cast %get3A_458 : vector<1x256x256xf32> to vector<256x256xf32>
      %add3A_460 = arith.constant 496 : i32
      %add3A_461 = arith.addi %select_n3A, %add3A_460 : i32
      %min3A_462 = arith.constant 16128 : i32
      %min3A_463 = arith.minsi %add3A_461, %min3A_462 : i32
      %shift_right_arithmetic3A_464 = arith.constant 3 : i32
      %shift_right_arithmetic3A_465 = arith.shrsi %min3A_463, %shift_right_arithmetic3A_464 : i32
      %shift_left3A_466 = arith.constant 3 : i32
      %shift_left3A_467 = arith.shli %shift_right_arithmetic3A_465, %shift_left3A_466 : i32
      %multiple_of3A_468 = tpu.assume_multiple %shift_left3A_467, 8 : i32
      %ge3A_469 = vector.broadcast %add3A_461 : i32 to vector<1x256xi32>
      %ge3A_470 = arith.cmpi sge, %select_n3A_57, %ge3A_469 : vector<1x256xi32>
      %add3A_471 = arith.constant 248 : i32
      %add3A_472 = arith.addi %add3A_461, %add3A_471 : i32
      %lt3A_473 = vector.broadcast %add3A_472 : i32 to vector<1x256xi32>
      %lt3A_474 = arith.cmpi slt, %select_n3A_57, %lt3A_473 : vector<1x256xi32>
      %and3A_475 = arith.andi %ge3A_470, %lt3A_474 : vector<1x256xi1>
      %sub3A_476 = vector.broadcast %multiple_of3A_468 : i32 to vector<1x256xi32>
      %sub3A_477 = arith.subi %select_n3A_57, %sub3A_476 : vector<1x256xi32>
      %iota3A_478 = tpu.iota {dimensions = array<i32: 0>} : vector<256x256xi32>
      %eq3A_479 = vector.broadcast %sub3A_477 : vector<1x256xi32> to vector<256x256xi32>
      %eq3A_480 = arith.cmpi eq, %iota3A_478, %eq3A_479 : vector<256x256xi32>
      %and3A_481 = vector.broadcast %and3A_475 : vector<1x256xi1> to vector<256x256xi1>
      %and3A_482 = arith.andi %eq3A_480, %and3A_481 : vector<256x256xi1>
      %jit3A_483 = arith.constant 1.000000e+00 : f32
      %jit3A_484 = arith.constant 0.000000e+00 : f32
      %broadcast_in_dim3A_485 = vector.broadcast %jit3A_483 : f32 to vector<256x256xf32>
      %broadcast_in_dim3A_486 = vector.broadcast %jit3A_484 : f32 to vector<256x256xf32>
      %select_n3A_487 = arith.select %and3A_482, %broadcast_in_dim3A_485, %broadcast_in_dim3A_486 : vector<256x256xi1>, vector<256x256xf32>
      %convert_element_type3A_488 = arith.truncf %select_n3A_487 : vector<256x256xf32> to vector<256x256xbf16>
      %get3A_489 = arith.index_cast %multiple_of3A_468 : i32 to index
      %get3A_490 = arith.constant 0 : index
      %get3A_491 = vector.load %arg3[%get3A_489, %get3A_490] : memref<16384x256xf32, #tpu.memory_space<vmem>>, vector<256x256xf32>
      %convert_element_type3A_492 = arith.truncf %get3A_491 : vector<256x256xf32> to vector<256x256xbf16>
      %dot_general3A_493 = arith.constant dense<0.000000e+00> : vector<256x256xf32>
      %dot_general3A_494 = tpu.matmul %convert_element_type3A_492, %convert_element_type3A_488, %dot_general3A_493 {dimension_numbers = #tpu.dot_dimension_numbers<[0], [0], [1], [1], [0, 1, 1, 1], [], []>, transpose_lhs_hint = false} : vector<256x256xbf16>, vector<256x256xbf16>, vector<256x256xf32> -> vector<256x256xf32>
      %add3A_495 = arith.addf %get3A_459, %dot_general3A_494 : vector<256x256xf32>
      %swap3A_496 = arith.constant 0 : index
      %swap3A_497 = arith.constant 0 : index
      %swap3A_498 = arith.constant 0 : index
      %swap3A_499 = vector.load %arg4[%swap3A_496, %swap3A_497, %swap3A_498] : memref<1x256x1024xf32, #tpu.memory_space<vmem>>, vector<1x256x256xf32>
      %swap3A_500 = vector.shape_cast %swap3A_499 : vector<1x256x256xf32> to vector<256x256xf32>
      %swap3A_501 = vector.shape_cast %add3A_495 : vector<256x256xf32> to vector<1x256x256xf32>
      tpu.vector_store %arg4[%swap3A_496, %swap3A_497, %swap3A_498], %swap3A_501 {strides = array<i32>} : memref<1x256x1024xf32, #tpu.memory_space<vmem>>, vector<1x256x256xf32>,
    } else {
    }
    %add3A_101 = arith.constant 744 : i32
    %add3A_102 = arith.addi %select_n3A, %add3A_101 : i32
    %le3A_103 = arith.cmpi sle, %add3A_102, %select_n3A_39 : i32
    %convert_element_type3A_104 = arith.extui %le3A_103 : i1 to i32
    %cond3A_105 = arith.constant 0 : i32
    %cond3A_106 = arith.cmpi ne, %convert_element_type3A_104, %cond3A_105 : i32
    scf.if %cond3A_106 {
      %get3A_455 = arith.constant 0 : index
      %get3A_456 = arith.constant 0 : index
      %get3A_457 = arith.constant 0 : index
      %get3A_458 = vector.load %arg4[%get3A_455, %get3A_456, %get3A_457] : memref<1x256x1024xf32, #tpu.memory_space<vmem>>, vector<1x256x256xf32>
      %get3A_459 = vector.shape_cast %get3A_458 : vector<1x256x256xf32> to vector<256x256xf32>
      %add3A_460 = arith.constant 744 : i32
      %add3A_461 = arith.addi %select_n3A, %add3A_460 : i32
      %min3A_462 = arith.constant 16128 : i32
      %min3A_463 = arith.minsi %add3A_461, %min3A_462 : i32
      %shift_right_arithmetic3A_464 = arith.constant 3 : i32
      %shift_right_arithmetic3A_465 = arith.shrsi %min3A_463, %shift_right_arithmetic3A_464 : i32
      %shift_left3A_466 = arith.constant 3 : i32
      %shift_left3A_467 = arith.shli %shift_right_arithmetic3A_465, %shift_left3A_466 : i32
      %multiple_of3A_468 = tpu.assume_multiple %shift_left3A_467, 8 : i32
      %ge3A_469 = vector.broadcast %add3A_461 : i32 to vector<1x256xi32>
      %ge3A_470 = arith.cmpi sge, %select_n3A_57, %ge3A_469 : vector<1x256xi32>
      %add3A_471 = arith.constant 248 : i32
      %add3A_472 = arith.addi %add3A_461, %add3A_471 : i32
      %lt3A_473 = vector.broadcast %add3A_472 : i32 to vector<1x256xi32>
      %lt3A_474 = arith.cmpi slt, %select_n3A_57, %lt3A_473 : vector<1x256xi32>
      %and3A_475 = arith.andi %ge3A_470, %lt3A_474 : vector<1x256xi1>
      %sub3A_476 = vector.broadcast %multiple_of3A_468 : i32 to vector<1x256xi32>
      %sub3A_477 = arith.subi %select_n3A_57, %sub3A_476 : vector<1x256xi32>
      %iota3A_478 = tpu.iota {dimensions = array<i32: 0>} : vector<256x256xi32>
      %eq3A_479 = vector.broadcast %sub3A_477 : vector<1x256xi32> to vector<256x256xi32>
      %eq3A_480 = arith.cmpi eq, %iota3A_478, %eq3A_479 : vector<256x256xi32>
      %and3A_481 = vector.broadcast %and3A_475 : vector<1x256xi1> to vector<256x256xi1>
      %and3A_482 = arith.andi %eq3A_480, %and3A_481 : vector<256x256xi1>
      %jit3A_483 = arith.constant 1.000000e+00 : f32
      %jit3A_484 = arith.constant 0.000000e+00 : f32
      %broadcast_in_dim3A_485 = vector.broadcast %jit3A_483 : f32 to vector<256x256xf32>
      %broadcast_in_dim3A_486 = vector.broadcast %jit3A_484 : f32 to vector<256x256xf32>
      %select_n3A_487 = arith.select %and3A_482, %broadcast_in_dim3A_485, %broadcast_in_dim3A_486 : vector<256x256xi1>, vector<256x256xf32>
      %convert_element_type3A_488 = arith.truncf %select_n3A_487 : vector<256x256xf32> to vector<256x256xbf16>
      %get3A_489 = arith.index_cast %multiple_of3A_468 : i32 to index
      %get3A_490 = arith.constant 0 : index
      %get3A_491 = vector.load %arg3[%get3A_489, %get3A_490] : memref<16384x256xf32, #tpu.memory_space<vmem>>, vector<256x256xf32>
      %convert_element_type3A_492 = arith.truncf %get3A_491 : vector<256x256xf32> to vector<256x256xbf16>
      %dot_general3A_493 = arith.constant dense<0.000000e+00> : vector<256x256xf32>
      %dot_general3A_494 = tpu.matmul %convert_element_type3A_492, %convert_element_type3A_488, %dot_general3A_493 {dimension_numbers = #tpu.dot_dimension_numbers<[0], [0], [1], [1], [0, 1, 1, 1], [], []>, transpose_lhs_hint = false} : vector<256x256xbf16>, vector<256x256xbf16>, vector<256x256xf32> -> vector<256x256xf32>
      %add3A_495 = arith.addf %get3A_459, %dot_general3A_494 : vector<256x256xf32>
      %swap3A_496 = arith.constant 0 : index
      %swap3A_497 = arith.constant 0 : index
      %swap3A_498 = arith.constant 0 : index
      %swap3A_499 = vector.load %arg4[%swap3A_496, %swap3A_497, %swap3A_498] : memref<1x256x1024xf32, #tpu.memory_space<vmem>>, vector<1x256x256xf32>
      %swap3A_500 = vector.shape_cast %swap3A_499 : vector<1x256x256xf32> to vector<256x256xf32>
      %swap3A_501 = vector.shape_cast %add3A_495 : vector<256x256xf32> to vector<1x256x256xf32>
      tpu.vector_store %arg4[%swap3A_496, %swap3A_497, %swap3A_498], %swap3A_501 {strides = array<i32>} : memref<1x256x1024xf32, #tpu.memory_space<vmem>>, vector<1x256x256xf32>,
    } else {
    }
    %add3A_107 = arith.constant 992 : i32
    %add3A_108 = arith.addi %select_n3A, %add3A_107 : i32
    %le3A_109 = arith.cmpi sle, %add3A_108, %select_n3A_39 : i32
    %convert_element_type3A_110 = arith.extui %le3A_109 : i1 to i32
    %cond3A_111 = arith.constant 0 : i32
    %cond3A_112 = arith.cmpi ne, %convert_element_type3A_110, %cond3A_111 : i32
    scf.if %cond3A_112 {
      %get3A_455 = arith.constant 0 : index
      %get3A_456 = arith.constant 0 : index
      %get3A_457 = arith.constant 0 : index
      %get3A_458 = vector.load %arg4[%get3A_455, %get3A_456, %get3A_457] : memref<1x256x1024xf32, #tpu.memory_space<vmem>>, vector<1x256x256xf32>
      %get3A_459 = vector.shape_cast %get3A_458 : vector<1x256x256xf32> to vector<256x256xf32>
      %add3A_460 = arith.constant 992 : i32
      %add3A_461 = arith.addi %select_n3A, %add3A_460 : i32
      %min3A_462 = arith.constant 16128 : i32
      %min3A_463 = arith.minsi %add3A_461, %min3A_462 : i32
      %shift_right_arithmetic3A_464 = arith.constant 3 : i32
      %shift_right_arithmetic3A_465 = arith.shrsi %min3A_463, %shift_right_arithmetic3A_464 : i32
      %shift_left3A_466 = arith.constant 3 : i32
      %shift_left3A_467 = arith.shli %shift_right_arithmetic3A_465, %shift_left3A_466 : i32
      %multiple_of3A_468 = tpu.assume_multiple %shift_left3A_467, 8 : i32
      %ge3A_469 = vector.broadcast %add3A_461 : i32 to vector<1x256xi32>
      %ge3A_470 = arith.cmpi sge, %select_n3A_57, %ge3A_469 : vector<1x256xi32>
      %add3A_471 = arith.constant 248 : i32
      %add3A_472 = arith.addi %add3A_461, %add3A_471 : i32
      %lt3A_473 = vector.broadcast %add3A_472 : i32 to vector<1x256xi32>
      %lt3A_474 = arith.cmpi slt, %select_n3A_57, %lt3A_473 : vector<1x256xi32>
      %and3A_475 = arith.andi %ge3A_470, %lt3A_474 : vector<1x256xi1>
      %sub3A_476 = vector.broadcast %multiple_of3A_468 : i32 to vector<1x256xi32>
      %sub3A_477 = arith.subi %select_n3A_57, %sub3A_476 : vector<1x256xi32>
      %iota3A_478 = tpu.iota {dimensions = array<i32: 0>} : vector<256x256xi32>
      %eq3A_479 = vector.broadcast %sub3A_477 : vector<1x256xi32> to vector<256x256xi32>
      %eq3A_480 = arith.cmpi eq, %iota3A_478, %eq3A_479 : vector<256x256xi32>
      %and3A_481 = vector.broadcast %and3A_475 : vector<1x256xi1> to vector<256x256xi1>
      %and3A_482 = arith.andi %eq3A_480, %and3A_481 : vector<256x256xi1>
      %jit3A_483 = arith.constant 1.000000e+00 : f32
      %jit3A_484 = arith.constant 0.000000e+00 : f32
      %broadcast_in_dim3A_485 = vector.broadcast %jit3A_483 : f32 to vector<256x256xf32>
      %broadcast_in_dim3A_486 = vector.broadcast %jit3A_484 : f32 to vector<256x256xf32>
      %select_n3A_487 = arith.select %and3A_482, %broadcast_in_dim3A_485, %broadcast_in_dim3A_486 : vector<256x256xi1>, vector<256x256xf32>
      %convert_element_type3A_488 = arith.truncf %select_n3A_487 : vector<256x256xf32> to vector<256x256xbf16>
      %get3A_489 = arith.index_cast %multiple_of3A_468 : i32 to index
      %get3A_490 = arith.constant 0 : index
      %get3A_491 = vector.load %arg3[%get3A_489, %get3A_490] : memref<16384x256xf32, #tpu.memory_space<vmem>>, vector<256x256xf32>
      %convert_element_type3A_492 = arith.truncf %get3A_491 : vector<256x256xf32> to vector<256x256xbf16>
      %dot_general3A_493 = arith.constant dense<0.000000e+00> : vector<256x256xf32>
      %dot_general3A_494 = tpu.matmul %convert_element_type3A_492, %convert_element_type3A_488, %dot_general3A_493 {dimension_numbers = #tpu.dot_dimension_numbers<[0], [0], [1], [1], [0, 1, 1, 1], [], []>, transpose_lhs_hint = false} : vector<256x256xbf16>, vector<256x256xbf16>, vector<256x256xf32> -> vector<256x256xf32>
      %add3A_495 = arith.addf %get3A_459, %dot_general3A_494 : vector<256x256xf32>
      %swap3A_496 = arith.constant 0 : index
      %swap3A_497 = arith.constant 0 : index
      %swap3A_498 = arith.constant 0 : index
      %swap3A_499 = vector.load %arg4[%swap3A_496, %swap3A_497, %swap3A_498] : memref<1x256x1024xf32, #tpu.memory_space<vmem>>, vector<1x256x256xf32>
      %swap3A_500 = vector.shape_cast %swap3A_499 : vector<1x256x256xf32> to vector<256x256xf32>
      %swap3A_501 = vector.shape_cast %add3A_495 : vector<256x256xf32> to vector<1x256x256xf32>
      tpu.vector_store %arg4[%swap3A_496, %swap3A_497, %swap3A_498], %swap3A_501 {strides = array<i32>} : memref<1x256x1024xf32, #tpu.memory_space<vmem>>, vector<1x256x256xf32>,
    } else {
    }
    %mul3A_113 = arith.constant 4 : i32
    %mul3A_114 = arith.muli %arg1, %mul3A_113 : i32
    %add3A_115 = arith.constant 1 : i32
    %add3A_116 = arith.addi %mul3A_114, %add3A_115 : i32
    %mul3A_117 = arith.constant 256 : i32
    %mul3A_118 = arith.muli %add3A_116, %mul3A_117 : i32
    %mul3A_119 = arith.muli %mul3A_118, %reduce_sum3A_6 : i32
    %shift_right_arithmetic3A_120 = arith.constant 12 : i32
    %shift_right_arithmetic3A_121 = arith.shrsi %mul3A_119, %shift_right_arithmetic3A_120 : i32
    %min3A_122 = arith.minsi %shift_right_arithmetic3A_121, %sub3A_14 : i32
    %add3A_123 = arith.constant 256 : i32
    %add3A_124 = arith.addi %mul3A_118, %add3A_123 : i32
    %sub3A_125 = arith.constant 1 : i32
    %sub3A_126 = arith.subi %add3A_124, %sub3A_125 : i32
    %mul3A_127 = arith.muli %sub3A_126, %reduce_sum3A_6 : i32
    %shift_right_arithmetic3A_128 = arith.constant 12 : i32
    %shift_right_arithmetic3A_129 = arith.shrsi %mul3A_127, %shift_right_arithmetic3A_128 : i32
    %min3A_130 = arith.minsi %shift_right_arithmetic3A_129, %sub3A_14 : i32
    %add3A_131 = arith.addi %reduce_sum3A_13, %min3A_122 : i32
    %add3A_132 = arith.addi %reduce_sum3A_13, %min3A_130 : i32
    %lt3A_133 = arith.constant 0 : i32
    %lt3A_134 = arith.cmpi slt, %add3A_131, %lt3A_133 : i32
    %add3A_135 = arith.constant 16384 : i32
    %add3A_136 = arith.addi %add3A_131, %add3A_135 : i32
    %select_n3A_137 = arith.select %lt3A_134, %add3A_136, %add3A_131 : i32
    %lt3A_138 = arith.constant 0 : i32
    %lt3A_139 = arith.cmpi slt, %add3A_132, %lt3A_138 : i32
    %add3A_140 = arith.constant 16384 : i32
    %add3A_141 = arith.addi %add3A_132, %add3A_140 : i32
    %select_n3A_142 = arith.select %lt3A_139, %add3A_141, %add3A_132 : i32
    %iota3A_143 = tpu.iota {dimensions = array<i32: 1>} : vector<1x256xi32>
    %add3A_144 = vector.broadcast %mul3A_118 : i32 to vector<1x256xi32>
    %add3A_145 = arith.addi %add3A_144, %iota3A_143 : vector<1x256xi32>
    %mul3A_146 = vector.broadcast %reduce_sum3A_6 : i32 to vector<1x256xi32>
    %mul3A_147 = arith.muli %add3A_145, %mul3A_146 : vector<1x256xi32>
    %shift_right_arithmetic3A_148 = arith.constant 12 : i32
    %shift_right_arithmetic3A_149 = vector.broadcast %shift_right_arithmetic3A_148 : i32 to vector<1x256xi32>
    %shift_right_arithmetic3A_150 = arith.shrsi %mul3A_147, %shift_right_arithmetic3A_149 : vector<1x256xi32>
    %min3A_151 = vector.broadcast %sub3A_14 : i32 to vector<1x256xi32>
    %min3A_152 = arith.minsi %shift_right_arithmetic3A_150, %min3A_151 : vector<1x256xi32>
    %add3A_153 = vector.broadcast %reduce_sum3A_13 : i32 to vector<1x256xi32>
    %add3A_154 = arith.addi %add3A_153, %min3A_152 : vector<1x256xi32>
    %lt3A_155 = arith.constant 0 : i32
    %lt3A_156 = vector.broadcast %lt3A_155 : i32 to vector<1x256xi32>
    %lt3A_157 = arith.cmpi slt, %add3A_154, %lt3A_156 : vector<1x256xi32>
    %add3A_158 = arith.constant 16384 : i32
    %add3A_159 = vector.broadcast %add3A_158 : i32 to vector<1x256xi32>
    %add3A_160 = arith.addi %add3A_154, %add3A_159 : vector<1x256xi32>
    %select_n3A_161 = arith.select %lt3A_157, %add3A_160, %add3A_154 : vector<1x256xi1>, vector<1x256xi32>
    %add3A_162 = arith.constant 0 : i32
    %add3A_163 = arith.addi %select_n3A_137, %add3A_162 : i32
    %min3A_164 = arith.constant 16128 : i32
    %min3A_165 = arith.minsi %add3A_163, %min3A_164 : i32
    %shift_right_arithmetic3A_166 = arith.constant 3 : i32
    %shift_right_arithmetic3A_167 = arith.shrsi %min3A_165, %shift_right_arithmetic3A_166 : i32
    %shift_left3A_168 = arith.constant 3 : i32
    %shift_left3A_169 = arith.shli %shift_right_arithmetic3A_167, %shift_left3A_168 : i32
    %multiple_of3A_170 = tpu.assume_multiple %shift_left3A_169, 8 : i32
    %ge3A_171 = vector.broadcast %add3A_163 : i32 to vector<1x256xi32>
    %ge3A_172 = arith.cmpi sge, %select_n3A_161, %ge3A_171 : vector<1x256xi32>
    %add3A_173 = arith.constant 248 : i32
    %add3A_174 = arith.addi %add3A_163, %add3A_173 : i32
    %lt3A_175 = vector.broadcast %add3A_174 : i32 to vector<1x256xi32>
    %lt3A_176 = arith.cmpi slt, %select_n3A_161, %lt3A_175 : vector<1x256xi32>
    %and3A_177 = arith.andi %ge3A_172, %lt3A_176 : vector<1x256xi1>
    %sub3A_178 = vector.broadcast %multiple_of3A_170 : i32 to vector<1x256xi32>
    %sub3A_179 = arith.subi %select_n3A_161, %sub3A_178 : vector<1x256xi32>
    %iota3A_180 = tpu.iota {dimensions = array<i32: 0>} : vector<256x256xi32>
    %eq3A_181 = vector.broadcast %sub3A_179 : vector<1x256xi32> to vector<256x256xi32>
    %eq3A_182 = arith.cmpi eq, %iota3A_180, %eq3A_181 : vector<256x256xi32>
    %and3A_183 = vector.broadcast %and3A_177 : vector<1x256xi1> to vector<256x256xi1>
    %and3A_184 = arith.andi %eq3A_182, %and3A_183 : vector<256x256xi1>
    %jit3A_185 = arith.constant 1.000000e+00 : f32
    %jit3A_186 = arith.constant 0.000000e+00 : f32
    %broadcast_in_dim3A_187 = vector.broadcast %jit3A_185 : f32 to vector<256x256xf32>
    %broadcast_in_dim3A_188 = vector.broadcast %jit3A_186 : f32 to vector<256x256xf32>
    %select_n3A_189 = arith.select %and3A_184, %broadcast_in_dim3A_187, %broadcast_in_dim3A_188 : vector<256x256xi1>, vector<256x256xf32>
    %convert_element_type3A_190 = arith.truncf %select_n3A_189 : vector<256x256xf32> to vector<256x256xbf16>
    %get3A_191 = arith.index_cast %multiple_of3A_170 : i32 to index
    %get3A_192 = arith.constant 0 : index
    %get3A_193 = vector.load %arg3[%get3A_191, %get3A_192] : memref<16384x256xf32, #tpu.memory_space<vmem>>, vector<256x256xf32>
    %convert_element_type3A_194 = arith.truncf %get3A_193 : vector<256x256xf32> to vector<256x256xbf16>
    %dot_general3A_195 = arith.constant dense<0.000000e+00> : vector<256x256xf32>
    %dot_general3A_196 = tpu.matmul %convert_element_type3A_194, %convert_element_type3A_190, %dot_general3A_195 {dimension_numbers = #tpu.dot_dimension_numbers<[0], [0], [1], [1], [0, 1, 1, 1], [], []>, transpose_lhs_hint = false} : vector<256x256xbf16>, vector<256x256xbf16>, vector<256x256xf32> -> vector<256x256xf32>
    %swap3A_197 = arith.constant 0 : index
    %swap3A_198 = arith.constant 0 : index
    %swap3A_199 = arith.constant 256 : index
    %swap3A_200 = vector.load %arg4[%swap3A_197, %swap3A_198, %swap3A_199] : memref<1x256x1024xf32, #tpu.memory_space<vmem>>, vector<1x256x256xf32>
    %swap3A_201 = vector.shape_cast %swap3A_200 : vector<1x256x256xf32> to vector<256x256xf32>
    %swap3A_202 = vector.shape_cast %dot_general3A_196 : vector<256x256xf32> to vector<1x256x256xf32>
    tpu.vector_store %arg4[%swap3A_197, %swap3A_198, %swap3A_199], %swap3A_202 {strides = array<i32>} : memref<1x256x1024xf32, #tpu.memory_space<vmem>>, vector<1x256x256xf32>,
    %add3A_203 = arith.constant 248 : i32
    %add3A_204 = arith.addi %select_n3A_137, %add3A_203 : i32
    %le3A_205 = arith.cmpi sle, %add3A_204, %select_n3A_142 : i32
    %convert_element_type3A_206 = arith.extui %le3A_205 : i1 to i32
    %cond3A_207 = arith.constant 0 : i32
    %cond3A_208 = arith.cmpi ne, %convert_element_type3A_206, %cond3A_207 : i32
    scf.if %cond3A_208 {
      %get3A_455 = arith.constant 0 : index
      %get3A_456 = arith.constant 0 : index
      %get3A_457 = arith.constant 256 : index
      %get3A_458 = vector.load %arg4[%get3A_455, %get3A_456, %get3A_457] : memref<1x256x1024xf32, #tpu.memory_space<vmem>>, vector<1x256x256xf32>
      %get3A_459 = vector.shape_cast %get3A_458 : vector<1x256x256xf32> to vector<256x256xf32>
      %add3A_460 = arith.constant 248 : i32
      %add3A_461 = arith.addi %select_n3A_137, %add3A_460 : i32
      %min3A_462 = arith.constant 16128 : i32
      %min3A_463 = arith.minsi %add3A_461, %min3A_462 : i32
      %shift_right_arithmetic3A_464 = arith.constant 3 : i32
      %shift_right_arithmetic3A_465 = arith.shrsi %min3A_463, %shift_right_arithmetic3A_464 : i32
      %shift_left3A_466 = arith.constant 3 : i32
      %shift_left3A_467 = arith.shli %shift_right_arithmetic3A_465, %shift_left3A_466 : i32
      %multiple_of3A_468 = tpu.assume_multiple %shift_left3A_467, 8 : i32
      %ge3A_469 = vector.broadcast %add3A_461 : i32 to vector<1x256xi32>
      %ge3A_470 = arith.cmpi sge, %select_n3A_161, %ge3A_469 : vector<1x256xi32>
      %add3A_471 = arith.constant 248 : i32
      %add3A_472 = arith.addi %add3A_461, %add3A_471 : i32
      %lt3A_473 = vector.broadcast %add3A_472 : i32 to vector<1x256xi32>
      %lt3A_474 = arith.cmpi slt, %select_n3A_161, %lt3A_473 : vector<1x256xi32>
      %and3A_475 = arith.andi %ge3A_470, %lt3A_474 : vector<1x256xi1>
      %sub3A_476 = vector.broadcast %multiple_of3A_468 : i32 to vector<1x256xi32>
      %sub3A_477 = arith.subi %select_n3A_161, %sub3A_476 : vector<1x256xi32>
      %iota3A_478 = tpu.iota {dimensions = array<i32: 0>} : vector<256x256xi32>
      %eq3A_479 = vector.broadcast %sub3A_477 : vector<1x256xi32> to vector<256x256xi32>
      %eq3A_480 = arith.cmpi eq, %iota3A_478, %eq3A_479 : vector<256x256xi32>
      %and3A_481 = vector.broadcast %and3A_475 : vector<1x256xi1> to vector<256x256xi1>
      %and3A_482 = arith.andi %eq3A_480, %and3A_481 : vector<256x256xi1>
      %jit3A_483 = arith.constant 1.000000e+00 : f32
      %jit3A_484 = arith.constant 0.000000e+00 : f32
      %broadcast_in_dim3A_485 = vector.broadcast %jit3A_483 : f32 to vector<256x256xf32>
      %broadcast_in_dim3A_486 = vector.broadcast %jit3A_484 : f32 to vector<256x256xf32>
      %select_n3A_487 = arith.select %and3A_482, %broadcast_in_dim3A_485, %broadcast_in_dim3A_486 : vector<256x256xi1>, vector<256x256xf32>
      %convert_element_type3A_488 = arith.truncf %select_n3A_487 : vector<256x256xf32> to vector<256x256xbf16>
      %get3A_489 = arith.index_cast %multiple_of3A_468 : i32 to index
      %get3A_490 = arith.constant 0 : index
      %get3A_491 = vector.load %arg3[%get3A_489, %get3A_490] : memref<16384x256xf32, #tpu.memory_space<vmem>>, vector<256x256xf32>
      %convert_element_type3A_492 = arith.truncf %get3A_491 : vector<256x256xf32> to vector<256x256xbf16>
      %dot_general3A_493 = arith.constant dense<0.000000e+00> : vector<256x256xf32>
      %dot_general3A_494 = tpu.matmul %convert_element_type3A_492, %convert_element_type3A_488, %dot_general3A_493 {dimension_numbers = #tpu.dot_dimension_numbers<[0], [0], [1], [1], [0, 1, 1, 1], [], []>, transpose_lhs_hint = false} : vector<256x256xbf16>, vector<256x256xbf16>, vector<256x256xf32> -> vector<256x256xf32>
      %add3A_495 = arith.addf %get3A_459, %dot_general3A_494 : vector<256x256xf32>
      %swap3A_496 = arith.constant 0 : index
      %swap3A_497 = arith.constant 0 : index
      %swap3A_498 = arith.constant 256 : index
      %swap3A_499 = vector.load %arg4[%swap3A_496, %swap3A_497, %swap3A_498] : memref<1x256x1024xf32, #tpu.memory_space<vmem>>, vector<1x256x256xf32>
      %swap3A_500 = vector.shape_cast %swap3A_499 : vector<1x256x256xf32> to vector<256x256xf32>
      %swap3A_501 = vector.shape_cast %add3A_495 : vector<256x256xf32> to vector<1x256x256xf32>
      tpu.vector_store %arg4[%swap3A_496, %swap3A_497, %swap3A_498], %swap3A_501 {strides = array<i32>} : memref<1x256x1024xf32, #tpu.memory_space<vmem>>, vector<1x256x256xf32>,
    } else {
    }
    %add3A_209 = arith.constant 496 : i32
    %add3A_210 = arith.addi %select_n3A_137, %add3A_209 : i32
    %le3A_211 = arith.cmpi sle, %add3A_210, %select_n3A_142 : i32
    %convert_element_type3A_212 = arith.extui %le3A_211 : i1 to i32
    %cond3A_213 = arith.constant 0 : i32
    %cond3A_214 = arith.cmpi ne, %convert_element_type3A_212, %cond3A_213 : i32
    scf.if %cond3A_214 {
      %get3A_455 = arith.constant 0 : index
      %get3A_456 = arith.constant 0 : index
      %get3A_457 = arith.constant 256 : index
      %get3A_458 = vector.load %arg4[%get3A_455, %get3A_456, %get3A_457] : memref<1x256x1024xf32, #tpu.memory_space<vmem>>, vector<1x256x256xf32>
      %get3A_459 = vector.shape_cast %get3A_458 : vector<1x256x256xf32> to vector<256x256xf32>
      %add3A_460 = arith.constant 496 : i32
      %add3A_461 = arith.addi %select_n3A_137, %add3A_460 : i32
      %min3A_462 = arith.constant 16128 : i32
      %min3A_463 = arith.minsi %add3A_461, %min3A_462 : i32
      %shift_right_arithmetic3A_464 = arith.constant 3 : i32
      %shift_right_arithmetic3A_465 = arith.shrsi %min3A_463, %shift_right_arithmetic3A_464 : i32
      %shift_left3A_466 = arith.constant 3 : i32
      %shift_left3A_467 = arith.shli %shift_right_arithmetic3A_465, %shift_left3A_466 : i32
      %multiple_of3A_468 = tpu.assume_multiple %shift_left3A_467, 8 : i32
      %ge3A_469 = vector.broadcast %add3A_461 : i32 to vector<1x256xi32>
      %ge3A_470 = arith.cmpi sge, %select_n3A_161, %ge3A_469 : vector<1x256xi32>
      %add3A_471 = arith.constant 248 : i32
      %add3A_472 = arith.addi %add3A_461, %add3A_471 : i32
      %lt3A_473 = vector.broadcast %add3A_472 : i32 to vector<1x256xi32>
      %lt3A_474 = arith.cmpi slt, %select_n3A_161, %lt3A_473 : vector<1x256xi32>
      %and3A_475 = arith.andi %ge3A_470, %lt3A_474 : vector<1x256xi1>
      %sub3A_476 = vector.broadcast %multiple_of3A_468 : i32 to vector<1x256xi32>
      %sub3A_477 = arith.subi %select_n3A_161, %sub3A_476 : vector<1x256xi32>
      %iota3A_478 = tpu.iota {dimensions = array<i32: 0>} : vector<256x256xi32>
      %eq3A_479 = vector.broadcast %sub3A_477 : vector<1x256xi32> to vector<256x256xi32>
      %eq3A_480 = arith.cmpi eq, %iota3A_478, %eq3A_479 : vector<256x256xi32>
      %and3A_481 = vector.broadcast %and3A_475 : vector<1x256xi1> to vector<256x256xi1>
      %and3A_482 = arith.andi %eq3A_480, %and3A_481 : vector<256x256xi1>
      %jit3A_483 = arith.constant 1.000000e+00 : f32
      %jit3A_484 = arith.constant 0.000000e+00 : f32
      %broadcast_in_dim3A_485 = vector.broadcast %jit3A_483 : f32 to vector<256x256xf32>
      %broadcast_in_dim3A_486 = vector.broadcast %jit3A_484 : f32 to vector<256x256xf32>
      %select_n3A_487 = arith.select %and3A_482, %broadcast_in_dim3A_485, %broadcast_in_dim3A_486 : vector<256x256xi1>, vector<256x256xf32>
      %convert_element_type3A_488 = arith.truncf %select_n3A_487 : vector<256x256xf32> to vector<256x256xbf16>
      %get3A_489 = arith.index_cast %multiple_of3A_468 : i32 to index
      %get3A_490 = arith.constant 0 : index
      %get3A_491 = vector.load %arg3[%get3A_489, %get3A_490] : memref<16384x256xf32, #tpu.memory_space<vmem>>, vector<256x256xf32>
      %convert_element_type3A_492 = arith.truncf %get3A_491 : vector<256x256xf32> to vector<256x256xbf16>
      %dot_general3A_493 = arith.constant dense<0.000000e+00> : vector<256x256xf32>
      %dot_general3A_494 = tpu.matmul %convert_element_type3A_492, %convert_element_type3A_488, %dot_general3A_493 {dimension_numbers = #tpu.dot_dimension_numbers<[0], [0], [1], [1], [0, 1, 1, 1], [], []>, transpose_lhs_hint = false} : vector<256x256xbf16>, vector<256x256xbf16>, vector<256x256xf32> -> vector<256x256xf32>
      %add3A_495 = arith.addf %get3A_459, %dot_general3A_494 : vector<256x256xf32>
      %swap3A_496 = arith.constant 0 : index
      %swap3A_497 = arith.constant 0 : index
      %swap3A_498 = arith.constant 256 : index
      %swap3A_499 = vector.load %arg4[%swap3A_496, %swap3A_497, %swap3A_498] : memref<1x256x1024xf32, #tpu.memory_space<vmem>>, vector<1x256x256xf32>
      %swap3A_500 = vector.shape_cast %swap3A_499 : vector<1x256x256xf32> to vector<256x256xf32>
      %swap3A_501 = vector.shape_cast %add3A_495 : vector<256x256xf32> to vector<1x256x256xf32>
      tpu.vector_store %arg4[%swap3A_496, %swap3A_497, %swap3A_498], %swap3A_501 {strides = array<i32>} : memref<1x256x1024xf32, #tpu.memory_space<vmem>>, vector<1x256x256xf32>,
    } else {
    }
    %add3A_215 = arith.constant 744 : i32
    %add3A_216 = arith.addi %select_n3A_137, %add3A_215 : i32
    %le3A_217 = arith.cmpi sle, %add3A_216, %select_n3A_142 : i32
    %convert_element_type3A_218 = arith.extui %le3A_217 : i1 to i32
    %cond3A_219 = arith.constant 0 : i32
    %cond3A_220 = arith.cmpi ne, %convert_element_type3A_218, %cond3A_219 : i32
    scf.if %cond3A_220 {
      %get3A_455 = arith.constant 0 : index
      %get3A_456 = arith.constant 0 : index
      %get3A_457 = arith.constant 256 : index
      %get3A_458 = vector.load %arg4[%get3A_455, %get3A_456, %get3A_457] : memref<1x256x1024xf32, #tpu.memory_space<vmem>>, vector<1x256x256xf32>
      %get3A_459 = vector.shape_cast %get3A_458 : vector<1x256x256xf32> to vector<256x256xf32>
      %add3A_460 = arith.constant 744 : i32
      %add3A_461 = arith.addi %select_n3A_137, %add3A_460 : i32
      %min3A_462 = arith.constant 16128 : i32
      %min3A_463 = arith.minsi %add3A_461, %min3A_462 : i32
      %shift_right_arithmetic3A_464 = arith.constant 3 : i32
      %shift_right_arithmetic3A_465 = arith.shrsi %min3A_463, %shift_right_arithmetic3A_464 : i32
      %shift_left3A_466 = arith.constant 3 : i32
      %shift_left3A_467 = arith.shli %shift_right_arithmetic3A_465, %shift_left3A_466 : i32
      %multiple_of3A_468 = tpu.assume_multiple %shift_left3A_467, 8 : i32
      %ge3A_469 = vector.broadcast %add3A_461 : i32 to vector<1x256xi32>
      %ge3A_470 = arith.cmpi sge, %select_n3A_161, %ge3A_469 : vector<1x256xi32>
      %add3A_471 = arith.constant 248 : i32
      %add3A_472 = arith.addi %add3A_461, %add3A_471 : i32
      %lt3A_473 = vector.broadcast %add3A_472 : i32 to vector<1x256xi32>
      %lt3A_474 = arith.cmpi slt, %select_n3A_161, %lt3A_473 : vector<1x256xi32>
      %and3A_475 = arith.andi %ge3A_470, %lt3A_474 : vector<1x256xi1>
      %sub3A_476 = vector.broadcast %multiple_of3A_468 : i32 to vector<1x256xi32>
      %sub3A_477 = arith.subi %select_n3A_161, %sub3A_476 : vector<1x256xi32>
      %iota3A_478 = tpu.iota {dimensions = array<i32: 0>} : vector<256x256xi32>
      %eq3A_479 = vector.broadcast %sub3A_477 : vector<1x256xi32> to vector<256x256xi32>
      %eq3A_480 = arith.cmpi eq, %iota3A_478, %eq3A_479 : vector<256x256xi32>
      %and3A_481 = vector.broadcast %and3A_475 : vector<1x256xi1> to vector<256x256xi1>
      %and3A_482 = arith.andi %eq3A_480, %and3A_481 : vector<256x256xi1>
      %jit3A_483 = arith.constant 1.000000e+00 : f32
      %jit3A_484 = arith.constant 0.000000e+00 : f32
      %broadcast_in_dim3A_485 = vector.broadcast %jit3A_483 : f32 to vector<256x256xf32>
      %broadcast_in_dim3A_486 = vector.broadcast %jit3A_484 : f32 to vector<256x256xf32>
      %select_n3A_487 = arith.select %and3A_482, %broadcast_in_dim3A_485, %broadcast_in_dim3A_486 : vector<256x256xi1>, vector<256x256xf32>
      %convert_element_type3A_488 = arith.truncf %select_n3A_487 : vector<256x256xf32> to vector<256x256xbf16>
      %get3A_489 = arith.index_cast %multiple_of3A_468 : i32 to index
      %get3A_490 = arith.constant 0 : index
      %get3A_491 = vector.load %arg3[%get3A_489, %get3A_490] : memref<16384x256xf32, #tpu.memory_space<vmem>>, vector<256x256xf32>
      %convert_element_type3A_492 = arith.truncf %get3A_491 : vector<256x256xf32> to vector<256x256xbf16>
      %dot_general3A_493 = arith.constant dense<0.000000e+00> : vector<256x256xf32>
      %dot_general3A_494 = tpu.matmul %convert_element_type3A_492, %convert_element_type3A_488, %dot_general3A_493 {dimension_numbers = #tpu.dot_dimension_numbers<[0], [0], [1], [1], [0, 1, 1, 1], [], []>, transpose_lhs_hint = false} : vector<256x256xbf16>, vector<256x256xbf16>, vector<256x256xf32> -> vector<256x256xf32>
      %add3A_495 = arith.addf %get3A_459, %dot_general3A_494 : vector<256x256xf32>
      %swap3A_496 = arith.constant 0 : index
      %swap3A_497 = arith.constant 0 : index
      %swap3A_498 = arith.constant 256 : index
      %swap3A_499 = vector.load %arg4[%swap3A_496, %swap3A_497, %swap3A_498] : memref<1x256x1024xf32, #tpu.memory_space<vmem>>, vector<1x256x256xf32>
      %swap3A_500 = vector.shape_cast %swap3A_499 : vector<1x256x256xf32> to vector<256x256xf32>
      %swap3A_501 = vector.shape_cast %add3A_495 : vector<256x256xf32> to vector<1x256x256xf32>
      tpu.vector_store %arg4[%swap3A_496, %swap3A_497, %swap3A_498], %swap3A_501 {strides = array<i32>} : memref<1x256x1024xf32, #tpu.memory_space<vmem>>, vector<1x256x256xf32>,
    } else {
    }
    %add3A_221 = arith.constant 992 : i32
    %add3A_222 = arith.addi %select_n3A_137, %add3A_221 : i32
    %le3A_223 = arith.cmpi sle, %add3A_222, %select_n3A_142 : i32
    %convert_element_type3A_224 = arith.extui %le3A_223 : i1 to i32
    %cond3A_225 = arith.constant 0 : i32
    %cond3A_226 = arith.cmpi ne, %convert_element_type3A_224, %cond3A_225 : i32
    scf.if %cond3A_226 {
      %get3A_455 = arith.constant 0 : index
      %get3A_456 = arith.constant 0 : index
      %get3A_457 = arith.constant 256 : index
      %get3A_458 = vector.load %arg4[%get3A_455, %get3A_456, %get3A_457] : memref<1x256x1024xf32, #tpu.memory_space<vmem>>, vector<1x256x256xf32>
      %get3A_459 = vector.shape_cast %get3A_458 : vector<1x256x256xf32> to vector<256x256xf32>
      %add3A_460 = arith.constant 992 : i32
      %add3A_461 = arith.addi %select_n3A_137, %add3A_460 : i32
      %min3A_462 = arith.constant 16128 : i32
      %min3A_463 = arith.minsi %add3A_461, %min3A_462 : i32
      %shift_right_arithmetic3A_464 = arith.constant 3 : i32
      %shift_right_arithmetic3A_465 = arith.shrsi %min3A_463, %shift_right_arithmetic3A_464 : i32
      %shift_left3A_466 = arith.constant 3 : i32
      %shift_left3A_467 = arith.shli %shift_right_arithmetic3A_465, %shift_left3A_466 : i32
      %multiple_of3A_468 = tpu.assume_multiple %shift_left3A_467, 8 : i32
      %ge3A_469 = vector.broadcast %add3A_461 : i32 to vector<1x256xi32>
      %ge3A_470 = arith.cmpi sge, %select_n3A_161, %ge3A_469 : vector<1x256xi32>
      %add3A_471 = arith.constant 248 : i32
      %add3A_472 = arith.addi %add3A_461, %add3A_471 : i32
      %lt3A_473 = vector.broadcast %add3A_472 : i32 to vector<1x256xi32>
      %lt3A_474 = arith.cmpi slt, %select_n3A_161, %lt3A_473 : vector<1x256xi32>
      %and3A_475 = arith.andi %ge3A_470, %lt3A_474 : vector<1x256xi1>
      %sub3A_476 = vector.broadcast %multiple_of3A_468 : i32 to vector<1x256xi32>
      %sub3A_477 = arith.subi %select_n3A_161, %sub3A_476 : vector<1x256xi32>
      %iota3A_478 = tpu.iota {dimensions = array<i32: 0>} : vector<256x256xi32>
      %eq3A_479 = vector.broadcast %sub3A_477 : vector<1x256xi32> to vector<256x256xi32>
      %eq3A_480 = arith.cmpi eq, %iota3A_478, %eq3A_479 : vector<256x256xi32>
      %and3A_481 = vector.broadcast %and3A_475 : vector<1x256xi1> to vector<256x256xi1>
      %and3A_482 = arith.andi %eq3A_480, %and3A_481 : vector<256x256xi1>
      %jit3A_483 = arith.constant 1.000000e+00 : f32
      %jit3A_484 = arith.constant 0.000000e+00 : f32
      %broadcast_in_dim3A_485 = vector.broadcast %jit3A_483 : f32 to vector<256x256xf32>
      %broadcast_in_dim3A_486 = vector.broadcast %jit3A_484 : f32 to vector<256x256xf32>
      %select_n3A_487 = arith.select %and3A_482, %broadcast_in_dim3A_485, %broadcast_in_dim3A_486 : vector<256x256xi1>, vector<256x256xf32>
      %convert_element_type3A_488 = arith.truncf %select_n3A_487 : vector<256x256xf32> to vector<256x256xbf16>
      %get3A_489 = arith.index_cast %multiple_of3A_468 : i32 to index
      %get3A_490 = arith.constant 0 : index
      %get3A_491 = vector.load %arg3[%get3A_489, %get3A_490] : memref<16384x256xf32, #tpu.memory_space<vmem>>, vector<256x256xf32>
      %convert_element_type3A_492 = arith.truncf %get3A_491 : vector<256x256xf32> to vector<256x256xbf16>
      %dot_general3A_493 = arith.constant dense<0.000000e+00> : vector<256x256xf32>
      %dot_general3A_494 = tpu.matmul %convert_element_type3A_492, %convert_element_type3A_488, %dot_general3A_493 {dimension_numbers = #tpu.dot_dimension_numbers<[0], [0], [1], [1], [0, 1, 1, 1], [], []>, transpose_lhs_hint = false} : vector<256x256xbf16>, vector<256x256xbf16>, vector<256x256xf32> -> vector<256x256xf32>
      %add3A_495 = arith.addf %get3A_459, %dot_general3A_494 : vector<256x256xf32>
      %swap3A_496 = arith.constant 0 : index
      %swap3A_497 = arith.constant 0 : index
      %swap3A_498 = arith.constant 256 : index
      %swap3A_499 = vector.load %arg4[%swap3A_496, %swap3A_497, %swap3A_498] : memref<1x256x1024xf32, #tpu.memory_space<vmem>>, vector<1x256x256xf32>
      %swap3A_500 = vector.shape_cast %swap3A_499 : vector<1x256x256xf32> to vector<256x256xf32>
      %swap3A_501 = vector.shape_cast %add3A_495 : vector<256x256xf32> to vector<1x256x256xf32>
      tpu.vector_store %arg4[%swap3A_496, %swap3A_497, %swap3A_498], %swap3A_501 {strides = array<i32>} : memref<1x256x1024xf32, #tpu.memory_space<vmem>>, vector<1x256x256xf32>,
    } else {
    }
    %mul3A_227 = arith.constant 4 : i32
    %mul3A_228 = arith.muli %arg1, %mul3A_227 : i32
    %add3A_229 = arith.constant 2 : i32
    %add3A_230 = arith.addi %mul3A_228, %add3A_229 : i32
    %mul3A_231 = arith.constant 256 : i32
    %mul3A_232 = arith.muli %add3A_230, %mul3A_231 : i32
    %mul3A_233 = arith.muli %mul3A_232, %reduce_sum3A_6 : i32
    %shift_right_arithmetic3A_234 = arith.constant 12 : i32
    %shift_right_arithmetic3A_235 = arith.shrsi %mul3A_233, %shift_right_arithmetic3A_234 : i32
    %min3A_236 = arith.minsi %shift_right_arithmetic3A_235, %sub3A_14 : i32
    %add3A_237 = arith.constant 256 : i32
    %add3A_238 = arith.addi %mul3A_232, %add3A_237 : i32
    %sub3A_239 = arith.constant 1 : i32
    %sub3A_240 = arith.subi %add3A_238, %sub3A_239 : i32
    %mul3A_241 = arith.muli %sub3A_240, %reduce_sum3A_6 : i32
    %shift_right_arithmetic3A_242 = arith.constant 12 : i32
    %shift_right_arithmetic3A_243 = arith.shrsi %mul3A_241, %shift_right_arithmetic3A_242 : i32
    %min3A_244 = arith.minsi %shift_right_arithmetic3A_243, %sub3A_14 : i32
    %add3A_245 = arith.addi %reduce_sum3A_13, %min3A_236 : i32
    %add3A_246 = arith.addi %reduce_sum3A_13, %min3A_244 : i32
    %lt3A_247 = arith.constant 0 : i32
    %lt3A_248 = arith.cmpi slt, %add3A_245, %lt3A_247 : i32
    %add3A_249 = arith.constant 16384 : i32
    %add3A_250 = arith.addi %add3A_245, %add3A_249 : i32
    %select_n3A_251 = arith.select %lt3A_248, %add3A_250, %add3A_245 : i32
    %lt3A_252 = arith.constant 0 : i32
    %lt3A_253 = arith.cmpi slt, %add3A_246, %lt3A_252 : i32
    %add3A_254 = arith.constant 16384 : i32
    %add3A_255 = arith.addi %add3A_246, %add3A_254 : i32
    %select_n3A_256 = arith.select %lt3A_253, %add3A_255, %add3A_246 : i32
    %iota3A_257 = tpu.iota {dimensions = array<i32: 1>} : vector<1x256xi32>
    %add3A_258 = vector.broadcast %mul3A_232 : i32 to vector<1x256xi32>
    %add3A_259 = arith.addi %add3A_258, %iota3A_257 : vector<1x256xi32>
    %mul3A_260 = vector.broadcast %reduce_sum3A_6 : i32 to vector<1x256xi32>
    %mul3A_261 = arith.muli %add3A_259, %mul3A_260 : vector<1x256xi32>
    %shift_right_arithmetic3A_262 = arith.constant 12 : i32
    %shift_right_arithmetic3A_263 = vector.broadcast %shift_right_arithmetic3A_262 : i32 to vector<1x256xi32>
    %shift_right_arithmetic3A_264 = arith.shrsi %mul3A_261, %shift_right_arithmetic3A_263 : vector<1x256xi32>
    %min3A_265 = vector.broadcast %sub3A_14 : i32 to vector<1x256xi32>
    %min3A_266 = arith.minsi %shift_right_arithmetic3A_264, %min3A_265 : vector<1x256xi32>
    %add3A_267 = vector.broadcast %reduce_sum3A_13 : i32 to vector<1x256xi32>
    %add3A_268 = arith.addi %add3A_267, %min3A_266 : vector<1x256xi32>
    %lt3A_269 = arith.constant 0 : i32
    %lt3A_270 = vector.broadcast %lt3A_269 : i32 to vector<1x256xi32>
    %lt3A_271 = arith.cmpi slt, %add3A_268, %lt3A_270 : vector<1x256xi32>
    %add3A_272 = arith.constant 16384 : i32
    %add3A_273 = vector.broadcast %add3A_272 : i32 to vector<1x256xi32>
    %add3A_274 = arith.addi %add3A_268, %add3A_273 : vector<1x256xi32>
    %select_n3A_275 = arith.select %lt3A_271, %add3A_274, %add3A_268 : vector<1x256xi1>, vector<1x256xi32>
    %add3A_276 = arith.constant 0 : i32
    %add3A_277 = arith.addi %select_n3A_251, %add3A_276 : i32
    %min3A_278 = arith.constant 16128 : i32
    %min3A_279 = arith.minsi %add3A_277, %min3A_278 : i32
    %shift_right_arithmetic3A_280 = arith.constant 3 : i32
    %shift_right_arithmetic3A_281 = arith.shrsi %min3A_279, %shift_right_arithmetic3A_280 : i32
    %shift_left3A_282 = arith.constant 3 : i32
    %shift_left3A_283 = arith.shli %shift_right_arithmetic3A_281, %shift_left3A_282 : i32
    %multiple_of3A_284 = tpu.assume_multiple %shift_left3A_283, 8 : i32
    %ge3A_285 = vector.broadcast %add3A_277 : i32 to vector<1x256xi32>
    %ge3A_286 = arith.cmpi sge, %select_n3A_275, %ge3A_285 : vector<1x256xi32>
    %add3A_287 = arith.constant 248 : i32
    %add3A_288 = arith.addi %add3A_277, %add3A_287 : i32
    %lt3A_289 = vector.broadcast %add3A_288 : i32 to vector<1x256xi32>
    %lt3A_290 = arith.cmpi slt, %select_n3A_275, %lt3A_289 : vector<1x256xi32>
    %and3A_291 = arith.andi %ge3A_286, %lt3A_290 : vector<1x256xi1>
    %sub3A_292 = vector.broadcast %multiple_of3A_284 : i32 to vector<1x256xi32>
    %sub3A_293 = arith.subi %select_n3A_275, %sub3A_292 : vector<1x256xi32>
    %iota3A_294 = tpu.iota {dimensions = array<i32: 0>} : vector<256x256xi32>
    %eq3A_295 = vector.broadcast %sub3A_293 : vector<1x256xi32> to vector<256x256xi32>
    %eq3A_296 = arith.cmpi eq, %iota3A_294, %eq3A_295 : vector<256x256xi32>
    %and3A_297 = vector.broadcast %and3A_291 : vector<1x256xi1> to vector<256x256xi1>
    %and3A_298 = arith.andi %eq3A_296, %and3A_297 : vector<256x256xi1>
    %jit3A_299 = arith.constant 1.000000e+00 : f32
    %jit3A_300 = arith.constant 0.000000e+00 : f32
    %broadcast_in_dim3A_301 = vector.broadcast %jit3A_299 : f32 to vector<256x256xf32>
    %broadcast_in_dim3A_302 = vector.broadcast %jit3A_300 : f32 to vector<256x256xf32>
    %select_n3A_303 = arith.select %and3A_298, %broadcast_in_dim3A_301, %broadcast_in_dim3A_302 : vector<256x256xi1>, vector<256x256xf32>
    %convert_element_type3A_304 = arith.truncf %select_n3A_303 : vector<256x256xf32> to vector<256x256xbf16>
    %get3A_305 = arith.index_cast %multiple_of3A_284 : i32 to index
    %get3A_306 = arith.constant 0 : index
    %get3A_307 = vector.load %arg3[%get3A_305, %get3A_306] : memref<16384x256xf32, #tpu.memory_space<vmem>>, vector<256x256xf32>
    %convert_element_type3A_308 = arith.truncf %get3A_307 : vector<256x256xf32> to vector<256x256xbf16>
    %dot_general3A_309 = arith.constant dense<0.000000e+00> : vector<256x256xf32>
    %dot_general3A_310 = tpu.matmul %convert_element_type3A_308, %convert_element_type3A_304, %dot_general3A_309 {dimension_numbers = #tpu.dot_dimension_numbers<[0], [0], [1], [1], [0, 1, 1, 1], [], []>, transpose_lhs_hint = false} : vector<256x256xbf16>, vector<256x256xbf16>, vector<256x256xf32> -> vector<256x256xf32>
    %swap3A_311 = arith.constant 0 : index
    %swap3A_312 = arith.constant 0 : index
    %swap3A_313 = arith.constant 512 : index
    %swap3A_314 = vector.load %arg4[%swap3A_311, %swap3A_312, %swap3A_313] : memref<1x256x1024xf32, #tpu.memory_space<vmem>>, vector<1x256x256xf32>
    %swap3A_315 = vector.shape_cast %swap3A_314 : vector<1x256x256xf32> to vector<256x256xf32>
    %swap3A_316 = vector.shape_cast %dot_general3A_310 : vector<256x256xf32> to vector<1x256x256xf32>
    tpu.vector_store %arg4[%swap3A_311, %swap3A_312, %swap3A_313], %swap3A_316 {strides = array<i32>} : memref<1x256x1024xf32, #tpu.memory_space<vmem>>, vector<1x256x256xf32>,
    %add3A_317 = arith.constant 248 : i32
    %add3A_318 = arith.addi %select_n3A_251, %add3A_317 : i32
    %le3A_319 = arith.cmpi sle, %add3A_318, %select_n3A_256 : i32
    %convert_element_type3A_320 = arith.extui %le3A_319 : i1 to i32
    %cond3A_321 = arith.constant 0 : i32
    %cond3A_322 = arith.cmpi ne, %convert_element_type3A_320, %cond3A_321 : i32
    scf.if %cond3A_322 {
      %get3A_455 = arith.constant 0 : index
      %get3A_456 = arith.constant 0 : index
      %get3A_457 = arith.constant 512 : index
      %get3A_458 = vector.load %arg4[%get3A_455, %get3A_456, %get3A_457] : memref<1x256x1024xf32, #tpu.memory_space<vmem>>, vector<1x256x256xf32>
      %get3A_459 = vector.shape_cast %get3A_458 : vector<1x256x256xf32> to vector<256x256xf32>
      %add3A_460 = arith.constant 248 : i32
      %add3A_461 = arith.addi %select_n3A_251, %add3A_460 : i32
      %min3A_462 = arith.constant 16128 : i32
      %min3A_463 = arith.minsi %add3A_461, %min3A_462 : i32
      %shift_right_arithmetic3A_464 = arith.constant 3 : i32
      %shift_right_arithmetic3A_465 = arith.shrsi %min3A_463, %shift_right_arithmetic3A_464 : i32
      %shift_left3A_466 = arith.constant 3 : i32
      %shift_left3A_467 = arith.shli %shift_right_arithmetic3A_465, %shift_left3A_466 : i32
      %multiple_of3A_468 = tpu.assume_multiple %shift_left3A_467, 8 : i32
      %ge3A_469 = vector.broadcast %add3A_461 : i32 to vector<1x256xi32>
      %ge3A_470 = arith.cmpi sge, %select_n3A_275, %ge3A_469 : vector<1x256xi32>
      %add3A_471 = arith.constant 248 : i32
      %add3A_472 = arith.addi %add3A_461, %add3A_471 : i32
      %lt3A_473 = vector.broadcast %add3A_472 : i32 to vector<1x256xi32>
      %lt3A_474 = arith.cmpi slt, %select_n3A_275, %lt3A_473 : vector<1x256xi32>
      %and3A_475 = arith.andi %ge3A_470, %lt3A_474 : vector<1x256xi1>
      %sub3A_476 = vector.broadcast %multiple_of3A_468 : i32 to vector<1x256xi32>
      %sub3A_477 = arith.subi %select_n3A_275, %sub3A_476 : vector<1x256xi32>
      %iota3A_478 = tpu.iota {dimensions = array<i32: 0>} : vector<256x256xi32>
      %eq3A_479 = vector.broadcast %sub3A_477 : vector<1x256xi32> to vector<256x256xi32>
      %eq3A_480 = arith.cmpi eq, %iota3A_478, %eq3A_479 : vector<256x256xi32>
      %and3A_481 = vector.broadcast %and3A_475 : vector<1x256xi1> to vector<256x256xi1>
      %and3A_482 = arith.andi %eq3A_480, %and3A_481 : vector<256x256xi1>
      %jit3A_483 = arith.constant 1.000000e+00 : f32
      %jit3A_484 = arith.constant 0.000000e+00 : f32
      %broadcast_in_dim3A_485 = vector.broadcast %jit3A_483 : f32 to vector<256x256xf32>
      %broadcast_in_dim3A_486 = vector.broadcast %jit3A_484 : f32 to vector<256x256xf32>
      %select_n3A_487 = arith.select %and3A_482, %broadcast_in_dim3A_485, %broadcast_in_dim3A_486 : vector<256x256xi1>, vector<256x256xf32>
      %convert_element_type3A_488 = arith.truncf %select_n3A_487 : vector<256x256xf32> to vector<256x256xbf16>
      %get3A_489 = arith.index_cast %multiple_of3A_468 : i32 to index
      %get3A_490 = arith.constant 0 : index
      %get3A_491 = vector.load %arg3[%get3A_489, %get3A_490] : memref<16384x256xf32, #tpu.memory_space<vmem>>, vector<256x256xf32>
      %convert_element_type3A_492 = arith.truncf %get3A_491 : vector<256x256xf32> to vector<256x256xbf16>
      %dot_general3A_493 = arith.constant dense<0.000000e+00> : vector<256x256xf32>
      %dot_general3A_494 = tpu.matmul %convert_element_type3A_492, %convert_element_type3A_488, %dot_general3A_493 {dimension_numbers = #tpu.dot_dimension_numbers<[0], [0], [1], [1], [0, 1, 1, 1], [], []>, transpose_lhs_hint = false} : vector<256x256xbf16>, vector<256x256xbf16>, vector<256x256xf32> -> vector<256x256xf32>
      %add3A_495 = arith.addf %get3A_459, %dot_general3A_494 : vector<256x256xf32>
      %swap3A_496 = arith.constant 0 : index
      %swap3A_497 = arith.constant 0 : index
      %swap3A_498 = arith.constant 512 : index
      %swap3A_499 = vector.load %arg4[%swap3A_496, %swap3A_497, %swap3A_498] : memref<1x256x1024xf32, #tpu.memory_space<vmem>>, vector<1x256x256xf32>
      %swap3A_500 = vector.shape_cast %swap3A_499 : vector<1x256x256xf32> to vector<256x256xf32>
      %swap3A_501 = vector.shape_cast %add3A_495 : vector<256x256xf32> to vector<1x256x256xf32>
      tpu.vector_store %arg4[%swap3A_496, %swap3A_497, %swap3A_498], %swap3A_501 {strides = array<i32>} : memref<1x256x1024xf32, #tpu.memory_space<vmem>>, vector<1x256x256xf32>,
    } else {
    }
    %add3A_323 = arith.constant 496 : i32
    %add3A_324 = arith.addi %select_n3A_251, %add3A_323 : i32
    %le3A_325 = arith.cmpi sle, %add3A_324, %select_n3A_256 : i32
    %convert_element_type3A_326 = arith.extui %le3A_325 : i1 to i32
    %cond3A_327 = arith.constant 0 : i32
    %cond3A_328 = arith.cmpi ne, %convert_element_type3A_326, %cond3A_327 : i32
    scf.if %cond3A_328 {
      %get3A_455 = arith.constant 0 : index
      %get3A_456 = arith.constant 0 : index
      %get3A_457 = arith.constant 512 : index
      %get3A_458 = vector.load %arg4[%get3A_455, %get3A_456, %get3A_457] : memref<1x256x1024xf32, #tpu.memory_space<vmem>>, vector<1x256x256xf32>
      %get3A_459 = vector.shape_cast %get3A_458 : vector<1x256x256xf32> to vector<256x256xf32>
      %add3A_460 = arith.constant 496 : i32
      %add3A_461 = arith.addi %select_n3A_251, %add3A_460 : i32
      %min3A_462 = arith.constant 16128 : i32
      %min3A_463 = arith.minsi %add3A_461, %min3A_462 : i32
      %shift_right_arithmetic3A_464 = arith.constant 3 : i32
      %shift_right_arithmetic3A_465 = arith.shrsi %min3A_463, %shift_right_arithmetic3A_464 : i32
      %shift_left3A_466 = arith.constant 3 : i32
      %shift_left3A_467 = arith.shli %shift_right_arithmetic3A_465, %shift_left3A_466 : i32
      %multiple_of3A_468 = tpu.assume_multiple %shift_left3A_467, 8 : i32
      %ge3A_469 = vector.broadcast %add3A_461 : i32 to vector<1x256xi32>
      %ge3A_470 = arith.cmpi sge, %select_n3A_275, %ge3A_469 : vector<1x256xi32>
      %add3A_471 = arith.constant 248 : i32
      %add3A_472 = arith.addi %add3A_461, %add3A_471 : i32
      %lt3A_473 = vector.broadcast %add3A_472 : i32 to vector<1x256xi32>
      %lt3A_474 = arith.cmpi slt, %select_n3A_275, %lt3A_473 : vector<1x256xi32>
      %and3A_475 = arith.andi %ge3A_470, %lt3A_474 : vector<1x256xi1>
      %sub3A_476 = vector.broadcast %multiple_of3A_468 : i32 to vector<1x256xi32>
      %sub3A_477 = arith.subi %select_n3A_275, %sub3A_476 : vector<1x256xi32>
      %iota3A_478 = tpu.iota {dimensions = array<i32: 0>} : vector<256x256xi32>
      %eq3A_479 = vector.broadcast %sub3A_477 : vector<1x256xi32> to vector<256x256xi32>
      %eq3A_480 = arith.cmpi eq, %iota3A_478, %eq3A_479 : vector<256x256xi32>
      %and3A_481 = vector.broadcast %and3A_475 : vector<1x256xi1> to vector<256x256xi1>
      %and3A_482 = arith.andi %eq3A_480, %and3A_481 : vector<256x256xi1>
      %jit3A_483 = arith.constant 1.000000e+00 : f32
      %jit3A_484 = arith.constant 0.000000e+00 : f32
      %broadcast_in_dim3A_485 = vector.broadcast %jit3A_483 : f32 to vector<256x256xf32>
      %broadcast_in_dim3A_486 = vector.broadcast %jit3A_484 : f32 to vector<256x256xf32>
      %select_n3A_487 = arith.select %and3A_482, %broadcast_in_dim3A_485, %broadcast_in_dim3A_486 : vector<256x256xi1>, vector<256x256xf32>
      %convert_element_type3A_488 = arith.truncf %select_n3A_487 : vector<256x256xf32> to vector<256x256xbf16>
      %get3A_489 = arith.index_cast %multiple_of3A_468 : i32 to index
      %get3A_490 = arith.constant 0 : index
      %get3A_491 = vector.load %arg3[%get3A_489, %get3A_490] : memref<16384x256xf32, #tpu.memory_space<vmem>>, vector<256x256xf32>
      %convert_element_type3A_492 = arith.truncf %get3A_491 : vector<256x256xf32> to vector<256x256xbf16>
      %dot_general3A_493 = arith.constant dense<0.000000e+00> : vector<256x256xf32>
      %dot_general3A_494 = tpu.matmul %convert_element_type3A_492, %convert_element_type3A_488, %dot_general3A_493 {dimension_numbers = #tpu.dot_dimension_numbers<[0], [0], [1], [1], [0, 1, 1, 1], [], []>, transpose_lhs_hint = false} : vector<256x256xbf16>, vector<256x256xbf16>, vector<256x256xf32> -> vector<256x256xf32>
      %add3A_495 = arith.addf %get3A_459, %dot_general3A_494 : vector<256x256xf32>
      %swap3A_496 = arith.constant 0 : index
      %swap3A_497 = arith.constant 0 : index
      %swap3A_498 = arith.constant 512 : index
      %swap3A_499 = vector.load %arg4[%swap3A_496, %swap3A_497, %swap3A_498] : memref<1x256x1024xf32, #tpu.memory_space<vmem>>, vector<1x256x256xf32>
      %swap3A_500 = vector.shape_cast %swap3A_499 : vector<1x256x256xf32> to vector<256x256xf32>
      %swap3A_501 = vector.shape_cast %add3A_495 : vector<256x256xf32> to vector<1x256x256xf32>
      tpu.vector_store %arg4[%swap3A_496, %swap3A_497, %swap3A_498], %swap3A_501 {strides = array<i32>} : memref<1x256x1024xf32, #tpu.memory_space<vmem>>, vector<1x256x256xf32>,
    } else {
    }
    %add3A_329 = arith.constant 744 : i32
    %add3A_330 = arith.addi %select_n3A_251, %add3A_329 : i32
    %le3A_331 = arith.cmpi sle, %add3A_330, %select_n3A_256 : i32
    %convert_element_type3A_332 = arith.extui %le3A_331 : i1 to i32
    %cond3A_333 = arith.constant 0 : i32
    %cond3A_334 = arith.cmpi ne, %convert_element_type3A_332, %cond3A_333 : i32
    scf.if %cond3A_334 {
      %get3A_455 = arith.constant 0 : index
      %get3A_456 = arith.constant 0 : index
      %get3A_457 = arith.constant 512 : index
      %get3A_458 = vector.load %arg4[%get3A_455, %get3A_456, %get3A_457] : memref<1x256x1024xf32, #tpu.memory_space<vmem>>, vector<1x256x256xf32>
      %get3A_459 = vector.shape_cast %get3A_458 : vector<1x256x256xf32> to vector<256x256xf32>
      %add3A_460 = arith.constant 744 : i32
      %add3A_461 = arith.addi %select_n3A_251, %add3A_460 : i32
      %min3A_462 = arith.constant 16128 : i32
      %min3A_463 = arith.minsi %add3A_461, %min3A_462 : i32
      %shift_right_arithmetic3A_464 = arith.constant 3 : i32
      %shift_right_arithmetic3A_465 = arith.shrsi %min3A_463, %shift_right_arithmetic3A_464 : i32
      %shift_left3A_466 = arith.constant 3 : i32
      %shift_left3A_467 = arith.shli %shift_right_arithmetic3A_465, %shift_left3A_466 : i32
      %multiple_of3A_468 = tpu.assume_multiple %shift_left3A_467, 8 : i32
      %ge3A_469 = vector.broadcast %add3A_461 : i32 to vector<1x256xi32>
      %ge3A_470 = arith.cmpi sge, %select_n3A_275, %ge3A_469 : vector<1x256xi32>
      %add3A_471 = arith.constant 248 : i32
      %add3A_472 = arith.addi %add3A_461, %add3A_471 : i32
      %lt3A_473 = vector.broadcast %add3A_472 : i32 to vector<1x256xi32>
      %lt3A_474 = arith.cmpi slt, %select_n3A_275, %lt3A_473 : vector<1x256xi32>
      %and3A_475 = arith.andi %ge3A_470, %lt3A_474 : vector<1x256xi1>
      %sub3A_476 = vector.broadcast %multiple_of3A_468 : i32 to vector<1x256xi32>
      %sub3A_477 = arith.subi %select_n3A_275, %sub3A_476 : vector<1x256xi32>
      %iota3A_478 = tpu.iota {dimensions = array<i32: 0>} : vector<256x256xi32>
      %eq3A_479 = vector.broadcast %sub3A_477 : vector<1x256xi32> to vector<256x256xi32>
      %eq3A_480 = arith.cmpi eq, %iota3A_478, %eq3A_479 : vector<256x256xi32>
      %and3A_481 = vector.broadcast %and3A_475 : vector<1x256xi1> to vector<256x256xi1>
      %and3A_482 = arith.andi %eq3A_480, %and3A_481 : vector<256x256xi1>
      %jit3A_483 = arith.constant 1.000000e+00 : f32
      %jit3A_484 = arith.constant 0.000000e+00 : f32
      %broadcast_in_dim3A_485 = vector.broadcast %jit3A_483 : f32 to vector<256x256xf32>
      %broadcast_in_dim3A_486 = vector.broadcast %jit3A_484 : f32 to vector<256x256xf32>
      %select_n3A_487 = arith.select %and3A_482, %broadcast_in_dim3A_485, %broadcast_in_dim3A_486 : vector<256x256xi1>, vector<256x256xf32>
      %convert_element_type3A_488 = arith.truncf %select_n3A_487 : vector<256x256xf32> to vector<256x256xbf16>
      %get3A_489 = arith.index_cast %multiple_of3A_468 : i32 to index
      %get3A_490 = arith.constant 0 : index
      %get3A_491 = vector.load %arg3[%get3A_489, %get3A_490] : memref<16384x256xf32, #tpu.memory_space<vmem>>, vector<256x256xf32>
      %convert_element_type3A_492 = arith.truncf %get3A_491 : vector<256x256xf32> to vector<256x256xbf16>
      %dot_general3A_493 = arith.constant dense<0.000000e+00> : vector<256x256xf32>
      %dot_general3A_494 = tpu.matmul %convert_element_type3A_492, %convert_element_type3A_488, %dot_general3A_493 {dimension_numbers = #tpu.dot_dimension_numbers<[0], [0], [1], [1], [0, 1, 1, 1], [], []>, transpose_lhs_hint = false} : vector<256x256xbf16>, vector<256x256xbf16>, vector<256x256xf32> -> vector<256x256xf32>
      %add3A_495 = arith.addf %get3A_459, %dot_general3A_494 : vector<256x256xf32>
      %swap3A_496 = arith.constant 0 : index
      %swap3A_497 = arith.constant 0 : index
      %swap3A_498 = arith.constant 512 : index
      %swap3A_499 = vector.load %arg4[%swap3A_496, %swap3A_497, %swap3A_498] : memref<1x256x1024xf32, #tpu.memory_space<vmem>>, vector<1x256x256xf32>
      %swap3A_500 = vector.shape_cast %swap3A_499 : vector<1x256x256xf32> to vector<256x256xf32>
      %swap3A_501 = vector.shape_cast %add3A_495 : vector<256x256xf32> to vector<1x256x256xf32>
      tpu.vector_store %arg4[%swap3A_496, %swap3A_497, %swap3A_498], %swap3A_501 {strides = array<i32>} : memref<1x256x1024xf32, #tpu.memory_space<vmem>>, vector<1x256x256xf32>,
    } else {
    }
    %add3A_335 = arith.constant 992 : i32
    %add3A_336 = arith.addi %select_n3A_251, %add3A_335 : i32
    %le3A_337 = arith.cmpi sle, %add3A_336, %select_n3A_256 : i32
    %convert_element_type3A_338 = arith.extui %le3A_337 : i1 to i32
    %cond3A_339 = arith.constant 0 : i32
    %cond3A_340 = arith.cmpi ne, %convert_element_type3A_338, %cond3A_339 : i32
    scf.if %cond3A_340 {
      %get3A_455 = arith.constant 0 : index
      %get3A_456 = arith.constant 0 : index
      %get3A_457 = arith.constant 512 : index
      %get3A_458 = vector.load %arg4[%get3A_455, %get3A_456, %get3A_457] : memref<1x256x1024xf32, #tpu.memory_space<vmem>>, vector<1x256x256xf32>
      %get3A_459 = vector.shape_cast %get3A_458 : vector<1x256x256xf32> to vector<256x256xf32>
      %add3A_460 = arith.constant 992 : i32
      %add3A_461 = arith.addi %select_n3A_251, %add3A_460 : i32
      %min3A_462 = arith.constant 16128 : i32
      %min3A_463 = arith.minsi %add3A_461, %min3A_462 : i32
      %shift_right_arithmetic3A_464 = arith.constant 3 : i32
      %shift_right_arithmetic3A_465 = arith.shrsi %min3A_463, %shift_right_arithmetic3A_464 : i32
      %shift_left3A_466 = arith.constant 3 : i32
      %shift_left3A_467 = arith.shli %shift_right_arithmetic3A_465, %shift_left3A_466 : i32
      %multiple_of3A_468 = tpu.assume_multiple %shift_left3A_467, 8 : i32
      %ge3A_469 = vector.broadcast %add3A_461 : i32 to vector<1x256xi32>
      %ge3A_470 = arith.cmpi sge, %select_n3A_275, %ge3A_469 : vector<1x256xi32>
      %add3A_471 = arith.constant 248 : i32
      %add3A_472 = arith.addi %add3A_461, %add3A_471 : i32
      %lt3A_473 = vector.broadcast %add3A_472 : i32 to vector<1x256xi32>
      %lt3A_474 = arith.cmpi slt, %select_n3A_275, %lt3A_473 : vector<1x256xi32>
      %and3A_475 = arith.andi %ge3A_470, %lt3A_474 : vector<1x256xi1>
      %sub3A_476 = vector.broadcast %multiple_of3A_468 : i32 to vector<1x256xi32>
      %sub3A_477 = arith.subi %select_n3A_275, %sub3A_476 : vector<1x256xi32>
      %iota3A_478 = tpu.iota {dimensions = array<i32: 0>} : vector<256x256xi32>
      %eq3A_479 = vector.broadcast %sub3A_477 : vector<1x256xi32> to vector<256x256xi32>
      %eq3A_480 = arith.cmpi eq, %iota3A_478, %eq3A_479 : vector<256x256xi32>
      %and3A_481 = vector.broadcast %and3A_475 : vector<1x256xi1> to vector<256x256xi1>
      %and3A_482 = arith.andi %eq3A_480, %and3A_481 : vector<256x256xi1>
      %jit3A_483 = arith.constant 1.000000e+00 : f32
      %jit3A_484 = arith.constant 0.000000e+00 : f32
      %broadcast_in_dim3A_485 = vector.broadcast %jit3A_483 : f32 to vector<256x256xf32>
      %broadcast_in_dim3A_486 = vector.broadcast %jit3A_484 : f32 to vector<256x256xf32>
      %select_n3A_487 = arith.select %and3A_482, %broadcast_in_dim3A_485, %broadcast_in_dim3A_486 : vector<256x256xi1>, vector<256x256xf32>
      %convert_element_type3A_488 = arith.truncf %select_n3A_487 : vector<256x256xf32> to vector<256x256xbf16>
      %get3A_489 = arith.index_cast %multiple_of3A_468 : i32 to index
      %get3A_490 = arith.constant 0 : index
      %get3A_491 = vector.load %arg3[%get3A_489, %get3A_490] : memref<16384x256xf32, #tpu.memory_space<vmem>>, vector<256x256xf32>
      %convert_element_type3A_492 = arith.truncf %get3A_491 : vector<256x256xf32> to vector<256x256xbf16>
      %dot_general3A_493 = arith.constant dense<0.000000e+00> : vector<256x256xf32>
      %dot_general3A_494 = tpu.matmul %convert_element_type3A_492, %convert_element_type3A_488, %dot_general3A_493 {dimension_numbers = #tpu.dot_dimension_numbers<[0], [0], [1], [1], [0, 1, 1, 1], [], []>, transpose_lhs_hint = false} : vector<256x256xbf16>, vector<256x256xbf16>, vector<256x256xf32> -> vector<256x256xf32>
      %add3A_495 = arith.addf %get3A_459, %dot_general3A_494 : vector<256x256xf32>
      %swap3A_496 = arith.constant 0 : index
      %swap3A_497 = arith.constant 0 : index
      %swap3A_498 = arith.constant 512 : index
      %swap3A_499 = vector.load %arg4[%swap3A_496, %swap3A_497, %swap3A_498] : memref<1x256x1024xf32, #tpu.memory_space<vmem>>, vector<1x256x256xf32>
      %swap3A_500 = vector.shape_cast %swap3A_499 : vector<1x256x256xf32> to vector<256x256xf32>
      %swap3A_501 = vector.shape_cast %add3A_495 : vector<256x256xf32> to vector<1x256x256xf32>
      tpu.vector_store %arg4[%swap3A_496, %swap3A_497, %swap3A_498], %swap3A_501 {strides = array<i32>} : memref<1x256x1024xf32, #tpu.memory_space<vmem>>, vector<1x256x256xf32>,
    } else {
    }
    %mul3A_341 = arith.constant 4 : i32
    %mul3A_342 = arith.muli %arg1, %mul3A_341 : i32
    %add3A_343 = arith.constant 3 : i32
    %add3A_344 = arith.addi %mul3A_342, %add3A_343 : i32
    %mul3A_345 = arith.constant 256 : i32
    %mul3A_346 = arith.muli %add3A_344, %mul3A_345 : i32
    %mul3A_347 = arith.muli %mul3A_346, %reduce_sum3A_6 : i32
    %shift_right_arithmetic3A_348 = arith.constant 12 : i32
    %shift_right_arithmetic3A_349 = arith.shrsi %mul3A_347, %shift_right_arithmetic3A_348 : i32
    %min3A_350 = arith.minsi %shift_right_arithmetic3A_349, %sub3A_14 : i32
    %add3A_351 = arith.constant 256 : i32
    %add3A_352 = arith.addi %mul3A_346, %add3A_351 : i32
    %sub3A_353 = arith.constant 1 : i32
    %sub3A_354 = arith.subi %add3A_352, %sub3A_353 : i32
    %mul3A_355 = arith.muli %sub3A_354, %reduce_sum3A_6 : i32
    %shift_right_arithmetic3A_356 = arith.constant 12 : i32
    %shift_right_arithmetic3A_357 = arith.shrsi %mul3A_355, %shift_right_arithmetic3A_356 : i32
    %min3A_358 = arith.minsi %shift_right_arithmetic3A_357, %sub3A_14 : i32
    %add3A_359 = arith.addi %reduce_sum3A_13, %min3A_350 : i32
    %add3A_360 = arith.addi %reduce_sum3A_13, %min3A_358 : i32
    %lt3A_361 = arith.constant 0 : i32
    %lt3A_362 = arith.cmpi slt, %add3A_359, %lt3A_361 : i32
    %add3A_363 = arith.constant 16384 : i32
    %add3A_364 = arith.addi %add3A_359, %add3A_363 : i32
    %select_n3A_365 = arith.select %lt3A_362, %add3A_364, %add3A_359 : i32
    %lt3A_366 = arith.constant 0 : i32
    %lt3A_367 = arith.cmpi slt, %add3A_360, %lt3A_366 : i32
    %add3A_368 = arith.constant 16384 : i32
    %add3A_369 = arith.addi %add3A_360, %add3A_368 : i32
    %select_n3A_370 = arith.select %lt3A_367, %add3A_369, %add3A_360 : i32
    %iota3A_371 = tpu.iota {dimensions = array<i32: 1>} : vector<1x256xi32>
    %add3A_372 = vector.broadcast %mul3A_346 : i32 to vector<1x256xi32>
    %add3A_373 = arith.addi %add3A_372, %iota3A_371 : vector<1x256xi32>
    %mul3A_374 = vector.broadcast %reduce_sum3A_6 : i32 to vector<1x256xi32>
    %mul3A_375 = arith.muli %add3A_373, %mul3A_374 : vector<1x256xi32>
    %shift_right_arithmetic3A_376 = arith.constant 12 : i32
    %shift_right_arithmetic3A_377 = vector.broadcast %shift_right_arithmetic3A_376 : i32 to vector<1x256xi32>
    %shift_right_arithmetic3A_378 = arith.shrsi %mul3A_375, %shift_right_arithmetic3A_377 : vector<1x256xi32>
    %min3A_379 = vector.broadcast %sub3A_14 : i32 to vector<1x256xi32>
    %min3A_380 = arith.minsi %shift_right_arithmetic3A_378, %min3A_379 : vector<1x256xi32>
    %add3A_381 = vector.broadcast %reduce_sum3A_13 : i32 to vector<1x256xi32>
    %add3A_382 = arith.addi %add3A_381, %min3A_380 : vector<1x256xi32>
    %lt3A_383 = arith.constant 0 : i32
    %lt3A_384 = vector.broadcast %lt3A_383 : i32 to vector<1x256xi32>
    %lt3A_385 = arith.cmpi slt, %add3A_382, %lt3A_384 : vector<1x256xi32>
    %add3A_386 = arith.constant 16384 : i32
    %add3A_387 = vector.broadcast %add3A_386 : i32 to vector<1x256xi32>
    %add3A_388 = arith.addi %add3A_382, %add3A_387 : vector<1x256xi32>
    %select_n3A_389 = arith.select %lt3A_385, %add3A_388, %add3A_382 : vector<1x256xi1>, vector<1x256xi32>
    %add3A_390 = arith.constant 0 : i32
    %add3A_391 = arith.addi %select_n3A_365, %add3A_390 : i32
    %min3A_392 = arith.constant 16128 : i32
    %min3A_393 = arith.minsi %add3A_391, %min3A_392 : i32
    %shift_right_arithmetic3A_394 = arith.constant 3 : i32
    %shift_right_arithmetic3A_395 = arith.shrsi %min3A_393, %shift_right_arithmetic3A_394 : i32
    %shift_left3A_396 = arith.constant 3 : i32
    %shift_left3A_397 = arith.shli %shift_right_arithmetic3A_395, %shift_left3A_396 : i32
    %multiple_of3A_398 = tpu.assume_multiple %shift_left3A_397, 8 : i32
    %ge3A_399 = vector.broadcast %add3A_391 : i32 to vector<1x256xi32>
    %ge3A_400 = arith.cmpi sge, %select_n3A_389, %ge3A_399 : vector<1x256xi32>
    %add3A_401 = arith.constant 248 : i32
    %add3A_402 = arith.addi %add3A_391, %add3A_401 : i32
    %lt3A_403 = vector.broadcast %add3A_402 : i32 to vector<1x256xi32>
    %lt3A_404 = arith.cmpi slt, %select_n3A_389, %lt3A_403 : vector<1x256xi32>
    %and3A_405 = arith.andi %ge3A_400, %lt3A_404 : vector<1x256xi1>
    %sub3A_406 = vector.broadcast %multiple_of3A_398 : i32 to vector<1x256xi32>
    %sub3A_407 = arith.subi %select_n3A_389, %sub3A_406 : vector<1x256xi32>
    %iota3A_408 = tpu.iota {dimensions = array<i32: 0>} : vector<256x256xi32>
    %eq3A_409 = vector.broadcast %sub3A_407 : vector<1x256xi32> to vector<256x256xi32>
    %eq3A_410 = arith.cmpi eq, %iota3A_408, %eq3A_409 : vector<256x256xi32>
    %and3A_411 = vector.broadcast %and3A_405 : vector<1x256xi1> to vector<256x256xi1>
    %and3A_412 = arith.andi %eq3A_410, %and3A_411 : vector<256x256xi1>
    %jit3A_413 = arith.constant 1.000000e+00 : f32
    %jit3A_414 = arith.constant 0.000000e+00 : f32
    %broadcast_in_dim3A_415 = vector.broadcast %jit3A_413 : f32 to vector<256x256xf32>
    %broadcast_in_dim3A_416 = vector.broadcast %jit3A_414 : f32 to vector<256x256xf32>
    %select_n3A_417 = arith.select %and3A_412, %broadcast_in_dim3A_415, %broadcast_in_dim3A_416 : vector<256x256xi1>, vector<256x256xf32>
    %convert_element_type3A_418 = arith.truncf %select_n3A_417 : vector<256x256xf32> to vector<256x256xbf16>
    %get3A_419 = arith.index_cast %multiple_of3A_398 : i32 to index
    %get3A_420 = arith.constant 0 : index
    %get3A_421 = vector.load %arg3[%get3A_419, %get3A_420] : memref<16384x256xf32, #tpu.memory_space<vmem>>, vector<256x256xf32>
    %convert_element_type3A_422 = arith.truncf %get3A_421 : vector<256x256xf32> to vector<256x256xbf16>
    %dot_general3A_423 = arith.constant dense<0.000000e+00> : vector<256x256xf32>
    %dot_general3A_424 = tpu.matmul %convert_element_type3A_422, %convert_element_type3A_418, %dot_general3A_423 {dimension_numbers = #tpu.dot_dimension_numbers<[0], [0], [1], [1], [0, 1, 1, 1], [], []>, transpose_lhs_hint = false} : vector<256x256xbf16>, vector<256x256xbf16>, vector<256x256xf32> -> vector<256x256xf32>
    %swap3A_425 = arith.constant 0 : index
    %swap3A_426 = arith.constant 0 : index
    %swap3A_427 = arith.constant 768 : index
    %swap3A_428 = vector.load %arg4[%swap3A_425, %swap3A_426, %swap3A_427] : memref<1x256x1024xf32, #tpu.memory_space<vmem>>, vector<1x256x256xf32>
    %swap3A_429 = vector.shape_cast %swap3A_428 : vector<1x256x256xf32> to vector<256x256xf32>
    %swap3A_430 = vector.shape_cast %dot_general3A_424 : vector<256x256xf32> to vector<1x256x256xf32>
    tpu.vector_store %arg4[%swap3A_425, %swap3A_426, %swap3A_427], %swap3A_430 {strides = array<i32>} : memref<1x256x1024xf32, #tpu.memory_space<vmem>>, vector<1x256x256xf32>,
    %add3A_431 = arith.constant 248 : i32
    %add3A_432 = arith.addi %select_n3A_365, %add3A_431 : i32
    %le3A_433 = arith.cmpi sle, %add3A_432, %select_n3A_370 : i32
    %convert_element_type3A_434 = arith.extui %le3A_433 : i1 to i32
    %cond3A_435 = arith.constant 0 : i32
    %cond3A_436 = arith.cmpi ne, %convert_element_type3A_434, %cond3A_435 : i32
    scf.if %cond3A_436 {
      %get3A_455 = arith.constant 0 : index
      %get3A_456 = arith.constant 0 : index
      %get3A_457 = arith.constant 768 : index
      %get3A_458 = vector.load %arg4[%get3A_455, %get3A_456, %get3A_457] : memref<1x256x1024xf32, #tpu.memory_space<vmem>>, vector<1x256x256xf32>
      %get3A_459 = vector.shape_cast %get3A_458 : vector<1x256x256xf32> to vector<256x256xf32>
      %add3A_460 = arith.constant 248 : i32
      %add3A_461 = arith.addi %select_n3A_365, %add3A_460 : i32
      %min3A_462 = arith.constant 16128 : i32
      %min3A_463 = arith.minsi %add3A_461, %min3A_462 : i32
      %shift_right_arithmetic3A_464 = arith.constant 3 : i32
      %shift_right_arithmetic3A_465 = arith.shrsi %min3A_463, %shift_right_arithmetic3A_464 : i32
      %shift_left3A_466 = arith.constant 3 : i32
      %shift_left3A_467 = arith.shli %shift_right_arithmetic3A_465, %shift_left3A_466 : i32
      %multiple_of3A_468 = tpu.assume_multiple %shift_left3A_467, 8 : i32
      %ge3A_469 = vector.broadcast %add3A_461 : i32 to vector<1x256xi32>
      %ge3A_470 = arith.cmpi sge, %select_n3A_389, %ge3A_469 : vector<1x256xi32>
      %add3A_471 = arith.constant 248 : i32
      %add3A_472 = arith.addi %add3A_461, %add3A_471 : i32
      %lt3A_473 = vector.broadcast %add3A_472 : i32 to vector<1x256xi32>
      %lt3A_474 = arith.cmpi slt, %select_n3A_389, %lt3A_473 : vector<1x256xi32>
      %and3A_475 = arith.andi %ge3A_470, %lt3A_474 : vector<1x256xi1>
      %sub3A_476 = vector.broadcast %multiple_of3A_468 : i32 to vector<1x256xi32>
      %sub3A_477 = arith.subi %select_n3A_389, %sub3A_476 : vector<1x256xi32>
      %iota3A_478 = tpu.iota {dimensions = array<i32: 0>} : vector<256x256xi32>
      %eq3A_479 = vector.broadcast %sub3A_477 : vector<1x256xi32> to vector<256x256xi32>
      %eq3A_480 = arith.cmpi eq, %iota3A_478, %eq3A_479 : vector<256x256xi32>
      %and3A_481 = vector.broadcast %and3A_475 : vector<1x256xi1> to vector<256x256xi1>
      %and3A_482 = arith.andi %eq3A_480, %and3A_481 : vector<256x256xi1>
      %jit3A_483 = arith.constant 1.000000e+00 : f32
      %jit3A_484 = arith.constant 0.000000e+00 : f32
      %broadcast_in_dim3A_485 = vector.broadcast %jit3A_483 : f32 to vector<256x256xf32>
      %broadcast_in_dim3A_486 = vector.broadcast %jit3A_484 : f32 to vector<256x256xf32>
      %select_n3A_487 = arith.select %and3A_482, %broadcast_in_dim3A_485, %broadcast_in_dim3A_486 : vector<256x256xi1>, vector<256x256xf32>
      %convert_element_type3A_488 = arith.truncf %select_n3A_487 : vector<256x256xf32> to vector<256x256xbf16>
      %get3A_489 = arith.index_cast %multiple_of3A_468 : i32 to index
      %get3A_490 = arith.constant 0 : index
      %get3A_491 = vector.load %arg3[%get3A_489, %get3A_490] : memref<16384x256xf32, #tpu.memory_space<vmem>>, vector<256x256xf32>
      %convert_element_type3A_492 = arith.truncf %get3A_491 : vector<256x256xf32> to vector<256x256xbf16>
      %dot_general3A_493 = arith.constant dense<0.000000e+00> : vector<256x256xf32>
      %dot_general3A_494 = tpu.matmul %convert_element_type3A_492, %convert_element_type3A_488, %dot_general3A_493 {dimension_numbers = #tpu.dot_dimension_numbers<[0], [0], [1], [1], [0, 1, 1, 1], [], []>, transpose_lhs_hint = false} : vector<256x256xbf16>, vector<256x256xbf16>, vector<256x256xf32> -> vector<256x256xf32>
      %add3A_495 = arith.addf %get3A_459, %dot_general3A_494 : vector<256x256xf32>
      %swap3A_496 = arith.constant 0 : index
      %swap3A_497 = arith.constant 0 : index
      %swap3A_498 = arith.constant 768 : index
      %swap3A_499 = vector.load %arg4[%swap3A_496, %swap3A_497, %swap3A_498] : memref<1x256x1024xf32, #tpu.memory_space<vmem>>, vector<1x256x256xf32>
      %swap3A_500 = vector.shape_cast %swap3A_499 : vector<1x256x256xf32> to vector<256x256xf32>
      %swap3A_501 = vector.shape_cast %add3A_495 : vector<256x256xf32> to vector<1x256x256xf32>
      tpu.vector_store %arg4[%swap3A_496, %swap3A_497, %swap3A_498], %swap3A_501 {strides = array<i32>} : memref<1x256x1024xf32, #tpu.memory_space<vmem>>, vector<1x256x256xf32>,
    } else {
    }
    %add3A_437 = arith.constant 496 : i32
    %add3A_438 = arith.addi %select_n3A_365, %add3A_437 : i32
    %le3A_439 = arith.cmpi sle, %add3A_438, %select_n3A_370 : i32
    %convert_element_type3A_440 = arith.extui %le3A_439 : i1 to i32
    %cond3A_441 = arith.constant 0 : i32
    %cond3A_442 = arith.cmpi ne, %convert_element_type3A_440, %cond3A_441 : i32
    scf.if %cond3A_442 {
      %get3A_455 = arith.constant 0 : index
      %get3A_456 = arith.constant 0 : index
      %get3A_457 = arith.constant 768 : index
      %get3A_458 = vector.load %arg4[%get3A_455, %get3A_456, %get3A_457] : memref<1x256x1024xf32, #tpu.memory_space<vmem>>, vector<1x256x256xf32>
      %get3A_459 = vector.shape_cast %get3A_458 : vector<1x256x256xf32> to vector<256x256xf32>
      %add3A_460 = arith.constant 496 : i32
      %add3A_461 = arith.addi %select_n3A_365, %add3A_460 : i32
      %min3A_462 = arith.constant 16128 : i32
      %min3A_463 = arith.minsi %add3A_461, %min3A_462 : i32
      %shift_right_arithmetic3A_464 = arith.constant 3 : i32
      %shift_right_arithmetic3A_465 = arith.shrsi %min3A_463, %shift_right_arithmetic3A_464 : i32
      %shift_left3A_466 = arith.constant 3 : i32
      %shift_left3A_467 = arith.shli %shift_right_arithmetic3A_465, %shift_left3A_466 : i32
      %multiple_of3A_468 = tpu.assume_multiple %shift_left3A_467, 8 : i32
      %ge3A_469 = vector.broadcast %add3A_461 : i32 to vector<1x256xi32>
      %ge3A_470 = arith.cmpi sge, %select_n3A_389, %ge3A_469 : vector<1x256xi32>
      %add3A_471 = arith.constant 248 : i32
      %add3A_472 = arith.addi %add3A_461, %add3A_471 : i32
      %lt3A_473 = vector.broadcast %add3A_472 : i32 to vector<1x256xi32>
      %lt3A_474 = arith.cmpi slt, %select_n3A_389, %lt3A_473 : vector<1x256xi32>
      %and3A_475 = arith.andi %ge3A_470, %lt3A_474 : vector<1x256xi1>
      %sub3A_476 = vector.broadcast %multiple_of3A_468 : i32 to vector<1x256xi32>
      %sub3A_477 = arith.subi %select_n3A_389, %sub3A_476 : vector<1x256xi32>
      %iota3A_478 = tpu.iota {dimensions = array<i32: 0>} : vector<256x256xi32>
      %eq3A_479 = vector.broadcast %sub3A_477 : vector<1x256xi32> to vector<256x256xi32>
      %eq3A_480 = arith.cmpi eq, %iota3A_478, %eq3A_479 : vector<256x256xi32>
      %and3A_481 = vector.broadcast %and3A_475 : vector<1x256xi1> to vector<256x256xi1>
      %and3A_482 = arith.andi %eq3A_480, %and3A_481 : vector<256x256xi1>
      %jit3A_483 = arith.constant 1.000000e+00 : f32
      %jit3A_484 = arith.constant 0.000000e+00 : f32
      %broadcast_in_dim3A_485 = vector.broadcast %jit3A_483 : f32 to vector<256x256xf32>
      %broadcast_in_dim3A_486 = vector.broadcast %jit3A_484 : f32 to vector<256x256xf32>
      %select_n3A_487 = arith.select %and3A_482, %broadcast_in_dim3A_485, %broadcast_in_dim3A_486 : vector<256x256xi1>, vector<256x256xf32>
      %convert_element_type3A_488 = arith.truncf %select_n3A_487 : vector<256x256xf32> to vector<256x256xbf16>
      %get3A_489 = arith.index_cast %multiple_of3A_468 : i32 to index
      %get3A_490 = arith.constant 0 : index
      %get3A_491 = vector.load %arg3[%get3A_489, %get3A_490] : memref<16384x256xf32, #tpu.memory_space<vmem>>, vector<256x256xf32>
      %convert_element_type3A_492 = arith.truncf %get3A_491 : vector<256x256xf32> to vector<256x256xbf16>
      %dot_general3A_493 = arith.constant dense<0.000000e+00> : vector<256x256xf32>
      %dot_general3A_494 = tpu.matmul %convert_element_type3A_492, %convert_element_type3A_488, %dot_general3A_493 {dimension_numbers = #tpu.dot_dimension_numbers<[0], [0], [1], [1], [0, 1, 1, 1], [], []>, transpose_lhs_hint = false} : vector<256x256xbf16>, vector<256x256xbf16>, vector<256x256xf32> -> vector<256x256xf32>
      %add3A_495 = arith.addf %get3A_459, %dot_general3A_494 : vector<256x256xf32>
      %swap3A_496 = arith.constant 0 : index
      %swap3A_497 = arith.constant 0 : index
      %swap3A_498 = arith.constant 768 : index
      %swap3A_499 = vector.load %arg4[%swap3A_496, %swap3A_497, %swap3A_498] : memref<1x256x1024xf32, #tpu.memory_space<vmem>>, vector<1x256x256xf32>
      %swap3A_500 = vector.shape_cast %swap3A_499 : vector<1x256x256xf32> to vector<256x256xf32>
      %swap3A_501 = vector.shape_cast %add3A_495 : vector<256x256xf32> to vector<1x256x256xf32>
      tpu.vector_store %arg4[%swap3A_496, %swap3A_497, %swap3A_498], %swap3A_501 {strides = array<i32>} : memref<1x256x1024xf32, #tpu.memory_space<vmem>>, vector<1x256x256xf32>,
    } else {
    }
    %add3A_443 = arith.constant 744 : i32
    %add3A_444 = arith.addi %select_n3A_365, %add3A_443 : i32
    %le3A_445 = arith.cmpi sle, %add3A_444, %select_n3A_370 : i32
    %convert_element_type3A_446 = arith.extui %le3A_445 : i1 to i32
    %cond3A_447 = arith.constant 0 : i32
    %cond3A_448 = arith.cmpi ne, %convert_element_type3A_446, %cond3A_447 : i32
    scf.if %cond3A_448 {
      %get3A_455 = arith.constant 0 : index
      %get3A_456 = arith.constant 0 : index
      %get3A_457 = arith.constant 768 : index
      %get3A_458 = vector.load %arg4[%get3A_455, %get3A_456, %get3A_457] : memref<1x256x1024xf32, #tpu.memory_space<vmem>>, vector<1x256x256xf32>
      %get3A_459 = vector.shape_cast %get3A_458 : vector<1x256x256xf32> to vector<256x256xf32>
      %add3A_460 = arith.constant 744 : i32
      %add3A_461 = arith.addi %select_n3A_365, %add3A_460 : i32
      %min3A_462 = arith.constant 16128 : i32
      %min3A_463 = arith.minsi %add3A_461, %min3A_462 : i32
      %shift_right_arithmetic3A_464 = arith.constant 3 : i32
      %shift_right_arithmetic3A_465 = arith.shrsi %min3A_463, %shift_right_arithmetic3A_464 : i32
      %shift_left3A_466 = arith.constant 3 : i32
      %shift_left3A_467 = arith.shli %shift_right_arithmetic3A_465, %shift_left3A_466 : i32
      %multiple_of3A_468 = tpu.assume_multiple %shift_left3A_467, 8 : i32
      %ge3A_469 = vector.broadcast %add3A_461 : i32 to vector<1x256xi32>
      %ge3A_470 = arith.cmpi sge, %select_n3A_389, %ge3A_469 : vector<1x256xi32>
      %add3A_471 = arith.constant 248 : i32
      %add3A_472 = arith.addi %add3A_461, %add3A_471 : i32
      %lt3A_473 = vector.broadcast %add3A_472 : i32 to vector<1x256xi32>
      %lt3A_474 = arith.cmpi slt, %select_n3A_389, %lt3A_473 : vector<1x256xi32>
      %and3A_475 = arith.andi %ge3A_470, %lt3A_474 : vector<1x256xi1>
      %sub3A_476 = vector.broadcast %multiple_of3A_468 : i32 to vector<1x256xi32>
      %sub3A_477 = arith.subi %select_n3A_389, %sub3A_476 : vector<1x256xi32>
      %iota3A_478 = tpu.iota {dimensions = array<i32: 0>} : vector<256x256xi32>
      %eq3A_479 = vector.broadcast %sub3A_477 : vector<1x256xi32> to vector<256x256xi32>
      %eq3A_480 = arith.cmpi eq, %iota3A_478, %eq3A_479 : vector<256x256xi32>
      %and3A_481 = vector.broadcast %and3A_475 : vector<1x256xi1> to vector<256x256xi1>
      %and3A_482 = arith.andi %eq3A_480, %and3A_481 : vector<256x256xi1>
      %jit3A_483 = arith.constant 1.000000e+00 : f32
      %jit3A_484 = arith.constant 0.000000e+00 : f32
      %broadcast_in_dim3A_485 = vector.broadcast %jit3A_483 : f32 to vector<256x256xf32>
      %broadcast_in_dim3A_486 = vector.broadcast %jit3A_484 : f32 to vector<256x256xf32>
      %select_n3A_487 = arith.select %and3A_482, %broadcast_in_dim3A_485, %broadcast_in_dim3A_486 : vector<256x256xi1>, vector<256x256xf32>
      %convert_element_type3A_488 = arith.truncf %select_n3A_487 : vector<256x256xf32> to vector<256x256xbf16>
      %get3A_489 = arith.index_cast %multiple_of3A_468 : i32 to index
      %get3A_490 = arith.constant 0 : index
      %get3A_491 = vector.load %arg3[%get3A_489, %get3A_490] : memref<16384x256xf32, #tpu.memory_space<vmem>>, vector<256x256xf32>
      %convert_element_type3A_492 = arith.truncf %get3A_491 : vector<256x256xf32> to vector<256x256xbf16>
      %dot_general3A_493 = arith.constant dense<0.000000e+00> : vector<256x256xf32>
      %dot_general3A_494 = tpu.matmul %convert_element_type3A_492, %convert_element_type3A_488, %dot_general3A_493 {dimension_numbers = #tpu.dot_dimension_numbers<[0], [0], [1], [1], [0, 1, 1, 1], [], []>, transpose_lhs_hint = false} : vector<256x256xbf16>, vector<256x256xbf16>, vector<256x256xf32> -> vector<256x256xf32>
      %add3A_495 = arith.addf %get3A_459, %dot_general3A_494 : vector<256x256xf32>
      %swap3A_496 = arith.constant 0 : index
      %swap3A_497 = arith.constant 0 : index
      %swap3A_498 = arith.constant 768 : index
      %swap3A_499 = vector.load %arg4[%swap3A_496, %swap3A_497, %swap3A_498] : memref<1x256x1024xf32, #tpu.memory_space<vmem>>, vector<1x256x256xf32>
      %swap3A_500 = vector.shape_cast %swap3A_499 : vector<1x256x256xf32> to vector<256x256xf32>
      %swap3A_501 = vector.shape_cast %add3A_495 : vector<256x256xf32> to vector<1x256x256xf32>
      tpu.vector_store %arg4[%swap3A_496, %swap3A_497, %swap3A_498], %swap3A_501 {strides = array<i32>} : memref<1x256x1024xf32, #tpu.memory_space<vmem>>, vector<1x256x256xf32>,
    } else {
    }
    %add3A_449 = arith.constant 992 : i32
    %add3A_450 = arith.addi %select_n3A_365, %add3A_449 : i32
    %le3A_451 = arith.cmpi sle, %add3A_450, %select_n3A_370 : i32
    %convert_element_type3A_452 = arith.extui %le3A_451 : i1 to i32
    %cond3A_453 = arith.constant 0 : i32
    %cond3A_454 = arith.cmpi ne, %convert_element_type3A_452, %cond3A_453 : i32
    scf.if %cond3A_454 {
      %get3A_455 = arith.constant 0 : index
      %get3A_456 = arith.constant 0 : index
      %get3A_457 = arith.constant 768 : index
      %get3A_458 = vector.load %arg4[%get3A_455, %get3A_456, %get3A_457] : memref<1x256x1024xf32, #tpu.memory_space<vmem>>, vector<1x256x256xf32>
      %get3A_459 = vector.shape_cast %get3A_458 : vector<1x256x256xf32> to vector<256x256xf32>
      %add3A_460 = arith.constant 992 : i32
      %add3A_461 = arith.addi %select_n3A_365, %add3A_460 : i32
      %min3A_462 = arith.constant 16128 : i32
      %min3A_463 = arith.minsi %add3A_461, %min3A_462 : i32
      %shift_right_arithmetic3A_464 = arith.constant 3 : i32
      %shift_right_arithmetic3A_465 = arith.shrsi %min3A_463, %shift_right_arithmetic3A_464 : i32
      %shift_left3A_466 = arith.constant 3 : i32
      %shift_left3A_467 = arith.shli %shift_right_arithmetic3A_465, %shift_left3A_466 : i32
      %multiple_of3A_468 = tpu.assume_multiple %shift_left3A_467, 8 : i32
      %ge3A_469 = vector.broadcast %add3A_461 : i32 to vector<1x256xi32>
      %ge3A_470 = arith.cmpi sge, %select_n3A_389, %ge3A_469 : vector<1x256xi32>
      %add3A_471 = arith.constant 248 : i32
      %add3A_472 = arith.addi %add3A_461, %add3A_471 : i32
      %lt3A_473 = vector.broadcast %add3A_472 : i32 to vector<1x256xi32>
      %lt3A_474 = arith.cmpi slt, %select_n3A_389, %lt3A_473 : vector<1x256xi32>
      %and3A_475 = arith.andi %ge3A_470, %lt3A_474 : vector<1x256xi1>
      %sub3A_476 = vector.broadcast %multiple_of3A_468 : i32 to vector<1x256xi32>
      %sub3A_477 = arith.subi %select_n3A_389, %sub3A_476 : vector<1x256xi32>
      %iota3A_478 = tpu.iota {dimensions = array<i32: 0>} : vector<256x256xi32>
      %eq3A_479 = vector.broadcast %sub3A_477 : vector<1x256xi32> to vector<256x256xi32>
      %eq3A_480 = arith.cmpi eq, %iota3A_478, %eq3A_479 : vector<256x256xi32>
      %and3A_481 = vector.broadcast %and3A_475 : vector<1x256xi1> to vector<256x256xi1>
      %and3A_482 = arith.andi %eq3A_480, %and3A_481 : vector<256x256xi1>
      %jit3A_483 = arith.constant 1.000000e+00 : f32
      %jit3A_484 = arith.constant 0.000000e+00 : f32
      %broadcast_in_dim3A_485 = vector.broadcast %jit3A_483 : f32 to vector<256x256xf32>
      %broadcast_in_dim3A_486 = vector.broadcast %jit3A_484 : f32 to vector<256x256xf32>
      %select_n3A_487 = arith.select %and3A_482, %broadcast_in_dim3A_485, %broadcast_in_dim3A_486 : vector<256x256xi1>, vector<256x256xf32>
      %convert_element_type3A_488 = arith.truncf %select_n3A_487 : vector<256x256xf32> to vector<256x256xbf16>
      %get3A_489 = arith.index_cast %multiple_of3A_468 : i32 to index
      %get3A_490 = arith.constant 0 : index
      %get3A_491 = vector.load %arg3[%get3A_489, %get3A_490] : memref<16384x256xf32, #tpu.memory_space<vmem>>, vector<256x256xf32>
      %convert_element_type3A_492 = arith.truncf %get3A_491 : vector<256x256xf32> to vector<256x256xbf16>
      %dot_general3A_493 = arith.constant dense<0.000000e+00> : vector<256x256xf32>
      %dot_general3A_494 = tpu.matmul %convert_element_type3A_492, %convert_element_type3A_488, %dot_general3A_493 {dimension_numbers = #tpu.dot_dimension_numbers<[0], [0], [1], [1], [0, 1, 1, 1], [], []>, transpose_lhs_hint = false} : vector<256x256xbf16>, vector<256x256xbf16>, vector<256x256xf32> -> vector<256x256xf32>
      %add3A_495 = arith.addf %get3A_459, %dot_general3A_494 : vector<256x256xf32>
      %swap3A_496 = arith.constant 0 : index
      %swap3A_497 = arith.constant 0 : index
      %swap3A_498 = arith.constant 768 : index
      %swap3A_499 = vector.load %arg4[%swap3A_496, %swap3A_497, %swap3A_498] : memref<1x256x1024xf32, #tpu.memory_space<vmem>>, vector<1x256x256xf32>
      %swap3A_500 = vector.shape_cast %swap3A_499 : vector<1x256x256xf32> to vector<256x256xf32>
      %swap3A_501 = vector.shape_cast %add3A_495 : vector<256x256xf32> to vector<1x256x256xf32>
      tpu.vector_store %arg4[%swap3A_496, %swap3A_497, %swap3A_498], %swap3A_501 {strides = array<i32>} : memref<1x256x1024xf32, #tpu.memory_space<vmem>>, vector<1x256x256xf32>,
    } else {
    }
    return
  }
  func.func @transform_0(%arg0: i32, %arg1: i32) -> (i32, i32) {
    %c0_i32 = arith.constant 0 : i32
    %c0_i32_0 = arith.constant 0 : i32
    %c0_i32_1 = arith.constant 0 : i32
    return %c0_i32, %c0_i32_0 : i32, i32
  }
  func.func @transform_1(%arg0: i32, %arg1: i32) -> (i32, i32) {
    %c0_i32 = arith.constant 0 : i32
    %c0_i32_0 = arith.constant 0 : i32
    %c0_i32_1 = arith.constant 0 : i32
    return %c0_i32, %c0_i32_0 : i32, i32
  }
  func.func @transform_2(%arg0: i32, %arg1: i32) -> (i32, i32, i32) {
    %c0_i32 = arith.constant 0 : i32
    %c0_i32_0 = arith.constant 0 : i32
    return %arg0, %c0_i32, %arg1 : i32, i32, i32
  }
}

</mosaic_0001>

<sc_bundles>
// kernel: kernel.4.cloned.1.call-start
scs
__scs_entry_jumppad:
0x0: {  	(pc) =	sbr.rel $0x88, $3  }
0x1: {  	(tag) =	ssettag $0x0;
	lr =	simm.s32 $0x1  }
0x2: {  	[smem:$0x3F9E] =	sst lr;
	_ =	strace $0xD0000000  }
0x3: {  	_ = 	snop  }
0x4: {  	_ = 	snop  }
0x5: {  	_ = 	snop  }
0x6: {  	_ = 	snop  }
0x7: {  	_ = 	snop  }
__scs_overlays_trampoline_lowered:
0x8: {  	[smem:$0x3FAD] =	sst s0  }
0x9: {  	[smem:$0x3FAE] =	sst s1  }
0xa: {  	[smem:$0x3FAF] =	sst s2  }
0xb: {  	[smem:$0x3FB0] =	sst s3  }
0xc: {  	[smem:$0x3FB1] =	sst s4  }
0xd: {  	[smem:$0x3FB2] =	sst s5  }
0xe: {  	[smem:$0x3FB3] =	sst s6  }
0xf: {  	[smem:$0x3FB4] =	sst s7  }
0x10: {  	[smem:$0x3FB5] =	sst s8  }
0x11: {  	[smem:$0x3FB6] =	sst s9;
	s0 =	simm.s32 @!p0 $0x0  }
0x12: {  	s1 =	sld [smem:$0x3F9C];
	s0 =	simm.s32 @p0 $0x1  }
0x13: {  	[smem:$0x3FB7] =	sst s0;
	s0 =	simm.s32 @!p1 $0x0  }
0x14: {  	s2 =	sld [smem:$0x3F9B];
	s0 =	simm.s32 @p1 $0x1  }
0x15: {  	[smem:$0x3FB8] =	sst s0;
	s0 =	simm.s32 @!p2 $0x0  }
0x16: {  	s3 =	sld [smem:$0x3FDB];
	s0 =	simm.s32 @p2 $0x1  }
0x17: {  	s4 =	simm.s32 $0x1BF5;
	[smem:$0x3FBA] =	sst s0  }
0x18: {  	s0 =	sld [smem:$0x3F9D];
	_ =	swait.ge [sflag:s4], $0x0  }
0x19: {  	s7 =	sld [smem:$0x3F9E]  }
0x1a: {  	s8 =	sadd.s32 $0xFFFFE003, lr  }
0x1b: {  	s9 =	sadd.s32 $0xFFFFFEF7, lr;
	s5 =	simm.s32 $0xFFFFFFFF;
	p2 =	slt.u32 s8, $0xFFFFF086  }
0x1c: {  	p1 =	slt.u32 s9, $0xF7A;
	s5 =	simm.s32 @!p2 $0x0  }
0x1d: {  	s5 =	simm.s32 @p1 $0x1;
	p0 =	seq.s32 s7, s2  }
0x1e: {  	s7 =	smul.u32 @!p0 $0xF7A, s2;
	p2 =	seq.s32 @!p0 s5, $0x0  }
0x1f: {  	s9 =	smul.u32 $0xF7A, s1;
	s8 =	simm.s32 @!p0 $0x1BF5;
	p2 =	por !p2, p0  }
0x20: {  	[sflag:s8] =	ssyncset.s32 @!p0 $0xFFFFF086;
	s6 =	sadd.s32 @!p0 s3, s7;
	s7 =	simm.s32 @!p0 $0x108  }
0x21: {  	s3 =	sadd.s32 s3, s9;
	s6 =	sadd.s32 @!p0 $0x88, s6;
	s7 =	simm.s32 @p2 $0x1082  }
0x22: {  	[simem:s7], [sflag:s8] =	dma.local @!p0 [hbm:s6], $0xF7A  }
0x23: {  	s9 =	sor.u32 $0xD0000000, s2;
	s6 =	simm.s32 $0x108;
	_ =	swait.ge @!p0 [sflag:s8], $0x0  }
0x24: {  	s3 =	sadd.s32 $0x88, s3;
	s6 =	simm.s32 @!p1 $0x1082;
	[sflag:s4] =	ssyncset.s32 $0xFFFFF086  }
0x25: {  	[simem:s6], [sflag:s4] =	dma.local [hbm:s3], $0xF7A  }
0x26: {  	[smem:$0x3F9E] =	sst s1;
	(tag) =	ssettag s2;
	_ =	strace s9  }
0x27: {  	s1 =	sld [smem:$0x3FAE]  }
0x28: {  	s2 =	sld [smem:$0x3FAF]  }
0x29: {  	s4 =	sld [smem:$0x3FB1]  }
0x2a: {  	p0 =	seq.s32 s5, $0x0;
	s5 =	sld [smem:$0x3FB2]  }
0x2b: {  	s6 =	sld [smem:$0x3FB3]  }
0x2c: {  	s7 =	sld [smem:$0x3FB4]  }
0x2d: {  	s3 =	simm.s32 $0x108;
	s8 =	sld [smem:$0x3FB5]  }
0x2e: {  	s3 =	simm.s32 @!p0 $0x1082;
	s9 =	sld [smem:$0x3FB6]  }
0x2f: {  	lr =	sadd.s32 s0, s3;
	s0 =	sld [smem:$0x3FAD]  }
0x30: {  	s3 =	sld [smem:$0x3FB0]  }
0x31: {  	[smem:$0x3FB9] =	sst s10  }
0x32: {  	s10 =	sld [smem:$0x3FB7];
	_ =	sdelay $0x3  }
0x33: {  	p0 =	seq.s32 s10, $0x1;
	s10 =	sld [smem:$0x3FB9];
	_ =	sdelay $0x3  }
0x34: {  	[smem:$0x3FB9] =	sst s10  }
0x35: {  	s10 =	sld [smem:$0x3FB8];
	_ =	sdelay $0x3  }
0x36: {  	p1 =	seq.s32 s10, $0x1;
	s10 =	sld [smem:$0x3FB9];
	_ =	sdelay $0x3  }
0x37: {  	[smem:$0x3FB9] =	sst s10  }
0x38: {  	s10 =	sld [smem:$0x3FBA]  }
0x39: {  	_ = 	snop;
	(pc) =	sbr.ind lr, $3  }
0x3a: {  	_ = 	snop  }
0x3b: {  	_ = 	snop  }
0x3c: {  	p2 =	seq.s32 s10, $0x1;
	s10 =	sld [smem:$0x3FB9]  }
0x3d: {  	_ =	shalt  }
0x3e: {  	_ =	shalt  }
0x3f: {  	_ =	shalt  }
0x40: {  	_ =	shalt  }
0x41: {  	_ =	shalt  }
0x42: {  	_ =	shalt  }
0x43: {  	_ =	shalt  }
0x44: {  	_ =	shalt  }
0x45: {  	_ =	shalt  }
0x46: {  	_ =	shalt  }
0x47: {  	_ =	shalt  }
0x48: {  	_ =	shalt  }
0x49: {  	_ =	shalt  }
0x4a: {  	_ =	shalt  }
0x4b: {  	_ =	shalt  }
0x4c: {  	_ =	shalt  }
0x4d: {  	_ =	shalt  }
0x4e: {  	_ =	shalt  }
0x4f: {  	_ =	shalt  }
0x50: {  	_ =	shalt  }
0x51: {  	_ =	shalt  }
0x52: {  	_ =	shalt  }
0x53: {  	_ =	shalt  }
0x54: {  	_ =	shalt  }
0x55: {  	_ =	shalt  }
0x56: {  	_ =	shalt  }
0x57: {  	_ =	shalt  }
0x58: {  	_ =	shalt  }
0x59: {  	_ =	shalt  }
0x5a: {  	_ =	shalt  }
0x5b: {  	_ =	shalt  }
0x5c: {  	_ =	shalt  }
0x5d: {  	_ =	shalt  }
0x5e: {  	_ =	shalt  }
0x5f: {  	_ =	shalt  }
0x60: {  	_ =	shalt  }
0x61: {  	_ =	shalt  }
0x62: {  	_ =	shalt  }
0x63: {  	_ =	shalt  }
0x64: {  	_ =	shalt  }
0x65: {  	_ =	shalt  }
0x66: {  	_ =	shalt  }
0x67: {  	_ =	shalt  }
0x68: {  	_ =	shalt  }
0x69: {  	_ =	shalt  }
0x6a: {  	_ =	shalt  }
0x6b: {  	_ =	shalt  }
0x6c: {  	_ =	shalt  }
0x6d: {  	_ =	shalt  }
0x6e: {  	_ =	shalt  }
0x6f: {  	_ =	shalt  }
0x70: {  	_ =	shalt  }
0x71: {  	_ =	shalt  }
0x72: {  	_ =	shalt  }
0x73: {  	_ =	shalt  }
0x74: {  	_ =	shalt  }
0x75: {  	_ =	shalt  }
0x76: {  	_ =	shalt  }
0x77: {  	_ =	shalt  }
0x78: {  	_ =	shalt  }
0x79: {  	_ =	shalt  }
0x7a: {  	_ =	shalt  }
0x7b: {  	_ =	shalt  }
0x7c: {  	_ =	shalt  }
0x7d: {  	_ =	shalt  }
0x7e: {  	_ =	shalt  }
0x7f: {  	_ =	shalt  }
0x80: {  	_ =	shalt  }
0x81: {  	_ =	shalt  }
0x82: {  	_ =	shalt  }
0x83: {  	_ =	shalt  }
0x84: {  	_ =	shalt  }
0x85: {  	_ =	shalt  }
0x86: {  	_ =	shalt  }
0x87: {  	_ =	shalt  }
.Lfunc_end0:
.L_simem_size_0:
called_computation_lowered:
.L_overlay_start_0:
0x88: {  	s2 =	sld [smem:$0x3FD9]  }
0x89: {  	s3 =	sld [smem:$0x3FFE];
	_ =	sdelay $0x1  }
0x8a: {  	s1 =	srdreg.scid  }
0x8b: {  	s0 =	sand.u32 $0x1, s1  }
0x8c: {  	s14 =	sshll.u32 s0, $0xA;
	s2 =	sadd.s32 s3, s2  }
0x8d: {  	s2 =	sadd.s32 s2, s14  }
0x8e: {  	[smem:$0x3FC5] =	sst s2  }
0x8f: {  	_ = 	snop  }
0x90: {  	s2 =	sld [smem:$0x3FD0];
	_ =	sdelay $0x2  }
0x91: {  	s4 =	simm.s32 $0xA;
	s5 =	simm.s32 $0x10;
	s15 =	sld [smem:$0x3FC7]  }
0x92: {  	[smem:s5], [sflag:s4] =	dma.local [hbm:s2], $0x1  }
0x93: {  	_ =	swait.eq [sflag:s4], $0x1  }
0x94: {  	[sflag:s4] =	ssyncset.done $0x0  }
0x95: {  	[sflag:s4] =	ssyncadd.s32 $0xFFFFFFFF  }
0x96: {  	s16 =	sld [smem:$0x10];
	(tm) =	ssettm $0x1  }
0x97: {  	s17 =	sld [smem:$0x3FFB];
	_ =	sdelay $0x3  }
0x98: {  	_ =	strace s17  }
0x99: {  	s4 =	sld [smem:$0x3FFC];
	_ =	sdelay $0x3  }
0x9a: {  	_ =	strace s4  }
0x9b: {  	s4 =	sld [smem:$0x3FFD];
	_ =	sdelay $0x3  }
0x9c: {  	_ =	strace s4  }
0x9d: {  	_ =	strace $0x8FFFFFFF  }
0x9e: {  	s18 =	sld [smem:$0x3FDB];
	_ =	sdelay $0x1  }
0x9f: {  	s19 =	simm.s32 $_scs_section_size  }
0xa0: {  	s6 =	simm.s32 $_size__tile_overlayer_lowered;
	s7 =	simm.s32 $_tile_overlayer_lowered  }
0xa1: {  	s22 =	simm.s32 $0x1BFF;
	s21 =	sshll.u32 s7, $0x1;
	s4 =	sadd.s32 s19, s18  }
0xa2: {  	s8 =	simm.s32 $0x0;
	s20 =	sshll.u32 s6, $0x1;
	s6 =	sadd.s32 s21, s4  }
0xa3: {  	[timem:s8], [sflag:s22] =	dma.local [hbm:s6], s20  }
0xa4: {  	_ =	swait.ge [sflag:s22], s20  }
0xa5: {  	s5 =	ssub.s32 $0x0, s20;
	[sflag:s22] =	ssyncset.done $0x0  }
0xa6: {  	[sflag:s22] =	ssyncadd.s32 s5;
	_ =	sdelay $0x1  }
0xa7: {  	s23 =	simm.s32 $0x1B8B  }
0xa8: {  	_ =	swait.ge [sflag:s23], $0x1  }
0xa9: {  	[sflag:s23] =	ssyncset.done $0x0  }
0xaa: {  	s25 =	simm.s32 $0x1B8E;
	s24 =	sld [smem:$0x3FFE];
	[sflag:s23] =	ssyncadd.s32 $0xFFFFFFFF  }
0xab: {  	s26 =	simm.s32 $execute0_lowered;
	[smem:$0x3FD2] =	sst s25  }
0xac: {  	s6 =	sshll.u32 s26, $0x1;
	_ =	strace $0x80000046;
	[dreg:$0x1] =	wrdreg $0xFFFFFFFF  }
0xad: {  	s28 =	simm.s32 $_size_execute0_lowered;
	s4 =	sadd.s32 s4, s6;
	[dreg:$0x0] =	wrdreg $0x0  }
0xae: {  	s6 =	sshll.u32 s28, $0x1;
	[dreg:$0x2] =	wrdreg s4  }
0xaf: {  	[dreg:$0x3] =	wrdreg s6  }
0xb0: {  	[dreg:$0x4] =	wrdreg $0xC0  }
0xb1: {  	_ =	task [dreg:s8], $0x5FFFF  }
0xb2: {  	[dreg:$0x1] =	wrdreg $0xFFFFFFFF  }
0xb3: {  	[dreg:$0x0] =	wrdreg $0x60  }
0xb4: {  	[dreg:$0x2] =	wrdreg s15  }
0xb5: {  	[dreg:$0x3] =	wrdreg s24  }
0xb6: {  	[dreg:$0x4] =	wrdreg s16  }
0xb7: {  	[dreg:$0x5] =	wrdreg $0x11D000  }
0xb8: {  	[dreg:$0x6] =	wrdreg $0x9  }
0xb9: {  	_ =	task.clear_ibuf [dreg:s8], $0x7FFFF;
	_ =	strace $0x90000046  }
0xba: {  	s29 =	simm.s32 $0x9;
	_ =	strace $0x80000048  }
0xbb: {  	_ =	swait.ge [sflag:s29], $0x1  }
0xbc: {  	[sflag:s29] =	ssyncadd.s32 $0xFFFFFFFF  }
0xbd: {  	_ =	strace $0x90000048  }
0xbe: {  	_ =	sfence  }
0xbf: {  	s30 =	sld [smem:$0x0];
	_ =	sdelay $0x2  }
0xc0: {  	s31 =	sshll.u32 s1, $0xD;
	s1 =	sshrl.u32 s1, $0x2  }
0xc1: {  	s3 =	sand.u32 $0x4000, s31;
	s1 =	sadd.s32 s1, s30  }
0xc2: {  	s0 =	sor.u32 s3, s0;
	s1 =	sshll.u32 s1, $0x11  }
0xc3: {  	s0 =	sor.u32 s1, s0  }
0xc4: {  	s0 =	sadd.s32 $0x8F2B, s0  }
0xc5: {  	[sflag:s0] =	ssyncadd.remote.s32 $0x1  }
0xc6: {  	_ =	sfence.sel $0xFFFF  }
0xc7: {  	[dreg:$0x0] =	wrdreg $0xFFFFFFFF;
	(pc) =	sbr.abs _section_cstart, $3  }
0xc8: {  	[dreg:$0x1] =	wrdreg $0xFFFFFFFF  }
0xc9: {  	_ =	task.clear_ibuf [dreg:s8], $0x2FFFF;
	_ =	strace $0x9FFFFFFF  }
0xca: {  	(tm) =	ssettm $0x7FFFFFFF  }
0xcb: {  	_ =	shalt  }
tec
execute0_lowered:
.L_overlay_start_1:
0x0: {  	(tag) =	ssettag $0x1  }
0x1: {  	s0 =	rddreg [dreg:$0x0]  }
0x2: {  	s3 =	rddreg [dreg:$0x1]  }
0x3: {  	s4 =	rddreg [dreg:$0x2]  }
0x4: {  	s1 =	rddreg [dreg:$0x3];
	s5 =	srdreg.scid;
	s2 =	simm.s32 $0x0  }
0x5: {  	s9 =	stileid.u32;
	s5 =	sand.u32 $0x1, s5;
	[smem:$0x7FF] =	sst s2  }
0x6: {  	s3 =	sadd.s32 $0x800, s3;
	s10 =	sshll.u32 s9, $0x7;
	s11 =	sshll.u32 s9, $0x4  }
0x7: {  	s8 =	sshll.u32 s9, $0x5;
	s6 =	ssub.s32 $0x2, s5;
	_ =	strace $0x80000047  }
0x8: {  	[dreg:$0x5] =	wrdreg s3;
	s0 =	sadd.s32 s0, s10;
	s12 =	sadd.s32 s11, s1  }
0x9: {  	s13 =	sor.u32 s9, s5;
	p0 =	sne.s32 s5, $0x0;
	[dreg:$0x6] =	wrdreg s0  }
0xa: {  	s5 =	simm.s32 $0x1;
	s7 =	sshrl.u32 s6, $0x1;
	[dreg:$0x7] =	wrdreg s12  }
0xb: {  	p1 =	sne.s32 s13, $0x0;
	s3 =	ssub.s32 s6, s7;
	s7 =	sadd.s32 s4, s8  }
0xc: {  	s8 =	sshll.u32 s9, $0x8;
	s6 =	simm.s32 $0x0;
	s4 =	sadd.s32 $0x200, s7  }
0xd: {  	s23 =	sadd.s32 $0x400, s7;
	s24 =	sadd.s32 $0x600, s7;
	s25 =	sadd.s32 $0x800, s7  }
0xe: {  	s26 =	sadd.s32 $0xA00, s7;
	s14 =	sadd.s32 $0xC00, s7;
	s15 =	sadd.s32 $0xE00, s7  }
0xf: {  	s16 =	sadd.s32 $0x1000, s7;
	s17 =	sadd.s32 $0x1200, s7;
	s18 =	sadd.s32 $0x1400, s7  }
0x10: {  	s19 =	sadd.s32 $0x1600, s7;
	s20 =	sadd.s32 $0x1800, s7;
	[dreg:$0x8] =	wrdreg s4  }
0x11: {  	v0 =	vimm.s32 $0x0;
	vm0 =	vmmov $0x1;
	s21 =	sadd.s32 $0x1A00, s7;
	s22 =	sadd.s32 $0x1C00, s7;
	[dreg:$0x9] =	wrdreg s23  }
.Ltmp0:
0x12: {  	vm1 =	vcmask $0x704;
	vm2 =	vcmask $0xB08;
	vm3 =	vcmask $0xF0C;
	s28 =	sadd.s32 $0x2400, s7;
	[dreg:$0xa] =	wrdreg s24;
	(pc) =	sbr.rel .LBB2_1-.Ltmp0, $4  }
0x13: {  	vm4 =	vcmask $0x1310;
	vm5 =	vcmask $0x1714;
	vm6 =	vcmask $0x1B18;
	s29 =	sadd.s32 $0x2600, s7;
	s30 =	sadd.s32 $0x2800, s7;
	[dreg:$0xb] =	wrdreg s25  }
0x14: {  	vm7 =	vcmask $0x1F1C;
	v1 =	vlaneseq.u32;
	vm8 =	vcmask $0x308;
	s31 =	sadd.s32 $0x2A00, s7;
	s0 =	sadd.s32 $0x2C00, s7;
	[dreg:$0xc] =	wrdreg s26  }
0x15: {  	vm9 =	vcmask $0x70C;
	vm10 =	vcmask $0xB10;
	vm11 =	vcmask $0xF14;
	s23 =	sadd.s32 $0x1E00, s7;
	s24 =	sadd.s32 $0x2000, s7;
	s25 =	smax.u32 s3, $0x1  }
0x16: {  	vm12 =	vcmask $0x1318;
	vm13 =	vcmask $0x171C;
	vm14 =	vcmask $0x1B20;
	s26 =	sadd.s32 $0x2200, s7;
	s3 =	sadd.s32 $0x2E00, s7;
	s4 =	simm.s32 $0x500  }
.LBB2_36:
0x17: {  	_ = 	snop  }
0x18: {  	v8 =	vor.u32 s12, v1  }
0x19: {  	v2 =	vmul.u32 v2, v8  }
0x1a: {  	[tilespmem:s10+$0x11A00] =	vst v7  }
0x1b: {  	v6 =	vld.idx.msk [tilespmem:v6+s4+$0x0], $0xffff;
	v2 =	vshra.s32 v2, $0xC  }
0x1c: {  	v5 =	vor.u32 $0x2, v5;
	vm15 =	vlt.s32 v2, v3  }
0x1d: {  	v2 =	vsel vm15, v2, v3  }
0x1e: {  	v2 =	vadd.s32 v4, v2  }
0x1f: {  	v3 =	vshrl.u32 v2, $0x11  }
0x20: {  	[tilespmem:s10+$0x11B00] =	vst v6;
	v3 =	vand.u32 $0x4000, v3  }
0x21: {  	v62 =	vld.idx.msk [tilespmem:v5+s4+$0x0], $0xffff;
	v2 =	vadd.s32 v2, v3  }
0x22: {  	v2 =	vshll.u32 v2, $0x2;
	_ =	sdelay $0x3  }
0x23: {  	[tilespmem:s10+$0x11C00] =	vst v62  }
0x24: {  	v3 =	vld.idx.msk [tilespmem:v2+s4+$0x0], $0xffff  }
0x25: {  	v63 =	vor.u32 $0x1, v2;
	_ =	sdelay $0x2  }
0x26: {  	s9 =	sand.u32 $0xF0, s9  }
0x27: {  	[tilespmem:s9+$0x11A00] =	vst v3  }
0x28: {  	v3 =	vld.idx.msk [tilespmem:v63+s4+$0x0], $0xffff  }
0x29: {  	v2 =	vor.u32 $0x2, v2;
	_ =	sdelay $0x3  }
0x2a: {  	[tilespmem:s9+$0x11B00] =	vst v3  }
0x2b: {  	v2 =	vld.idx.msk [tilespmem:v2+s4+$0x0], $0xffff;
	_ =	sdelay $0x4  }
0x2c: {  	s13 =	simm.s32 $0x10500;
	[tilespmem:s9+$0x11C00] =	vst v2  }
0x2d: {  	[hbm4b:s7+s2] =	stream.linear.scatter [tilespmem:s13], [sflag:$0x1], $0x100, $0x38;
	[tilespmem:$0x11E10] =	vst v63  }
0x2e: {  	_ =	swait.ge [sflag:s5], $0x100  }
0x2f: {  	[sflag:s5] =	ssyncset.done $0x0  }
0x30: {  	s11 =	simm.s32 $0x10600;
	s10 =	rddreg [dreg:$0x8];
	[sflag:s5] =	ssyncadd.s32 $0xFFFFFF00  }
0x31: {  	[hbm4b:s10+s2] =	stream.linear.scatter [tilespmem:s11], [sflag:$0x1], $0x100, $0x38;
	[tilespmem:$0x11E10] =	vst v63  }
0x32: {  	_ =	swait.ge [sflag:s5], $0x100  }
0x33: {  	[sflag:s5] =	ssyncset.done $0x0  }
0x34: {  	s13 =	simm.s32 $0x10700;
	s12 =	rddreg [dreg:$0x9];
	[sflag:s5] =	ssyncadd.s32 $0xFFFFFF00  }
0x35: {  	[hbm4b:s12+s2] =	stream.linear.scatter [tilespmem:s13], [sflag:$0x1], $0x100, $0x38;
	[tilespmem:$0x11E10] =	vst v63  }
0x36: {  	_ =	swait.ge [sflag:s5], $0x100  }
0x37: {  	[sflag:s5] =	ssyncset.done $0x0  }
0x38: {  	s11 =	simm.s32 $0x10800;
	s10 =	rddreg [dreg:$0xa];
	[sflag:s5] =	ssyncadd.s32 $0xFFFFFF00  }
0x39: {  	[hbm4b:s10+s2] =	stream.linear.scatter [tilespmem:s11], [sflag:$0x1], $0x100, $0x38;
	[tilespmem:$0x11E10] =	vst v63  }
0x3a: {  	_ =	swait.ge [sflag:s5], $0x100  }
0x3b: {  	[sflag:s5] =	ssyncset.done $0x0  }
0x3c: {  	s13 =	simm.s32 $0x10900;
	s12 =	rddreg [dreg:$0xb];
	[sflag:s5] =	ssyncadd.s32 $0xFFFFFF00  }
0x3d: {  	[hbm4b:s12+s2] =	stream.linear.scatter [tilespmem:s13], [sflag:$0x1], $0x100, $0x38;
	[tilespmem:$0x11E10] =	vst v63  }
0x3e: {  	_ =	swait.ge [sflag:s5], $0x100  }
0x3f: {  	[sflag:s5] =	ssyncset.done $0x0  }
0x40: {  	s11 =	simm.s32 $0x10A00;
	s10 =	rddreg [dreg:$0xc];
	[sflag:s5] =	ssyncadd.s32 $0xFFFFFF00  }
0x41: {  	[hbm4b:s10+s2] =	stream.linear.scatter [tilespmem:s11], [sflag:$0x1], $0x100, $0x38;
	[tilespmem:$0x11E10] =	vst v63  }
0x42: {  	_ =	swait.ge [sflag:s5], $0x100  }
0x43: {  	[sflag:s5] =	ssyncset.done $0x0  }
0x44: {  	s12 =	simm.s32 $0x10B00;
	[sflag:s5] =	ssyncadd.s32 $0xFFFFFF00  }
0x45: {  	[hbm4b:s14+s2] =	stream.linear.scatter [tilespmem:s12], [sflag:$0x1], $0x100, $0x38;
	[tilespmem:$0x11E10] =	vst v63  }
0x46: {  	_ =	swait.ge [sflag:s5], $0x100  }
0x47: {  	[sflag:s5] =	ssyncset.done $0x0  }
0x48: {  	s13 =	simm.s32 $0x10C00;
	[sflag:s5] =	ssyncadd.s32 $0xFFFFFF00  }
0x49: {  	[hbm4b:s15+s2] =	stream.linear.scatter [tilespmem:s13], [sflag:$0x1], $0x100, $0x38;
	[tilespmem:$0x11E10] =	vst v63  }
0x4a: {  	_ =	swait.ge [sflag:s5], $0x100  }
0x4b: {  	[sflag:s5] =	ssyncset.done $0x0  }
0x4c: {  	s10 =	simm.s32 $0x10D00;
	[sflag:s5] =	ssyncadd.s32 $0xFFFFFF00  }
0x4d: {  	[hbm4b:s16+s2] =	stream.linear.scatter [tilespmem:s10], [sflag:$0x1], $0x100, $0x38;
	[tilespmem:$0x11E10] =	vst v63  }
0x4e: {  	_ =	swait.ge [sflag:s5], $0x100  }
0x4f: {  	[sflag:s5] =	ssyncset.done $0x0  }
0x50: {  	s11 =	simm.s32 $0x10E00;
	[sflag:s5] =	ssyncadd.s32 $0xFFFFFF00  }
0x51: {  	[hbm4b:s17+s2] =	stream.linear.scatter [tilespmem:s11], [sflag:$0x1], $0x100, $0x38;
	[tilespmem:$0x11E10] =	vst v63  }
0x52: {  	_ =	swait.ge [sflag:s5], $0x100  }
0x53: {  	[sflag:s5] =	ssyncset.done $0x0  }
0x54: {  	s12 =	simm.s32 $0x10F00;
	[sflag:s5] =	ssyncadd.s32 $0xFFFFFF00  }
0x55: {  	[hbm4b:s18+s2] =	stream.linear.scatter [tilespmem:s12], [sflag:$0x1], $0x100, $0x38;
	[tilespmem:$0x11E10] =	vst v63  }
0x56: {  	_ =	swait.ge [sflag:s5], $0x100  }
0x57: {  	[sflag:s5] =	ssyncset.done $0x0  }
0x58: {  	s13 =	simm.s32 $0x11000;
	[sflag:s5] =	ssyncadd.s32 $0xFFFFFF00  }
0x59: {  	[hbm4b:s19+s2] =	stream.linear.scatter [tilespmem:s13], [sflag:$0x1], $0x100, $0x38;
	[tilespmem:$0x11E10] =	vst v63  }
0x5a: {  	_ =	swait.ge [sflag:s5], $0x100  }
0x5b: {  	[sflag:s5] =	ssyncset.done $0x0  }
0x5c: {  	s10 =	simm.s32 $0x11100;
	[sflag:s5] =	ssyncadd.s32 $0xFFFFFF00  }
0x5d: {  	[hbm4b:s20+s2] =	stream.linear.scatter [tilespmem:s10], [sflag:$0x1], $0x100, $0x38;
	[tilespmem:$0x11E10] =	vst v63  }
0x5e: {  	_ =	swait.ge [sflag:s5], $0x100  }
0x5f: {  	[sflag:s5] =	ssyncset.done $0x0  }
0x60: {  	s11 =	simm.s32 $0x11200;
	[sflag:s5] =	ssyncadd.s32 $0xFFFFFF00  }
0x61: {  	[hbm4b:s21+s2] =	stream.linear.scatter [tilespmem:s11], [sflag:$0x1], $0x100, $0x38;
	[tilespmem:$0x11E10] =	vst v63  }
0x62: {  	_ =	swait.ge [sflag:s5], $0x100  }
0x63: {  	[sflag:s5] =	ssyncset.done $0x0  }
0x64: {  	s12 =	simm.s32 $0x11300;
	[sflag:s5] =	ssyncadd.s32 $0xFFFFFF00  }
0x65: {  	[hbm4b:s22+s2] =	stream.linear.scatter [tilespmem:s12], [sflag:$0x1], $0x100, $0x38;
	[tilespmem:$0x11E10] =	vst v63  }
0x66: {  	_ =	swait.ge [sflag:s5], $0x100  }
0x67: {  	[sflag:s5] =	ssyncset.done $0x0  }
0x68: {  	s13 =	simm.s32 $0x11400;
	[sflag:s5] =	ssyncadd.s32 $0xFFFFFF00  }
0x69: {  	[hbm4b:s23+s2] =	stream.linear.scatter [tilespmem:s13], [sflag:$0x1], $0x100, $0x38;
	[tilespmem:$0x11E10] =	vst v63  }
0x6a: {  	_ =	swait.ge [sflag:s5], $0x100  }
0x6b: {  	[sflag:s5] =	ssyncset.done $0x0  }
0x6c: {  	s10 =	simm.s32 $0x11500;
	[sflag:s5] =	ssyncadd.s32 $0xFFFFFF00  }
0x6d: {  	[hbm4b:s24+s2] =	stream.linear.scatter [tilespmem:s10], [sflag:$0x1], $0x100, $0x38;
	[tilespmem:$0x11E10] =	vst v63  }
0x6e: {  	_ =	swait.ge [sflag:s5], $0x100  }
0x6f: {  	[sflag:s5] =	ssyncset.done $0x0  }
0x70: {  	s11 =	simm.s32 $0x11600;
	[sflag:s5] =	ssyncadd.s32 $0xFFFFFF00  }
0x71: {  	[hbm4b:s26+s2] =	stream.linear.scatter [tilespmem:s11], [sflag:$0x1], $0x100, $0x38;
	[tilespmem:$0x11E10] =	vst v63  }
0x72: {  	_ =	swait.ge [sflag:s5], $0x100  }
0x73: {  	[sflag:s5] =	ssyncset.done $0x0  }
0x74: {  	s12 =	simm.s32 $0x11700;
	[sflag:s5] =	ssyncadd.s32 $0xFFFFFF00  }
0x75: {  	[hbm4b:s28+s2] =	stream.linear.scatter [tilespmem:s12], [sflag:$0x1], $0x100, $0x38;
	[tilespmem:$0x11E10] =	vst v63  }
0x76: {  	_ =	swait.ge [sflag:s5], $0x100  }
0x77: {  	[sflag:s5] =	ssyncset.done $0x0  }
0x78: {  	s13 =	simm.s32 $0x11800;
	[sflag:s5] =	ssyncadd.s32 $0xFFFFFF00  }
0x79: {  	[hbm4b:s29+s2] =	stream.linear.scatter [tilespmem:s13], [sflag:$0x1], $0x100, $0x38;
	[tilespmem:$0x11E10] =	vst v63  }
0x7a: {  	_ =	swait.ge [sflag:s5], $0x100  }
0x7b: {  	[sflag:s5] =	ssyncset.done $0x0  }
0x7c: {  	s10 =	simm.s32 $0x11900;
	[sflag:s5] =	ssyncadd.s32 $0xFFFFFF00  }
0x7d: {  	[hbm4b:s30+s2] =	stream.linear.scatter [tilespmem:s10], [sflag:$0x1], $0x100, $0x38;
	[tilespmem:$0x11E10] =	vst v63  }
0x7e: {  	_ =	swait.ge [sflag:s5], $0x100  }
0x7f: {  	[sflag:s5] =	ssyncset.done $0x0  }
0x80: {  	s11 =	simm.s32 $0x11A00;
	[sflag:s5] =	ssyncadd.s32 $0xFFFFFF00  }
0x81: {  	[hbm4b:s31+s2] =	stream.linear.scatter [tilespmem:s11], [sflag:$0x1], $0x100, $0x38;
	[tilespmem:$0x11E10] =	vst v63  }
0x82: {  	_ =	swait.ge [sflag:s5], $0x100  }
0x83: {  	[sflag:s5] =	ssyncset.done $0x0  }
0x84: {  	s12 =	simm.s32 $0x11B00;
	[sflag:s5] =	ssyncadd.s32 $0xFFFFFF00  }
0x85: {  	[hbm4b:s0+s2] =	stream.linear.scatter [tilespmem:s12], [sflag:$0x1], $0x100, $0x38;
	[tilespmem:$0x11E10] =	vst v63  }
0x86: {  	_ =	swait.ge [sflag:s5], $0x100  }
0x87: {  	[sflag:s5] =	ssyncset.done $0x0  }
0x88: {  	s13 =	simm.s32 $0x11C00;
	[sflag:s5] =	ssyncadd.s32 $0xFFFFFF00  }
0x89: {  	[hbm4b:s3+s2] =	stream.linear.scatter [tilespmem:s13], [sflag:$0x1], $0x100, $0x38;
	[tilespmem:$0x11E10] =	vst v63  }
0x8a: {  	_ =	swait.ge [sflag:s5], $0x100  }
0x8b: {  	[sflag:s5] =	ssyncset.done $0x0  }
0x8c: {  	[sflag:s5] =	ssyncadd.s32 $0xFFFFFF00  }
.LBB2_37:
0x8d: {  	s6 =	sadd.s32 $0x1, s6  }
0x8e: {  	p2 =	sne.s32 s6, s25  }
.Ltmp1:
0x8f: {  	_ = 	snop;
	(pc) =	sbr.rel @!p2 .LBB2_38-.Ltmp1, $1  }
0x90: {  	_ =	sdelay $0x3  }
.LBB2_1:
.Ltmp2:
0x91: {  	(pc) =	sbr.rel @p0 .LBB2_19-.Ltmp2, $1  }
0x92: {  	_ =	sdelay $0x3  }
0x93: {  	s9 =	simm.s32 $0x0;
	s10 =	rddreg [dreg:$0x5]  }
0x94: {  	[tilespmem:s4], [sflag:$0x1] =	stream.linear.gather [hbm4b:s10+s9], $0x10000, $0x38;
	[tilespmem:$0x11E10] =	vst v63  }
0x95: {  	_ =	swait.ge [sflag:s5], $0x10000  }
0x96: {  	[sflag:s5] =	ssyncset.done $0x0  }
0x97: {  	s13 =	rddreg [dreg:$0x6];
	[sflag:s5] =	ssyncadd.s32 $0xFFFF0000  }
0x98: {  	[tilespmem:s9], [sflag:$0x1] =	stream.linear.gather [hbm4b:s13+s9], $0x400, $0x38;
	[tilespmem:$0x11E10] =	vst v63  }
0x99: {  	_ =	swait.ge [sflag:s5], $0x400  }
0x9a: {  	[sflag:s5] =	ssyncset.done $0x0  }
0x9b: {  	s9 =	simm.s32 $0x0;
	[sflag:s5] =	ssyncadd.s32 $0xFFFFFC00  }
0x9c: {  	v4 =	vld [tilespmem:s9+$0x0]  }
0x9d: {  	v3 =	vimm.s32 $0x0;
	v2 =	vimm.s32 $0x0;
	s10 =	simm.s32 $0x40  }
.LBB2_3:
0x9e: {  	p2 =	sne.s32 s10, $0xFC0  }
.Ltmp3:
0x9f: {  	_ = 	snop;
	(pc) =	sbr.rel @p2 .LBB2_3-.Ltmp3, $4  }
0xa0: {  	_ = 	snop  }
0xa1: {  	s11 =	sshra.s32 s10, $0x2;
	s10 =	sadd.s32 $0x40, s10;
	vm15 =	veq.s32 v4, $0x0  }
0xa2: {  	v4 =	vld [tilespmem:s11+$0x0];
	v5 =	vsel vm15, $0x1, v0  }
0xa3: {  	v2 =	vadd.s32 v5, v2  }
0xa4: {  	_ =	sdelay $0x2  }
0xa5: {  	vm15 =	veq.s32 v4, $0x0  }
0xa6: {  	v4 =	vsel vm15, $0x1, v0  }
0xa7: {  	v2 =	vadd.s32 v4, v2;
	v4 =	vld [tilespmem:s9+$0x0]  }
0xa8: {  	s10 =	simm.s32 $0x40  }
.LBB2_5:
0xa9: {  	p2 =	sne.s32 s10, $0xFC0  }
.Ltmp4:
0xaa: {  	_ = 	snop;
	(pc) =	sbr.rel @p2 .LBB2_5-.Ltmp4, $4  }
0xab: {  	_ = 	snop  }
0xac: {  	s9 =	sshra.s32 s10, $0x2;
	s10 =	sadd.s32 $0x40, s10;
	vm15 =	veq.s32 v4, $0x1  }
0xad: {  	v4 =	vld [tilespmem:s9+$0x0];
	v5 =	vsel vm15, $0x1, v0  }
0xae: {  	v3 =	vadd.s32 v5, v3  }
0xaf: {  	_ =	sdelay $0x2  }
0xb0: {  	s9 =	simm.s32 $0x0;
	vm15 =	veq.s32 v4, $0x1  }
0xb1: {  	v6 =	vld [tilespmem:s9+$0x0];
	v4 =	vsel vm15, $0x1, v0  }
0xb2: {  	v5 =	vimm.s32 $0x0;
	s10 =	simm.s32 $0x40;
	v3 =	vadd.s32 v4, v3;
	v4 =	vimm.s32 $0x0  }
.LBB2_7:
0xb3: {  	p2 =	sne.s32 s10, $0xFC0  }
.Ltmp5:
0xb4: {  	_ = 	snop;
	(pc) =	sbr.rel @p2 .LBB2_7-.Ltmp5, $4  }
0xb5: {  	_ = 	snop  }
0xb6: {  	s11 =	sshra.s32 s10, $0x2;
	s10 =	sadd.s32 $0x40, s10;
	vm15 =	veq.s32 v6, $0x2  }
0xb7: {  	v6 =	vld [tilespmem:s11+$0x0];
	v7 =	vsel vm15, $0x1, v0  }
0xb8: {  	v4 =	vadd.s32 v7, v4  }
0xb9: {  	_ =	sdelay $0x2  }
0xba: {  	vm15 =	veq.s32 v6, $0x2  }
0xbb: {  	v6 =	vsel vm15, $0x1, v0  }
0xbc: {  	v4 =	vadd.s32 v6, v4;
	v6 =	vld [tilespmem:s9+$0x0]  }
0xbd: {  	s10 =	simm.s32 $0x40  }
.LBB2_9:
0xbe: {  	p2 =	sne.s32 s10, $0xFC0  }
.Ltmp6:
0xbf: {  	_ = 	snop;
	(pc) =	sbr.rel @p2 .LBB2_9-.Ltmp6, $4  }
0xc0: {  	_ = 	snop  }
0xc1: {  	s9 =	sshra.s32 s10, $0x2;
	s10 =	sadd.s32 $0x40, s10;
	vm15 =	veq.s32 v6, $0x3  }
0xc2: {  	v6 =	vld [tilespmem:s9+$0x0];
	v7 =	vsel vm15, $0x1, v0  }
0xc3: {  	v5 =	vadd.s32 v7, v5  }
0xc4: {  	_ =	sdelay $0x2  }
0xc5: {  	s9 =	simm.s32 $0x0;
	vm15 =	veq.s32 v6, $0x3  }
0xc6: {  	v8 =	vld [tilespmem:s9+$0x0];
	v6 =	vsel vm15, $0x1, v0  }
0xc7: {  	v7 =	vimm.s32 $0x0;
	s10 =	simm.s32 $0x40;
	v5 =	vadd.s32 v6, v5;
	v6 =	vimm.s32 $0x0  }
.LBB2_11:
0xc8: {  	p2 =	sne.s32 s10, $0xFC0  }
.Ltmp7:
0xc9: {  	_ = 	snop;
	(pc) =	sbr.rel @p2 .LBB2_11-.Ltmp7, $4  }
0xca: {  	_ = 	snop  }
0xcb: {  	s11 =	sshra.s32 s10, $0x2;
	s10 =	sadd.s32 $0x40, s10;
	vm15 =	veq.s32 v8, $0x4  }
0xcc: {  	v8 =	vld [tilespmem:s11+$0x0];
	v9 =	vsel vm15, $0x1, v0  }
0xcd: {  	v6 =	vadd.s32 v9, v6  }
0xce: {  	_ =	sdelay $0x2  }
0xcf: {  	vm15 =	veq.s32 v8, $0x4  }
0xd0: {  	v8 =	vsel vm15, $0x1, v0  }
0xd1: {  	v6 =	vadd.s32 v8, v6;
	v8 =	vld [tilespmem:s9+$0x0]  }
0xd2: {  	s10 =	simm.s32 $0x40  }
.LBB2_13:
0xd3: {  	p2 =	sne.s32 s10, $0xFC0  }
.Ltmp8:
0xd4: {  	_ = 	snop;
	(pc) =	sbr.rel @p2 .LBB2_13-.Ltmp8, $4  }
0xd5: {  	_ = 	snop  }
0xd6: {  	s9 =	sshra.s32 s10, $0x2;
	s10 =	sadd.s32 $0x40, s10;
	vm15 =	veq.s32 v8, $0x5  }
0xd7: {  	v8 =	vld [tilespmem:s9+$0x0];
	v9 =	vsel vm15, $0x1, v0  }
0xd8: {  	v7 =	vadd.s32 v9, v7  }
0xd9: {  	_ =	sdelay $0x2  }
0xda: {  	s9 =	simm.s32 $0x0;
	vm15 =	veq.s32 v8, $0x5  }
0xdb: {  	v10 =	vld [tilespmem:s9+$0x0];
	v8 =	vsel vm15, $0x1, v0  }
0xdc: {  	s10 =	simm.s32 $0x40;
	v9 =	vimm.s32 $0x0;
	v7 =	vadd.s32 v8, v7;
	v8 =	vimm.s32 $0x0  }
.LBB2_15:
0xdd: {  	p2 =	sne.s32 s10, $0xFC0  }
.Ltmp9:
0xde: {  	_ = 	snop;
	(pc) =	sbr.rel @p2 .LBB2_15-.Ltmp9, $4  }
0xdf: {  	_ = 	snop  }
0xe0: {  	s11 =	sshra.s32 s10, $0x2;
	s10 =	sadd.s32 $0x40, s10;
	vm15 =	veq.s32 v10, $0x6  }
0xe1: {  	v10 =	vld [tilespmem:s11+$0x0];
	v11 =	vsel vm15, $0x1, v0  }
0xe2: {  	v9 =	vadd.s32 v11, v9  }
0xe3: {  	_ =	sdelay $0x2  }
0xe4: {  	vm15 =	veq.s32 v10, $0x6  }
0xe5: {  	v10 =	vsel vm15, $0x1, v0  }
0xe6: {  	v9 =	vadd.s32 v10, v9;
	v10 =	vld [tilespmem:s9+$0x0]  }
0xe7: {  	s10 =	simm.s32 $0x40  }
.LBB2_17:
0xe8: {  	p2 =	sne.s32 s10, $0xFC0  }
.Ltmp10:
0xe9: {  	_ = 	snop;
	(pc) =	sbr.rel @p2 .LBB2_17-.Ltmp10, $4  }
0xea: {  	_ = 	snop  }
0xeb: {  	s9 =	sshra.s32 s10, $0x2;
	s10 =	sadd.s32 $0x40, s10;
	vm15 =	veq.s32 v10, $0x7  }
0xec: {  	v10 =	vld [tilespmem:s9+$0x0];
	v11 =	vsel vm15, $0x1, v0  }
0xed: {  	v8 =	vadd.s32 v11, v8  }
0xee: {  	(xrf0) =	vadd.scan.msk.s32 $0xffff, v2  }
0xef: {  	(xrf0) =	vadd.scan.msk.s32 $0xffff, v3  }
0xf0: {  	(xrf0) =	vadd.scan.msk.s32 $0xffff, v4  }
0xf1: {  	(xrf0) =	vadd.scan.msk.s32 $0xffff, v5;
	vm15 =	veq.s32 v10, $0x7  }
0xf2: {  	(xrf0) =	vadd.scan.msk.s32 $0xffff, v6;
	v2 =	vsel vm15, $0x1, v0  }
0xf3: {  	(xrf0) =	vadd.scan.msk.s32 $0xffff, v7;
	v2 =	vadd.s32 v2, v8  }
0xf4: {  	v3, _, _ =	vpop (xrf0);
	(xrf0) =	vadd.scan.msk.s32 $0xffff, v9  }
0xf5: {  	v57, _, _ =	vpop (xrf0);
	(xrf0) =	vadd.scan.msk.s32 $0xffff, v2  }
0xf6: {  	v3 =	vbroadcast v3, $0xF;
	v2, _, _ =	vpop (xrf0);
	v4 =	vbroadcast v57, $0xF  }
0xf7: {  	v5, _, _ =	vpop (xrf0);
	v2 =	vbroadcast v2, $0xF  }
0xf8: {  	v3 =	vnsel vm0, $0x0, v3;
	v6, _, _ =	vpop (xrf0);
	v4 =	vnsel vm1, $0x0, v4;
	v5 =	vbroadcast v5, $0xF  }
0xf9: {  	v7, _, _ =	vpop (xrf0);
	v3 =	vadd.s32 v3, v4;
	v2 =	vnsel vm2, $0x0, v2;
	v58 =	vbroadcast v6, $0xF  }
0xfa: {  	v59, _, _ =	vpop (xrf0);
	v2 =	vadd.s32 v2, v3;
	v3 =	vnsel vm3, $0x0, v5;
	v60 =	vbroadcast v7, $0xF  }
0xfb: {  	v2 =	vadd.s32 v3, v2;
	v3 =	vnsel vm4, $0x0, v58;
	v61 =	vbroadcast v59, $0xF;
	v62, _, _ =	vpop (xrf0)  }
0xfc: {  	v2 =	vadd.s32 v3, v2;
	v3 =	vnsel vm5, $0x0, v60;
	v63 =	vbroadcast v62, $0xF  }
0xfd: {  	v2 =	vadd.s32 v3, v2;
	v3 =	vnsel vm6, $0x0, v61  }
0xfe: {  	v2 =	vadd.s32 v3, v2;
	v3 =	vnsel vm7, $0x0, v63  }
0xff: {  	v2 =	vadd.s32 v3, v2  }
0x100: {  	s9 =	rddreg [dreg:$0x7];
	s10 =	simm.s32 $0x400;
	[tilespmem:$0x400] =	vst v2  }
0x101: {  	[spmem:s9] =	stream.linear.scatter [tilespmem:s10], [sflag:$0x1], $0x10, $0x38;
	[tilespmem:$0x11E10] =	vst v63  }
0x102: {  	_ =	swait.ge [sflag:s5], $0x10  }
0x103: {  	[sflag:s5] =	ssyncset.done $0x0  }
0x104: {  	[sflag:s5] =	ssyncadd.s32 $0xFFFFFFF0  }
.LBB2_19:
0x105: {  	[bflag:$0x0] =	sbarrier.arrive $0xFFFF;
	s9 =	simm.s32 @!p1 $0x11D10  }
0x106: {  	[tilespmem:s9], [sflag:$0x1] =	stream.linear.gather @!p1 [spmem:s1], $0x100, $0x38;
	[tilespmem:$0x11E10] =	vst v63  }
0x107: {  	s9 =	simm.s32 @!p1 $0x1  }
0x108: {  	_ =	swait.ge @!p1 [sflag:s9], $0x100  }
0x109: {  	[sflag:s9] =	ssyncset.done @!p1 $0x0  }
0x10a: {  	[sflag:s9] =	ssyncadd.s32 @!p1 $0xFFFFFF00  }
0x10b: {  	v2 =	vld @!p1 [tilespmem:$0x11D10]  }
0x10c: {  	v3 =	vld @!p1 [tilespmem:$0x11D20]  }
0x10d: {  	v4 =	vld @!p1 [tilespmem:$0x11D30]  }
0x10e: {  	v5 =	vld @!p1 [tilespmem:$0x11D40]  }
0x10f: {  	v6 =	vld @!p1 [tilespmem:$0x11D50]  }
0x110: {  	v7 =	vld @!p1 [tilespmem:$0x11D60]  }
0x111: {  	v2 =	vadd.s32 @!p1 v2, v3;
	v3 =	vld @!p1 [tilespmem:$0x11D70]  }
0x112: {  	v2 =	vadd.s32 @!p1 v4, v2;
	v4 =	vld @!p1 [tilespmem:$0x11D80]  }
0x113: {  	v2 =	vadd.s32 @!p1 v5, v2;
	v5 =	vld @!p1 [tilespmem:$0x11D90]  }
0x114: {  	v2 =	vadd.s32 @!p1 v6, v2;
	v6 =	vld @!p1 [tilespmem:$0x11DA0]  }
0x115: {  	v2 =	vadd.s32 @!p1 v7, v2;
	v7 =	vld @!p1 [tilespmem:$0x11DB0]  }
0x116: {  	v2 =	vadd.s32 @!p1 v3, v2;
	v3 =	vld @!p1 [tilespmem:$0x11DC0]  }
0x117: {  	v2 =	vadd.s32 @!p1 v4, v2;
	v4 =	vld @!p1 [tilespmem:$0x11DD0]  }
0x118: {  	v2 =	vadd.s32 @!p1 v5, v2;
	v5 =	vld @!p1 [tilespmem:$0x11DE0]  }
0x119: {  	v2 =	vadd.s32 @!p1 v6, v2;
	v6 =	vld @!p1 [tilespmem:$0x11DF0]  }
0x11a: {  	v2 =	vadd.s32 @!p1 v7, v2;
	v7 =	vld @!p1 [tilespmem:$0x11E00]  }
0x11b: {  	v2 =	vadd.s32 @!p1 v3, v2  }
0x11c: {  	v2 =	vadd.s32 @!p1 v4, v2  }
0x11d: {  	v2 =	vadd.s32 @!p1 v5, v2  }
0x11e: {  	v2 =	vadd.s32 @!p1 v6, v2  }
0x11f: {  	v2 =	vadd.s32 @!p1 v7, v2  }
0x120: {  	(xrf0) =	vadd.scan.msk.s32 @!p1 $0xffff, v2;
	_ =	sdelay $0x5  }
0x121: {  	v3, _, _ =	vpop @!p1 (xrf0)  }
0x122: {  	[tilespmem:$0x480] =	vst @!p1 v2;
	v2 =	vsub.s32 @!p1 v3, v2  }
0x123: {  	s10 =	simm.s32 @!p1 $0x480;
	[tilespmem:$0x490] =	vst @!p1 v2  }
0x124: {  	[spmem:s1] =	stream.linear.scatter @!p1 [tilespmem:s10], [sflag:$0x1], $0x20, $0x38;
	[tilespmem:$0x11E10] =	vst v63  }
.Ltmp11:
0x125: {  	_ =	swait.ge @!p1 [sflag:s9], $0x20;
	(pc) =	sbr.rel @p0 .LBB2_37-.Ltmp11, $3  }
0x126: {  	[sflag:s9] =	ssyncset.done @!p1 $0x0  }
0x127: {  	[sflag:s9] =	ssyncadd.s32 @!p1 $0xFFFFFFE0  }
0x128: {  	[bflag:$0x0] =	sbarrier.arrive $0xFFFF;
	_ =	sdelay $0x1  }
0x129: {  	s9 =	simm.s32 $0x480  }
0x12a: {  	[tilespmem:s9], [sflag:$0x1] =	stream.linear.gather [spmem:s1], $0x20, $0x38;
	[tilespmem:$0x11E10] =	vst v63  }
0x12b: {  	_ =	swait.ge [sflag:s5], $0x20  }
0x12c: {  	[sflag:s5] =	ssyncset.done $0x0  }
0x12d: {  	[sflag:s5] =	ssyncadd.s32 $0xFFFFFFE0  }
0x12e: {  	v3 =	vld [tilespmem:$0x480];
	_ =	sdelay $0x4  }
0x12f: {  	v2 =	vnsel vm0, $0x0, v3  }
0x130: {  	(xrf0) =	vadd.scan.msk.s32 $0xffff, v2;
	_ =	sdelay $0x5  }
0x131: {  	v4, _, _ =	vpop (xrf0)  }
0x132: {  	(v2sf) =	vpush v4, $0xF;
	_ =	sdelay $0x4  }
0x133: {  	v2 =	vld [tilespmem:$0x490];
	_ =	sdelay $0x4  }
0x134: {  	v5 =	vnsel vm0, $0x0, v2  }
0x135: {  	(xrf0) =	vadd.scan.msk.s32 $0xffff, v5;
	_ =	sdelay $0x1  }
0x136: {  	s12 =	sadd.s32 $0x0, s8;
	v5 =	vbroadcast v4, $0xF  }
0x137: {  	v4 =	vor.u32 s12, v1  }
0x138: {  	v6 =	vmul.u32 v5, v4;
	s13 =	spop (v2sf)  }
0x139: {  	s9 =	sadd.s32 $0xFFFFFFFF, s13  }
0x13a: {  	v8 =	vshra.s32 v6, $0xC;
	v7, _, _ =	vpop (xrf0);
	v4 =	vmov s9  }
0x13b: {  	v6 =	vbroadcast v7, $0xF;
	vm15 =	vlt.s32 v8, v4  }
0x13c: {  	v7 =	vsel vm15, v8, v4  }
0x13d: {  	v7 =	vadd.s32 v6, v7  }
0x13e: {  	v8 =	vshrl.u32 v7, $0x11  }
0x13f: {  	v8 =	vand.u32 $0x4000, v8  }
0x140: {  	v7 =	vadd.s32 v7, v8  }
0x141: {  	v7 =	vshll.u32 v7, $0x2;
	_ =	sdelay $0x4  }
0x142: {  	v8 =	vld.idx.msk [tilespmem:v7+s4+$0x0], $0xffff  }
0x143: {  	v9 =	vor.u32 $0x1, v7;
	_ =	sdelay $0x1  }
0x144: {  	s11 =	simm.s32 $0x0;
	s10 =	simm.s32 $0x10500  }
0x145: {  	s12 =	simm.s32 $0x20;
	s13 =	sadd.s32 $0x10, s8;
	s9 =	simm.s32 $0x10  }
.LBB2_21:
0x146: {  	p2 =	sne.s32 s12, $0xF0;
	v10 =	vor.u32 s13, v1;
	[tilespmem:s10+$0x0] =	vst v8  }
0x147: {  	v8 =	vmul.u32 v5, v10;
	v9 =	vld.idx.msk [tilespmem:v9+s4+$0x0], $0xffff;
	_ =	sdelay $0x1  }
0x148: {  	v7 =	vor.u32 $0x2, v7;
	v8 =	vshra.s32 v8, $0xC  }
0x149: {  	vm15 =	vlt.s32 v8, v4  }
0x14a: {  	v8 =	vsel vm15, v8, v4  }
0x14b: {  	s13 =	sand.u32 $0xF0, s11;
	s11 =	smov.u32 s9;
	s9 =	smov.u32 s12;
	v8 =	vadd.s32 v6, v8  }
0x14c: {  	v10 =	vshrl.u32 v8, $0x11;
	[tilespmem:s13+$0x10600] =	vst v9  }
0x14d: {  	v9 =	vand.u32 $0x4000, v10;
	v10 =	vld.idx.msk [tilespmem:v7+s4+$0x0], $0xffff  }
0x14e: {  	v7 =	vadd.s32 v8, v9  }
0x14f: {  	v7 =	vshll.u32 v7, $0x2;
	_ =	sdelay $0x3  }
0x150: {  	[tilespmem:s13+$0x10700] =	vst v10  }
0x151: {  	v8 =	vld.idx.msk [tilespmem:v7+s4+$0x0], $0xffff  }
.Ltmp12:
0x152: {  	(pc) =	sbr.rel @p2 .LBB2_21-.Ltmp12, $2  }
0x153: {  	v9 =	vor.u32 $0x1, v7;
	_ =	sdelay $0x2  }
0x154: {  	s12 =	sadd.s32 $0x10, s12;
	s10 =	sadd.s32 $0x10, s10;
	s13 =	sadd.s32 s9, s8  }
0x155: {  	v10 =	vsel vm8, $0x0, v3  }
0x156: {  	(xrf0) =	vadd.scan.msk.s32 $0xffff, v10;
	_ =	sdelay $0x2  }
0x157: {  	v10 =	vor.u32 s13, v1  }
0x158: {  	v5 =	vmul.u32 v5, v10  }
0x159: {  	[tilespmem:s10+$0x0] =	vst v8  }
0x15a: {  	v8 =	vld.idx.msk [tilespmem:v9+s4+$0x0], $0xffff;
	v5 =	vshra.s32 v5, $0xC;
	v9, _, _ =	vpop (xrf0)  }
0x15b: {  	v7 =	vor.u32 $0x2, v7;
	vm15 =	vlt.s32 v5, v4;
	(v2sf) =	vpush v9, $0xF  }
0x15c: {  	v4 =	vsel vm15, v5, v4  }
0x15d: {  	v4 =	vadd.s32 v6, v4  }
0x15e: {  	s11 =	sand.u32 $0xF0, s11;
	v5 =	vshrl.u32 v4, $0x11  }
0x15f: {  	[tilespmem:s11+$0x10600] =	vst v8;
	v5 =	vand.u32 $0x4000, v5  }
0x160: {  	v6 =	vld.idx.msk [tilespmem:v7+s4+$0x0], $0xffff;
	v4 =	vadd.s32 v4, v5  }
0x161: {  	v7 =	vshll.u32 v4, $0x2;
	_ =	sdelay $0x3  }
0x162: {  	v4 =	vsel vm8, $0x0, v2;
	[tilespmem:s11+$0x10700] =	vst v6  }
0x163: {  	(xrf0) =	vadd.scan.msk.s32 $0xffff, v4;
	v5 =	vld.idx.msk [tilespmem:v7+s4+$0x0], $0xffff  }
0x164: {  	v6 =	vor.u32 $0x1, v7  }
0x165: {  	s13 =	sadd.s32 $0x0, s8;
	v4 =	vbroadcast v9, $0xF  }
0x166: {  	v8 =	vor.u32 s13, v1  }
0x167: {  	s12 =	sadd.s32 $0x10, s10;
	v8 =	vmul.u32 v4, v8;
	s13 =	spop (v2sf)  }
0x168: {  	[tilespmem:s12+$0x0] =	vst v5;
	s12 =	sadd.s32 $0xFFFFFFFF, s13  }
0x169: {  	v8 =	vshra.s32 v8, $0xC;
	v9 =	vld.idx.msk [tilespmem:v6+s4+$0x0], $0xffff;
	v6, _, _ =	vpop (xrf0);
	v5 =	vmov s12  }
0x16a: {  	v7 =	vor.u32 $0x2, v7;
	v6 =	vbroadcast v6, $0xF;
	vm15 =	vlt.s32 v8, v5  }
0x16b: {  	v8 =	vsel vm15, v8, v5  }
0x16c: {  	v8 =	vadd.s32 v6, v8  }
0x16d: {  	s9 =	sand.u32 $0xF0, s9;
	v10 =	vshrl.u32 v8, $0x11  }
0x16e: {  	[tilespmem:s9+$0x10600] =	vst v9;
	v9 =	vand.u32 $0x4000, v10  }
0x16f: {  	v10 =	vld.idx.msk [tilespmem:v7+s4+$0x0], $0xffff;
	v7 =	vadd.s32 v8, v9  }
0x170: {  	v7 =	vshll.u32 v7, $0x2;
	_ =	sdelay $0x3  }
0x171: {  	[tilespmem:s9+$0x10700] =	vst v10  }
0x172: {  	v9 =	vld.idx.msk [tilespmem:v7+s4+$0x0], $0xffff  }
0x173: {  	v8 =	vor.u32 $0x1, v7;
	_ =	sdelay $0x1  }
0x174: {  	s11 =	simm.s32 $0x20;
	s13 =	simm.s32 $0x0  }
0x175: {  	s12 =	sadd.s32 $0x10, s8;
	s10 =	sand.u32 $0xF0, s13;
	s9 =	simm.s32 $0x10  }
.LBB2_23:
0x176: {  	p2 =	sne.s32 s11, $0xF0;
	v10 =	vor.u32 s12, v1;
	[tilespmem:s10+$0x10800] =	vst v9;
	s13 =	smov.u32 s9;
	s9 =	smov.u32 s11  }
0x177: {  	v9 =	vmul.u32 v4, v10;
	v8 =	vld.idx.msk [tilespmem:v8+s4+$0x0], $0xffff;
	_ =	sdelay $0x1  }
0x178: {  	v7 =	vor.u32 $0x2, v7;
	v9 =	vshra.s32 v9, $0xC  }
0x179: {  	vm15 =	vlt.s32 v9, v5  }
0x17a: {  	v9 =	vsel vm15, v9, v5  }
0x17b: {  	v9 =	vadd.s32 v6, v9  }
0x17c: {  	v10 =	vshrl.u32 v9, $0x11;
	[tilespmem:s10+$0x10900] =	vst v8  }
0x17d: {  	v8 =	vand.u32 $0x4000, v10;
	v10 =	vld.idx.msk [tilespmem:v7+s4+$0x0], $0xffff  }
0x17e: {  	v7 =	vadd.s32 v9, v8  }
0x17f: {  	v7 =	vshll.u32 v7, $0x2;
	_ =	sdelay $0x3  }
0x180: {  	[tilespmem:s10+$0x10A00] =	vst v10  }
0x181: {  	v9 =	vld.idx.msk [tilespmem:v7+s4+$0x0], $0xffff  }
.Ltmp13:
0x182: {  	(pc) =	sbr.rel @p2 .LBB2_23-.Ltmp13, $2  }
0x183: {  	v8 =	vor.u32 $0x1, v7;
	_ =	sdelay $0x2  }
0x184: {  	s11 =	sadd.s32 $0x10, s11;
	s12 =	sadd.s32 s9, s8;
	s10 =	sand.u32 $0xF0, s13  }
0x185: {  	v10 =	vsel vm9, $0x0, v3  }
0x186: {  	(xrf0) =	vadd.scan.msk.s32 $0xffff, v10;
	_ =	sdelay $0x2  }
0x187: {  	v10 =	vor.u32 s12, v1  }
0x188: {  	v4 =	vmul.u32 v4, v10  }
0x189: {  	[tilespmem:s10+$0x10800] =	vst v9  }
0x18a: {  	v8 =	vld.idx.msk [tilespmem:v8+s4+$0x0], $0xffff;
	v4 =	vshra.s32 v4, $0xC;
	v9, _, _ =	vpop (xrf0)  }
0x18b: {  	v7 =	vor.u32 $0x2, v7;
	vm15 =	vlt.s32 v4, v5;
	(v2sf) =	vpush v9, $0xF  }
0x18c: {  	v4 =	vsel vm15, v4, v5  }
0x18d: {  	v4 =	vadd.s32 v6, v4  }
0x18e: {  	v5 =	vshrl.u32 v4, $0x11  }
0x18f: {  	[tilespmem:s10+$0x10900] =	vst v8;
	v5 =	vand.u32 $0x4000, v5  }
0x190: {  	v6 =	vld.idx.msk [tilespmem:v7+s4+$0x0], $0xffff;
	v4 =	vadd.s32 v4, v5  }
0x191: {  	v7 =	vshll.u32 v4, $0x2;
	_ =	sdelay $0x3  }
0x192: {  	v4 =	vsel vm9, $0x0, v2;
	[tilespmem:s10+$0x10A00] =	vst v6  }
0x193: {  	(xrf0) =	vadd.scan.msk.s32 $0xffff, v4;
	v5 =	vld.idx.msk [tilespmem:v7+s4+$0x0], $0xffff  }
0x194: {  	v6 =	vor.u32 $0x1, v7  }
0x195: {  	s11 =	sadd.s32 $0x0, s8;
	v4 =	vbroadcast v9, $0xF  }
0x196: {  	v8 =	vor.u32 s11, v1  }
0x197: {  	s9 =	sand.u32 $0xF0, s9;
	v8 =	vmul.u32 v4, v8;
	s12 =	spop (v2sf)  }
0x198: {  	[tilespmem:s9+$0x10800] =	vst v5;
	s10 =	sadd.s32 $0xFFFFFFFF, s12  }
0x199: {  	v8 =	vshra.s32 v8, $0xC;
	v9 =	vld.idx.msk [tilespmem:v6+s4+$0x0], $0xffff;
	v6, _, _ =	vpop (xrf0);
	v5 =	vmov s10  }
0x19a: {  	v7 =	vor.u32 $0x2, v7;
	v6 =	vbroadcast v6, $0xF;
	vm15 =	vlt.s32 v8, v5  }
0x19b: {  	v8 =	vsel vm15, v8, v5  }
0x19c: {  	v8 =	vadd.s32 v6, v8  }
0x19d: {  	v10 =	vshrl.u32 v8, $0x11  }
0x19e: {  	[tilespmem:s9+$0x10900] =	vst v9;
	v9 =	vand.u32 $0x4000, v10  }
0x19f: {  	v10 =	vld.idx.msk [tilespmem:v7+s4+$0x0], $0xffff;
	v7 =	vadd.s32 v8, v9  }
0x1a0: {  	v7 =	vshll.u32 v7, $0x2;
	_ =	sdelay $0x3  }
0x1a1: {  	[tilespmem:s9+$0x10A00] =	vst v10  }
0x1a2: {  	v9 =	vld.idx.msk [tilespmem:v7+s4+$0x0], $0xffff  }
0x1a3: {  	v8 =	vor.u32 $0x1, v7;
	_ =	sdelay $0x1  }
0x1a4: {  	s13 =	simm.s32 $0x0;
	s11 =	simm.s32 $0x20  }
0x1a5: {  	s12 =	sadd.s32 $0x10, s8;
	s10 =	sand.u32 $0xF0, s13;
	s9 =	simm.s32 $0x10  }
.LBB2_25:
0x1a6: {  	p2 =	sne.s32 s11, $0xF0;
	v10 =	vor.u32 s12, v1;
	[tilespmem:s10+$0x10B00] =	vst v9;
	s13 =	smov.u32 s9;
	s9 =	smov.u32 s11  }
0x1a7: {  	v9 =	vmul.u32 v4, v10;
	v8 =	vld.idx.msk [tilespmem:v8+s4+$0x0], $0xffff;
	_ =	sdelay $0x1  }
0x1a8: {  	v7 =	vor.u32 $0x2, v7;
	v9 =	vshra.s32 v9, $0xC  }
0x1a9: {  	vm15 =	vlt.s32 v9, v5  }
0x1aa: {  	v9 =	vsel vm15, v9, v5  }
0x1ab: {  	v9 =	vadd.s32 v6, v9  }
0x1ac: {  	v10 =	vshrl.u32 v9, $0x11;
	[tilespmem:s10+$0x10C00] =	vst v8  }
0x1ad: {  	v8 =	vand.u32 $0x4000, v10;
	v10 =	vld.idx.msk [tilespmem:v7+s4+$0x0], $0xffff  }
0x1ae: {  	v7 =	vadd.s32 v9, v8  }
0x1af: {  	v7 =	vshll.u32 v7, $0x2;
	_ =	sdelay $0x3  }
0x1b0: {  	[tilespmem:s10+$0x10D00] =	vst v10  }
0x1b1: {  	v9 =	vld.idx.msk [tilespmem:v7+s4+$0x0], $0xffff  }
.Ltmp14:
0x1b2: {  	(pc) =	sbr.rel @p2 .LBB2_25-.Ltmp14, $2  }
0x1b3: {  	v8 =	vor.u32 $0x1, v7;
	_ =	sdelay $0x2  }
0x1b4: {  	s11 =	sadd.s32 $0x10, s11;
	s12 =	sadd.s32 s9, s8;
	s10 =	sand.u32 $0xF0, s13  }
0x1b5: {  	v10 =	vsel vm10, $0x0, v3  }
0x1b6: {  	(xrf0) =	vadd.scan.msk.s32 $0xffff, v10;
	_ =	sdelay $0x2  }
0x1b7: {  	v10 =	vor.u32 s12, v1  }
0x1b8: {  	v4 =	vmul.u32 v4, v10  }
0x1b9: {  	[tilespmem:s10+$0x10B00] =	vst v9  }
0x1ba: {  	v8 =	vld.idx.msk [tilespmem:v8+s4+$0x0], $0xffff;
	v4 =	vshra.s32 v4, $0xC;
	v9, _, _ =	vpop (xrf0)  }
0x1bb: {  	v7 =	vor.u32 $0x2, v7;
	vm15 =	vlt.s32 v4, v5;
	(v2sf) =	vpush v9, $0xF  }
0x1bc: {  	v4 =	vsel vm15, v4, v5  }
0x1bd: {  	v4 =	vadd.s32 v6, v4  }
0x1be: {  	v5 =	vshrl.u32 v4, $0x11  }
0x1bf: {  	[tilespmem:s10+$0x10C00] =	vst v8;
	v5 =	vand.u32 $0x4000, v5  }
0x1c0: {  	v6 =	vld.idx.msk [tilespmem:v7+s4+$0x0], $0xffff;
	v4 =	vadd.s32 v4, v5  }
0x1c1: {  	v7 =	vshll.u32 v4, $0x2;
	_ =	sdelay $0x3  }
0x1c2: {  	v4 =	vsel vm10, $0x0, v2;
	[tilespmem:s10+$0x10D00] =	vst v6  }
0x1c3: {  	(xrf0) =	vadd.scan.msk.s32 $0xffff, v4;
	v5 =	vld.idx.msk [tilespmem:v7+s4+$0x0], $0xffff  }
0x1c4: {  	v6 =	vor.u32 $0x1, v7  }
0x1c5: {  	s11 =	sadd.s32 $0x0, s8;
	v4 =	vbroadcast v9, $0xF  }
0x1c6: {  	v8 =	vor.u32 s11, v1  }
0x1c7: {  	s9 =	sand.u32 $0xF0, s9;
	v8 =	vmul.u32 v4, v8;
	s12 =	spop (v2sf)  }
0x1c8: {  	[tilespmem:s9+$0x10B00] =	vst v5;
	s10 =	sadd.s32 $0xFFFFFFFF, s12  }
0x1c9: {  	v8 =	vshra.s32 v8, $0xC;
	v9 =	vld.idx.msk [tilespmem:v6+s4+$0x0], $0xffff;
	v6, _, _ =	vpop (xrf0);
	v5 =	vmov s10  }
0x1ca: {  	v7 =	vor.u32 $0x2, v7;
	v6 =	vbroadcast v6, $0xF;
	vm15 =	vlt.s32 v8, v5  }
0x1cb: {  	v8 =	vsel vm15, v8, v5  }
0x1cc: {  	v8 =	vadd.s32 v6, v8  }
0x1cd: {  	v10 =	vshrl.u32 v8, $0x11  }
0x1ce: {  	[tilespmem:s9+$0x10C00] =	vst v9;
	v9 =	vand.u32 $0x4000, v10  }
0x1cf: {  	v10 =	vld.idx.msk [tilespmem:v7+s4+$0x0], $0xffff;
	v7 =	vadd.s32 v8, v9  }
0x1d0: {  	v7 =	vshll.u32 v7, $0x2;
	_ =	sdelay $0x3  }
0x1d1: {  	[tilespmem:s9+$0x10D00] =	vst v10  }
0x1d2: {  	v9 =	vld.idx.msk [tilespmem:v7+s4+$0x0], $0xffff  }
0x1d3: {  	v8 =	vor.u32 $0x1, v7;
	_ =	sdelay $0x1  }
0x1d4: {  	s13 =	simm.s32 $0x0;
	s11 =	simm.s32 $0x20  }
0x1d5: {  	s12 =	sadd.s32 $0x10, s8;
	s10 =	sand.u32 $0xF0, s13;
	s9 =	simm.s32 $0x10  }
.LBB2_27:
0x1d6: {  	p2 =	sne.s32 s11, $0xF0;
	v10 =	vor.u32 s12, v1;
	[tilespmem:s10+$0x10E00] =	vst v9;
	s13 =	smov.u32 s9;
	s9 =	smov.u32 s11  }
0x1d7: {  	v9 =	vmul.u32 v4, v10;
	v8 =	vld.idx.msk [tilespmem:v8+s4+$0x0], $0xffff;
	_ =	sdelay $0x1  }
0x1d8: {  	v7 =	vor.u32 $0x2, v7;
	v9 =	vshra.s32 v9, $0xC  }
0x1d9: {  	vm15 =	vlt.s32 v9, v5  }
0x1da: {  	v9 =	vsel vm15, v9, v5  }
0x1db: {  	v9 =	vadd.s32 v6, v9  }
0x1dc: {  	v10 =	vshrl.u32 v9, $0x11;
	[tilespmem:s10+$0x10F00] =	vst v8  }
0x1dd: {  	v8 =	vand.u32 $0x4000, v10;
	v10 =	vld.idx.msk [tilespmem:v7+s4+$0x0], $0xffff  }
0x1de: {  	v7 =	vadd.s32 v9, v8  }
0x1df: {  	v7 =	vshll.u32 v7, $0x2;
	_ =	sdelay $0x3  }
0x1e0: {  	[tilespmem:s10+$0x11000] =	vst v10  }
0x1e1: {  	v9 =	vld.idx.msk [tilespmem:v7+s4+$0x0], $0xffff  }
.Ltmp15:
0x1e2: {  	(pc) =	sbr.rel @p2 .LBB2_27-.Ltmp15, $2  }
0x1e3: {  	v8 =	vor.u32 $0x1, v7;
	_ =	sdelay $0x2  }
0x1e4: {  	s11 =	sadd.s32 $0x10, s11;
	s12 =	sadd.s32 s9, s8;
	s10 =	sand.u32 $0xF0, s13  }
0x1e5: {  	v10 =	vsel vm11, $0x0, v3  }
0x1e6: {  	(xrf0) =	vadd.scan.msk.s32 $0xffff, v10;
	_ =	sdelay $0x2  }
0x1e7: {  	v10 =	vor.u32 s12, v1  }
0x1e8: {  	v4 =	vmul.u32 v4, v10  }
0x1e9: {  	[tilespmem:s10+$0x10E00] =	vst v9  }
0x1ea: {  	v8 =	vld.idx.msk [tilespmem:v8+s4+$0x0], $0xffff;
	v4 =	vshra.s32 v4, $0xC;
	v9, _, _ =	vpop (xrf0)  }
0x1eb: {  	v7 =	vor.u32 $0x2, v7;
	vm15 =	vlt.s32 v4, v5;
	(v2sf) =	vpush v9, $0xF  }
0x1ec: {  	v4 =	vsel vm15, v4, v5  }
0x1ed: {  	v4 =	vadd.s32 v6, v4  }
0x1ee: {  	v5 =	vshrl.u32 v4, $0x11  }
0x1ef: {  	[tilespmem:s10+$0x10F00] =	vst v8;
	v5 =	vand.u32 $0x4000, v5  }
0x1f0: {  	v6 =	vld.idx.msk [tilespmem:v7+s4+$0x0], $0xffff;
	v4 =	vadd.s32 v4, v5  }
0x1f1: {  	v7 =	vshll.u32 v4, $0x2;
	_ =	sdelay $0x3  }
0x1f2: {  	v4 =	vsel vm11, $0x0, v2;
	[tilespmem:s10+$0x11000] =	vst v6  }
0x1f3: {  	(xrf0) =	vadd.scan.msk.s32 $0xffff, v4;
	v5 =	vld.idx.msk [tilespmem:v7+s4+$0x0], $0xffff  }
0x1f4: {  	v6 =	vor.u32 $0x1, v7  }
0x1f5: {  	s11 =	sadd.s32 $0x0, s8;
	v4 =	vbroadcast v9, $0xF  }
0x1f6: {  	v8 =	vor.u32 s11, v1  }
0x1f7: {  	s9 =	sand.u32 $0xF0, s9;
	v8 =	vmul.u32 v4, v8;
	s12 =	spop (v2sf)  }
0x1f8: {  	[tilespmem:s9+$0x10E00] =	vst v5;
	s10 =	sadd.s32 $0xFFFFFFFF, s12  }
0x1f9: {  	v8 =	vshra.s32 v8, $0xC;
	v9 =	vld.idx.msk [tilespmem:v6+s4+$0x0], $0xffff;
	v6, _, _ =	vpop (xrf0);
	v5 =	vmov s10  }
0x1fa: {  	v7 =	vor.u32 $0x2, v7;
	v6 =	vbroadcast v6, $0xF;
	vm15 =	vlt.s32 v8, v5  }
0x1fb: {  	v8 =	vsel vm15, v8, v5  }
0x1fc: {  	v8 =	vadd.s32 v6, v8  }
0x1fd: {  	v10 =	vshrl.u32 v8, $0x11  }
0x1fe: {  	[tilespmem:s9+$0x10F00] =	vst v9;
	v9 =	vand.u32 $0x4000, v10  }
0x1ff: {  	v10 =	vld.idx.msk [tilespmem:v7+s4+$0x0], $0xffff;
	v7 =	vadd.s32 v8, v9  }
0x200: {  	v7 =	vshll.u32 v7, $0x2;
	_ =	sdelay $0x3  }
0x201: {  	[tilespmem:s9+$0x11000] =	vst v10  }
0x202: {  	v9 =	vld.idx.msk [tilespmem:v7+s4+$0x0], $0xffff  }
0x203: {  	v8 =	vor.u32 $0x1, v7;
	_ =	sdelay $0x1  }
0x204: {  	s13 =	simm.s32 $0x0;
	s11 =	simm.s32 $0x20  }
0x205: {  	s12 =	sadd.s32 $0x10, s8;
	s10 =	sand.u32 $0xF0, s13;
	s9 =	simm.s32 $0x10  }
.LBB2_29:
0x206: {  	p2 =	sne.s32 s11, $0xF0;
	v10 =	vor.u32 s12, v1;
	[tilespmem:s10+$0x11100] =	vst v9;
	s13 =	smov.u32 s9;
	s9 =	smov.u32 s11  }
0x207: {  	v9 =	vmul.u32 v4, v10;
	v8 =	vld.idx.msk [tilespmem:v8+s4+$0x0], $0xffff;
	_ =	sdelay $0x1  }
0x208: {  	v7 =	vor.u32 $0x2, v7;
	v9 =	vshra.s32 v9, $0xC  }
0x209: {  	vm15 =	vlt.s32 v9, v5  }
0x20a: {  	v9 =	vsel vm15, v9, v5  }
0x20b: {  	v9 =	vadd.s32 v6, v9  }
0x20c: {  	v10 =	vshrl.u32 v9, $0x11;
	[tilespmem:s10+$0x11200] =	vst v8  }
0x20d: {  	v8 =	vand.u32 $0x4000, v10;
	v10 =	vld.idx.msk [tilespmem:v7+s4+$0x0], $0xffff  }
0x20e: {  	v7 =	vadd.s32 v9, v8  }
0x20f: {  	v7 =	vshll.u32 v7, $0x2;
	_ =	sdelay $0x3  }
0x210: {  	[tilespmem:s10+$0x11300] =	vst v10  }
0x211: {  	v9 =	vld.idx.msk [tilespmem:v7+s4+$0x0], $0xffff  }
.Ltmp16:
0x212: {  	(pc) =	sbr.rel @p2 .LBB2_29-.Ltmp16, $2  }
0x213: {  	v8 =	vor.u32 $0x1, v7;
	_ =	sdelay $0x2  }
0x214: {  	s11 =	sadd.s32 $0x10, s11;
	s12 =	sadd.s32 s9, s8;
	s10 =	sand.u32 $0xF0, s13  }
0x215: {  	v10 =	vsel vm12, $0x0, v3  }
0x216: {  	(xrf0) =	vadd.scan.msk.s32 $0xffff, v10;
	_ =	sdelay $0x2  }
0x217: {  	v10 =	vor.u32 s12, v1  }
0x218: {  	v4 =	vmul.u32 v4, v10  }
0x219: {  	[tilespmem:s10+$0x11100] =	vst v9  }
0x21a: {  	v8 =	vld.idx.msk [tilespmem:v8+s4+$0x0], $0xffff;
	v4 =	vshra.s32 v4, $0xC;
	v9, _, _ =	vpop (xrf0)  }
0x21b: {  	v7 =	vor.u32 $0x2, v7;
	vm15 =	vlt.s32 v4, v5;
	(v2sf) =	vpush v9, $0xF  }
0x21c: {  	v4 =	vsel vm15, v4, v5  }
0x21d: {  	v4 =	vadd.s32 v6, v4  }
0x21e: {  	v5 =	vshrl.u32 v4, $0x11  }
0x21f: {  	[tilespmem:s10+$0x11200] =	vst v8;
	v5 =	vand.u32 $0x4000, v5  }
0x220: {  	v6 =	vld.idx.msk [tilespmem:v7+s4+$0x0], $0xffff;
	v4 =	vadd.s32 v4, v5  }
0x221: {  	v7 =	vshll.u32 v4, $0x2;
	_ =	sdelay $0x3  }
0x222: {  	v4 =	vsel vm12, $0x0, v2;
	[tilespmem:s10+$0x11300] =	vst v6  }
0x223: {  	(xrf0) =	vadd.scan.msk.s32 $0xffff, v4;
	v5 =	vld.idx.msk [tilespmem:v7+s4+$0x0], $0xffff  }
0x224: {  	v6 =	vor.u32 $0x1, v7  }
0x225: {  	s11 =	sadd.s32 $0x0, s8;
	v4 =	vbroadcast v9, $0xF  }
0x226: {  	v8 =	vor.u32 s11, v1  }
0x227: {  	s9 =	sand.u32 $0xF0, s9;
	v8 =	vmul.u32 v4, v8;
	s12 =	spop (v2sf)  }
0x228: {  	[tilespmem:s9+$0x11100] =	vst v5;
	s10 =	sadd.s32 $0xFFFFFFFF, s12  }
0x229: {  	v8 =	vshra.s32 v8, $0xC;
	v9 =	vld.idx.msk [tilespmem:v6+s4+$0x0], $0xffff;
	v6, _, _ =	vpop (xrf0);
	v5 =	vmov s10  }
0x22a: {  	v7 =	vor.u32 $0x2, v7;
	v6 =	vbroadcast v6, $0xF;
	vm15 =	vlt.s32 v8, v5  }
0x22b: {  	v8 =	vsel vm15, v8, v5  }
0x22c: {  	v8 =	vadd.s32 v6, v8  }
0x22d: {  	v10 =	vshrl.u32 v8, $0x11  }
0x22e: {  	[tilespmem:s9+$0x11200] =	vst v9;
	v9 =	vand.u32 $0x4000, v10  }
0x22f: {  	v10 =	vld.idx.msk [tilespmem:v7+s4+$0x0], $0xffff;
	v7 =	vadd.s32 v8, v9  }
0x230: {  	v7 =	vshll.u32 v7, $0x2;
	_ =	sdelay $0x3  }
0x231: {  	[tilespmem:s9+$0x11300] =	vst v10  }
0x232: {  	v9 =	vld.idx.msk [tilespmem:v7+s4+$0x0], $0xffff  }
0x233: {  	v8 =	vor.u32 $0x1, v7;
	_ =	sdelay $0x1  }
0x234: {  	s13 =	simm.s32 $0x0;
	s11 =	simm.s32 $0x20  }
0x235: {  	s12 =	sadd.s32 $0x10, s8;
	s10 =	sand.u32 $0xF0, s13;
	s9 =	simm.s32 $0x10  }
.LBB2_31:
0x236: {  	p2 =	sne.s32 s11, $0xF0;
	v10 =	vor.u32 s12, v1;
	[tilespmem:s10+$0x11400] =	vst v9;
	s13 =	smov.u32 s9;
	s9 =	smov.u32 s11  }
0x237: {  	v9 =	vmul.u32 v4, v10;
	v8 =	vld.idx.msk [tilespmem:v8+s4+$0x0], $0xffff;
	_ =	sdelay $0x1  }
0x238: {  	v7 =	vor.u32 $0x2, v7;
	v9 =	vshra.s32 v9, $0xC  }
0x239: {  	vm15 =	vlt.s32 v9, v5  }
0x23a: {  	v9 =	vsel vm15, v9, v5  }
0x23b: {  	v9 =	vadd.s32 v6, v9  }
0x23c: {  	v10 =	vshrl.u32 v9, $0x11;
	[tilespmem:s10+$0x11500] =	vst v8  }
0x23d: {  	v8 =	vand.u32 $0x4000, v10;
	v10 =	vld.idx.msk [tilespmem:v7+s4+$0x0], $0xffff  }
0x23e: {  	v7 =	vadd.s32 v9, v8  }
0x23f: {  	v7 =	vshll.u32 v7, $0x2;
	_ =	sdelay $0x3  }
0x240: {  	[tilespmem:s10+$0x11600] =	vst v10  }
0x241: {  	v9 =	vld.idx.msk [tilespmem:v7+s4+$0x0], $0xffff  }
.Ltmp17:
0x242: {  	(pc) =	sbr.rel @p2 .LBB2_31-.Ltmp17, $2  }
0x243: {  	v8 =	vor.u32 $0x1, v7;
	_ =	sdelay $0x2  }
0x244: {  	s11 =	sadd.s32 $0x10, s11;
	s12 =	sadd.s32 s9, s8;
	s10 =	sand.u32 $0xF0, s13  }
0x245: {  	v10 =	vsel vm13, $0x0, v3  }
0x246: {  	(xrf0) =	vadd.scan.msk.s32 $0xffff, v10;
	_ =	sdelay $0x2  }
0x247: {  	v10 =	vor.u32 s12, v1  }
0x248: {  	v4 =	vmul.u32 v4, v10  }
0x249: {  	[tilespmem:s10+$0x11400] =	vst v9  }
0x24a: {  	v8 =	vld.idx.msk [tilespmem:v8+s4+$0x0], $0xffff;
	v4 =	vshra.s32 v4, $0xC;
	v9, _, _ =	vpop (xrf0)  }
0x24b: {  	v7 =	vor.u32 $0x2, v7;
	vm15 =	vlt.s32 v4, v5;
	(v2sf) =	vpush v9, $0xF  }
0x24c: {  	v4 =	vsel vm15, v4, v5  }
0x24d: {  	v4 =	vadd.s32 v6, v4  }
0x24e: {  	v5 =	vshrl.u32 v4, $0x11  }
0x24f: {  	[tilespmem:s10+$0x11500] =	vst v8;
	v5 =	vand.u32 $0x4000, v5  }
0x250: {  	v6 =	vld.idx.msk [tilespmem:v7+s4+$0x0], $0xffff;
	v4 =	vadd.s32 v4, v5  }
0x251: {  	v7 =	vshll.u32 v4, $0x2;
	_ =	sdelay $0x3  }
0x252: {  	v4 =	vsel vm13, $0x0, v2;
	[tilespmem:s10+$0x11600] =	vst v6  }
0x253: {  	(xrf0) =	vadd.scan.msk.s32 $0xffff, v4;
	v5 =	vld.idx.msk [tilespmem:v7+s4+$0x0], $0xffff  }
0x254: {  	v6 =	vor.u32 $0x1, v7  }
0x255: {  	s11 =	sadd.s32 $0x0, s8;
	v4 =	vbroadcast v9, $0xF  }
0x256: {  	v8 =	vor.u32 s11, v1  }
0x257: {  	s9 =	sand.u32 $0xF0, s9;
	v8 =	vmul.u32 v4, v8;
	s12 =	spop (v2sf)  }
0x258: {  	[tilespmem:s9+$0x11400] =	vst v5;
	s10 =	sadd.s32 $0xFFFFFFFF, s12  }
0x259: {  	v8 =	vshra.s32 v8, $0xC;
	v9 =	vld.idx.msk [tilespmem:v6+s4+$0x0], $0xffff;
	v6, _, _ =	vpop (xrf0);
	v5 =	vmov s10  }
0x25a: {  	v7 =	vor.u32 $0x2, v7;
	v6 =	vbroadcast v6, $0xF;
	vm15 =	vlt.s32 v8, v5  }
0x25b: {  	v8 =	vsel vm15, v8, v5  }
0x25c: {  	v8 =	vadd.s32 v6, v8  }
0x25d: {  	v10 =	vshrl.u32 v8, $0x11  }
0x25e: {  	[tilespmem:s9+$0x11500] =	vst v9;
	v9 =	vand.u32 $0x4000, v10  }
0x25f: {  	v10 =	vld.idx.msk [tilespmem:v7+s4+$0x0], $0xffff;
	v7 =	vadd.s32 v8, v9  }
0x260: {  	v7 =	vshll.u32 v7, $0x2;
	_ =	sdelay $0x3  }
0x261: {  	[tilespmem:s9+$0x11600] =	vst v10  }
0x262: {  	v9 =	vld.idx.msk [tilespmem:v7+s4+$0x0], $0xffff  }
0x263: {  	v8 =	vor.u32 $0x1, v7;
	_ =	sdelay $0x1  }
0x264: {  	s13 =	simm.s32 $0x0;
	s11 =	simm.s32 $0x20  }
0x265: {  	s12 =	sadd.s32 $0x10, s8;
	s10 =	sand.u32 $0xF0, s13;
	s9 =	simm.s32 $0x10  }
.LBB2_33:
0x266: {  	p2 =	sne.s32 s11, $0xF0;
	v10 =	vor.u32 s12, v1;
	[tilespmem:s10+$0x11700] =	vst v9;
	s13 =	smov.u32 s9;
	s9 =	smov.u32 s11  }
0x267: {  	v9 =	vmul.u32 v4, v10;
	v8 =	vld.idx.msk [tilespmem:v8+s4+$0x0], $0xffff;
	_ =	sdelay $0x1  }
0x268: {  	v7 =	vor.u32 $0x2, v7;
	v9 =	vshra.s32 v9, $0xC  }
0x269: {  	vm15 =	vlt.s32 v9, v5  }
0x26a: {  	v9 =	vsel vm15, v9, v5  }
0x26b: {  	v9 =	vadd.s32 v6, v9  }
0x26c: {  	v10 =	vshrl.u32 v9, $0x11;
	[tilespmem:s10+$0x11800] =	vst v8  }
0x26d: {  	v8 =	vand.u32 $0x4000, v10;
	v10 =	vld.idx.msk [tilespmem:v7+s4+$0x0], $0xffff  }
0x26e: {  	v7 =	vadd.s32 v9, v8  }
0x26f: {  	v7 =	vshll.u32 v7, $0x2;
	_ =	sdelay $0x3  }
0x270: {  	[tilespmem:s10+$0x11900] =	vst v10  }
0x271: {  	v9 =	vld.idx.msk [tilespmem:v7+s4+$0x0], $0xffff  }
.Ltmp18:
0x272: {  	(pc) =	sbr.rel @p2 .LBB2_33-.Ltmp18, $2  }
0x273: {  	v8 =	vor.u32 $0x1, v7;
	_ =	sdelay $0x2  }
0x274: {  	s11 =	sadd.s32 $0x10, s11;
	s12 =	sadd.s32 s9, s8;
	s10 =	sand.u32 $0xF0, s13  }
0x275: {  	v3 =	vsel vm14, $0x0, v3  }
0x276: {  	(xrf0) =	vadd.scan.msk.s32 $0xffff, v3;
	_ =	sdelay $0x2  }
0x277: {  	v3 =	vor.u32 s12, v1  }
0x278: {  	v3 =	vmul.u32 v4, v3  }
0x279: {  	[tilespmem:s10+$0x11700] =	vst v9  }
0x27a: {  	v4 =	vld.idx.msk [tilespmem:v8+s4+$0x0], $0xffff;
	v3 =	vshra.s32 v3, $0xC;
	v8, _, _ =	vpop (xrf0)  }
0x27b: {  	v7 =	vor.u32 $0x2, v7;
	vm15 =	vlt.s32 v3, v5;
	(v2sf) =	vpush v8, $0xF  }
0x27c: {  	v3 =	vsel vm15, v3, v5  }
0x27d: {  	v3 =	vadd.s32 v6, v3  }
0x27e: {  	v5 =	vshrl.u32 v3, $0x11  }
0x27f: {  	[tilespmem:s10+$0x11800] =	vst v4;
	v4 =	vand.u32 $0x4000, v5  }
0x280: {  	v5 =	vld.idx.msk [tilespmem:v7+s4+$0x0], $0xffff;
	v3 =	vadd.s32 v3, v4  }
0x281: {  	v4 =	vshll.u32 v3, $0x2;
	_ =	sdelay $0x3  }
0x282: {  	v2 =	vsel vm14, $0x0, v2;
	[tilespmem:s10+$0x11900] =	vst v5  }
0x283: {  	(xrf0) =	vadd.scan.msk.s32 $0xffff, v2;
	v3 =	vld.idx.msk [tilespmem:v4+s4+$0x0], $0xffff  }
0x284: {  	v5 =	vor.u32 $0x1, v4  }
0x285: {  	s11 =	sadd.s32 $0x0, s8;
	v2 =	vbroadcast v8, $0xF  }
0x286: {  	v6 =	vor.u32 s11, v1  }
0x287: {  	s9 =	sand.u32 $0xF0, s9;
	v6 =	vmul.u32 v2, v6;
	s12 =	spop (v2sf)  }
0x288: {  	[tilespmem:s9+$0x11700] =	vst v3;
	s10 =	sadd.s32 $0xFFFFFFFF, s12  }
0x289: {  	v6 =	vshra.s32 v6, $0xC;
	v7, _, _ =	vpop (xrf0);
	v5 =	vld.idx.msk [tilespmem:v5+s4+$0x0], $0xffff;
	v3 =	vmov s10  }
0x28a: {  	v8 =	vor.u32 $0x2, v4;
	v4 =	vbroadcast v7, $0xF;
	vm15 =	vlt.s32 v6, v3  }
0x28b: {  	v6 =	vsel vm15, v6, v3  }
0x28c: {  	v6 =	vadd.s32 v4, v6  }
0x28d: {  	v7 =	vshrl.u32 v6, $0x11  }
0x28e: {  	[tilespmem:s9+$0x11800] =	vst v5;
	v5 =	vand.u32 $0x4000, v7  }
0x28f: {  	v7 =	vld.idx.msk [tilespmem:v8+s4+$0x0], $0xffff;
	v5 =	vadd.s32 v6, v5  }
0x290: {  	v5 =	vshll.u32 v5, $0x2;
	_ =	sdelay $0x3  }
0x291: {  	[tilespmem:s9+$0x11900] =	vst v7  }
0x292: {  	v7 =	vld.idx.msk [tilespmem:v5+s4+$0x0], $0xffff  }
0x293: {  	v6 =	vor.u32 $0x1, v5;
	_ =	sdelay $0x1  }
0x294: {  	s13 =	simm.s32 $0x0;
	s11 =	simm.s32 $0x20  }
0x295: {  	s12 =	sadd.s32 $0x10, s8;
	s10 =	sand.u32 $0xF0, s13;
	s9 =	simm.s32 $0x10  }
.LBB2_35:
0x296: {  	p2 =	sne.s32 s11, $0xF0;
	v8 =	vor.u32 s12, v1;
	[tilespmem:s10+$0x11A00] =	vst v7;
	s13 =	smov.u32 s9;
	s9 =	smov.u32 s11  }
0x297: {  	v7 =	vmul.u32 v2, v8;
	v6 =	vld.idx.msk [tilespmem:v6+s4+$0x0], $0xffff;
	_ =	sdelay $0x1  }
0x298: {  	v5 =	vor.u32 $0x2, v5;
	v7 =	vshra.s32 v7, $0xC  }
0x299: {  	vm15 =	vlt.s32 v7, v3  }
0x29a: {  	v7 =	vsel vm15, v7, v3  }
0x29b: {  	v7 =	vadd.s32 v4, v7  }
0x29c: {  	v8 =	vshrl.u32 v7, $0x11;
	[tilespmem:s10+$0x11B00] =	vst v6  }
0x29d: {  	v6 =	vand.u32 $0x4000, v8;
	v8 =	vld.idx.msk [tilespmem:v5+s4+$0x0], $0xffff  }
0x29e: {  	v5 =	vadd.s32 v7, v6  }
0x29f: {  	v5 =	vshll.u32 v5, $0x2;
	_ =	sdelay $0x3  }
0x2a0: {  	[tilespmem:s10+$0x11C00] =	vst v8  }
0x2a1: {  	v7 =	vld.idx.msk [tilespmem:v5+s4+$0x0], $0xffff  }
.Ltmp19:
0x2a2: {  	(pc) =	sbr.rel @p2 .LBB2_35-.Ltmp19, $2  }
0x2a3: {  	v6 =	vor.u32 $0x1, v5;
	_ =	sdelay $0x2  }
0x2a4: {  	s11 =	sadd.s32 $0x10, s11;
	s12 =	sadd.s32 s9, s8;
	s10 =	sand.u32 $0xF0, s13  }
.Ltmp20:
0x2a5: {  	_ = 	snop;
	(pc) =	sbr.rel .LBB2_36-.Ltmp20, $1  }
0x2a6: {  	_ =	sdelay $0x3  }
.LBB2_38:
0x2a7: {  	_ =	sfence.sel $0x180000  }
0x2a8: {  	[bflag:$0x0] =	sbarrier.arrive $0xFFFF  }
0x2a9: {  	_ =	strace $0x90000047  }
0x2aa: {  	s0 =	stileid.u32;
	[bflag:$0x2] =	sbarrier.arrive $0xFFFF  }
0x2ab: {  	p0 =	sne.s32 s0, $0x0;
	s0 =	rddreg [dreg:$0x4]  }
0x2ac: {  	s0 =	sadd.s32 @!p0 $0x100000, s0  }
0x2ad: {  	[sflag:s0] =	ssyncadd.tile.s32 @!p0 $0x1;
	_ =	shalt  }
.Lfunc_end2:
_tile_overlayer_lowered:
.L_overlay_start_2:
0x2ae: {  	(tag) =	ssettag $0x2  }
0x2af: {  	s0 =	rddreg [dreg:$0x0];
	s2 =	stileid.u32  }
0x2b0: {  	s1 =	rddreg [dreg:$0x1];
	p0 =	sne.s32 s2, $0x0  }
0x2b1: {  	s3 =	rddreg [dreg:$0x2];
	[bflag:$0x3] =	sbarrier.arrive $0xFFFF;
	s2 =	simm.s32 @!p0 $0x1C01  }
0x2b2: {  	[timem:s3], [sflag:s2] =	dma.local @!p0 [hbm:s0], s1  }
0x2b3: {  	s0 =	simm.s32 @!p0 $0x1  }
0x2b4: {  	_ =	swait.ge @!p0 [sflag:s0], s1  }
0x2b5: {  	s1 =	ssub.s32 @!p0 $0x0, s1;
	[sflag:s0] =	ssyncset.done @!p0 $0x0  }
0x2b6: {  	[sflag:s0] =	ssyncadd.s32 @!p0 s1  }
0x2b7: {  	[bflag:$0x3] =	sbarrier.arrive $0xFFFF  }
0x2b8: {  	_ =	shalt  }

</sc_bundles>
